<compile_context>
chip_gen: v7x
topology: tpu7x:2x2x1
jax: 0.10.2.dev20260603
libtpu: 0.0.44.dev20260713+nightly
codegen_flags: <defaults>
</compile_context>

<pallas_src>
import functools

import jax
import jax.numpy as jnp
from jax import lax
from jax.experimental import pallas as pl
from jax.experimental.pallas import tpu as pltpu
from jax.experimental.pallas import tpu_sc as plsc

LAT, LON, NQ = 1801, 3600, 1048576
NC, NS, L = 2, 16, 16
NW = NC * NS
QPW = NQ // NW
CH = 4096
NCH = QPW // CH


def _buf_set():
    return (
        [pltpu.VMEM((CH,), jnp.float32)] * 2
        + [pltpu.VMEM((CH,), jnp.int32)] * 4
        + [pltpu.VMEM((CH,), jnp.float32)] * 2
        + [pltpu.VMEM((CH,), jnp.float32)] * 4
    )


def _make_interp():
    mesh = plsc.VectorSubcoreMesh(core_axis_name="c", subcore_axis_name="s")

    @functools.partial(
        pl.kernel,
        out_type=jax.ShapeDtypeStruct((NQ,), jnp.float32),
        mesh=mesh,
        scratch_types=[
            _buf_set(),
            _buf_set(),
            pltpu.VMEM((CH,), jnp.float32),
            pltpu.SemaphoreType.DMA,
            pltpu.SemaphoreType.DMA,
        ],
    )
    def interp(values, qlat, qlon, out, bufs_a, bufs_b, res_v, sem_a, sem_b):
        wid = lax.axis_index("s") * NC + lax.axis_index("c")
        base = wid * QPW

        def prep(c, bufs):
            xq_v, yq_v, i00_v, i01_v, i10_v, i11_v, t_v, u_v = bufs[:8]
            off = base + c * CH
            pltpu.sync_copy(qlat.at[pl.ds(off, CH)], xq_v)
            pltpu.sync_copy(qlon.at[pl.ds(off, CH)], yq_v)

            @pl.loop(0, CH // L, unroll=4)
            def _idx(kv):
                s = pl.ds(kv * L, L)
                fx = (xq_v[s] + 90.0) * 10.0
                fy = (yq_v[s] + 180.0) * 10.0
                ix = jnp.minimum(fx.astype(jnp.int32), LAT - 2)
                jy = jnp.minimum(fy.astype(jnp.int32), LON - 1)
                t_v[s] = fx - ix.astype(jnp.float32)
                u_v[s] = fy - jy.astype(jnp.float32)
                f00 = ix * LON + jy
                f01 = jnp.where(jy == LON - 1, ix * LON, f00 + 1)
                i00_v[s] = f00
                i01_v[s] = f01
                i10_v[s] = f00 + LON
                i11_v[s] = f01 + LON

        def copies(bufs, sem):
            i00_v, i01_v, i10_v, i11_v = bufs[2:6]
            g00_v, g01_v, g10_v, g11_v = bufs[8:12]
            return (
                pltpu.make_async_copy(values.at[i00_v], g00_v, sem),
                pltpu.make_async_copy(values.at[i01_v], g01_v, sem),
                pltpu.make_async_copy(values.at[i10_v], g10_v, sem),
                pltpu.make_async_copy(values.at[i11_v], g11_v, sem),
            )

        def fire(bufs, sem):
            for cp in copies(bufs, sem):
                cp.start()

        def drain(c, bufs, sem):
            for cp in copies(bufs, sem):
                cp.wait()
            t_v, u_v = bufs[6:8]
            g00_v, g01_v, g10_v, g11_v = bufs[8:12]

            @pl.loop(0, CH // L, unroll=4)
            def _blend(kv):
                s = pl.ds(kv * L, L)
                t = t_v[s]
                u = u_v[s]
                res_v[s] = ((1.0 - t) * (1.0 - u) * g00_v[s]
                            + (1.0 - t) * u * g01_v[s]
                            + t * (1.0 - u) * g10_v[s]
                            + t * u * g11_v[s])

            pltpu.sync_copy(res_v, out.at[pl.ds(base + c * CH, CH)])

        prep(0, bufs_a)
        fire(bufs_a, sem_a)

        @pl.loop(0, NCH // 2)
        def _steady(h):
            c0 = 2 * h
            prep(c0 + 1, bufs_b)
            fire(bufs_b, sem_b)
            drain(c0, bufs_a, sem_a)

            @pl.when(h < NCH // 2 - 1)
            def _refill():
                prep(c0 + 2, bufs_a)
                fire(bufs_a, sem_a)

            drain(c0 + 1, bufs_b, sem_b)

    return interp


_interp = _make_interp()


def kernel(values, grid_latitude, grid_longitude, query_latitude, query_longitude):
    del grid_latitude, grid_longitude
    return _interp(values.reshape(LAT * LON), query_latitude, query_longitude)

# --- scband reference (transcript-rebuilt; emitter-appended) ---
"""Pipeline reference for scband-spatial-1838246003397 (READ-ONLY COPY).

The authoritative reference and input builder live on the scoring server;
editing this copy changes nothing except your own understanding.
"""

import jax, jax.numpy as jnp
import numpy as np

LAT, LON, NQ = 1801, 3600, 1048576

def setup_inputs(seed: int = 0) -> dict:
    key = jax.random.key(seed)
    k1, k2, k3 = jax.random.split(key, 3)
    values = jax.random.normal(k1, (LAT, LON), dtype=jnp.float32)
    grid_latitude = jnp.linspace(-90.0, 90.0, LAT, dtype=jnp.float32)
    grid_longitude = jnp.linspace(-180.0, 180.0, LON, endpoint=False, dtype=jnp.float32)
    query_latitude = jax.random.uniform(k2, (NQ,), minval=-90.0, maxval=90.0, dtype=jnp.float32)
    query_longitude = jax.random.uniform(k3, (NQ,), minval=-180.0, maxval=180.0, dtype=jnp.float32)
    return {
        'values': values,
        'grid_latitude': grid_latitude,
        'grid_longitude': grid_longitude,
        'query_latitude': query_latitude,
        'query_longitude': query_longitude,
    }

def reference(values, grid_latitude, grid_longitude, query_latitude, query_longitude):
    # Mirrors Spatial.from_array(..., method='linear', extrap=True, period=(None, 360))
    # followed by interp_spatial(lat, lon): longitude shifted by +180 on both grid and queries.
    xg = grid_latitude
    yg = grid_longitude + 180.0
    xq = query_latitude
    yq = query_longitude + 180.0
    n = xg.shape[0]
    m = yg.shape[0]
    # latitude axis: linear interpolation with linear extrapolation beyond range
    i = jnp.clip(jnp.searchsorted(xg, xq, side='right') - 1, 0, n - 2)
    x1 = jnp.take(xg, i)
    x2 = jnp.take(xg, i + 1)
    t = (xq - x1) / (x2 - x1)
    # longitude axis: periodic with period 360
    y0 = yg[0]
    yq_w = y0 + jnp.mod(yq - y0, 360.0)
    j = jnp.clip(jnp.searchsorted(yg, yq_w, side='right') - 1, 0, m - 1)
    jp = jnp.mod(j + 1, m)
    ylo = jnp.take(yg, j)
    yhi = jnp.take(yg, jp) + jnp.where(j == m - 1, 360.0, 0.0)
    u = (yq_w - ylo) / (yhi - ylo)
    # gather 4 corners (memory-bound)
    v00 = values[i, j]
    v01 = values[i, jp]
    v10 = values[i + 1, j]
    v11 = values[i + 1, jp]
    out = ((1.0 - t) * (1.0 - u) * v00
           + (1.0 - t) * u * v01
           + t * (1.0 - u) * v10
           + t * u * v11)
    return out

if __name__ == "__main__":
    import jax
    _d = setup_inputs()
    print(jax.jit(kernel)(*tuple(_d.values())))

</pallas_src>

<mosaic_0001>
#map = affine_map<(d0, d1) -> (0)>
module attributes {stable_mosaic.version = 14 : i64} {
  func.func @interp(%arg0: i32, %arg1: i32, %arg2: memref<6483600xf32, #tpu.memory_space<hbm>>, %arg3: memref<1048576xf32, #tpu.memory_space<hbm>>, %arg4: memref<1048576xf32, #tpu.memory_space<hbm>>, %arg5: memref<1048576xf32, #tpu.memory_space<hbm>>, %arg6: memref<4096xf32, #tpu.memory_space<vmem>>, %arg7: memref<4096xf32, #tpu.memory_space<vmem>>, %arg8: memref<4096xi32, #tpu.memory_space<vmem>>, %arg9: memref<4096xi32, #tpu.memory_space<vmem>>, %arg10: memref<4096xi32, #tpu.memory_space<vmem>>, %arg11: memref<4096xi32, #tpu.memory_space<vmem>>, %arg12: memref<4096xf32, #tpu.memory_space<vmem>>, %arg13: memref<4096xf32, #tpu.memory_space<vmem>>, %arg14: memref<4096xf32, #tpu.memory_space<vmem>>, %arg15: memref<4096xf32, #tpu.memory_space<vmem>>, %arg16: memref<4096xf32, #tpu.memory_space<vmem>>, %arg17: memref<4096xf32, #tpu.memory_space<vmem>>, %arg18: memref<4096xf32, #tpu.memory_space<vmem>>, %arg19: memref<4096xf32, #tpu.memory_space<vmem>>, %arg20: memref<4096xi32, #tpu.memory_space<vmem>>, %arg21: memref<4096xi32, #tpu.memory_space<vmem>>, %arg22: memref<4096xi32, #tpu.memory_space<vmem>>, %arg23: memref<4096xi32, #tpu.memory_space<vmem>>, %arg24: memref<4096xf32, #tpu.memory_space<vmem>>, %arg25: memref<4096xf32, #tpu.memory_space<vmem>>, %arg26: memref<4096xf32, #tpu.memory_space<vmem>>, %arg27: memref<4096xf32, #tpu.memory_space<vmem>>, %arg28: memref<4096xf32, #tpu.memory_space<vmem>>, %arg29: memref<4096xf32, #tpu.memory_space<vmem>>, %arg30: memref<4096xf32, #tpu.memory_space<vmem>>, %arg31: memref<!tpu.dma_semaphore, #tpu.memory_space<semaphore_mem>>, %arg32: memref<!tpu.dma_semaphore, #tpu.memory_space<semaphore_mem>>) attributes {dimension_semantics = [#tpu.dimension_semantics<core_parallel>, #tpu.dimension_semantics<subcore_parallel>], iteration_bounds = array<i64: 2, 16>, scalar_prefetch = 0 : i64, scratch_operands = 27 : i64, tpu.core_type = #tpu.core_type<sc_vector_subcore>, window_params = [{transform_indices = #map}, {transform_indices = #map}, {transform_indices = #map}, {transform_indices = #map}]} {
    %mul3A = arith.constant 2 : i32
    %mul3A_0 = arith.muli %arg1, %mul3A : i32
    %add3A = arith.addi %mul3A_0, %arg0 : i32
    %mul3A_1 = arith.constant 32768 : i32
    %mul3A_2 = arith.muli %add3A, %mul3A_1 : i32
    %add3A_3 = arith.constant 0 : i32
    %add3A_4 = arith.addi %mul3A_2, %add3A_3 : i32
    "tpu.region"() ({
      %run_scoped3A = tpu.sem_alloc : memref<!tpu.dma_semaphore, #tpu.memory_space<semaphore_mem>>
      %dma_start3A_21 = tpu.memref_slice %arg3[%add3A_4] : memref<1048576xf32, #tpu.memory_space<hbm>> -> memref<4096xf32, #tpu.memory_space<hbm>>
      %dma_start3A_22 = tpu.memref_slice %arg3[%add3A_4] : memref<1048576xf32, #tpu.memory_space<hbm>> -> memref<4096xf32, #tpu.memory_space<hbm>>
      tpu.enqueue_dma source(%dma_start3A_22 : memref<4096xf32, #tpu.memory_space<hbm>>) target(%arg6 : memref<4096xf32, #tpu.memory_space<vmem>>) target_semaphore(%run_scoped3A : memref<!tpu.dma_semaphore, #tpu.memory_space<semaphore_mem>>)
      %dma_wait3A = tpu.memref_slice %arg3[%add3A_4] : memref<1048576xf32, #tpu.memory_space<hbm>> -> memref<4096xf32, #tpu.memory_space<hbm>>
      %dma_wait3A_23 = tpu.memref_slice %arg3[%add3A_4] : memref<1048576xf32, #tpu.memory_space<hbm>> -> memref<4096xf32, #tpu.memory_space<hbm>>
      tpu.wait_dma2 semaphore(%run_scoped3A : memref<!tpu.dma_semaphore, #tpu.memory_space<semaphore_mem>>) src(%dma_wait3A_23 : memref<4096xf32, #tpu.memory_space<hbm>>) dst(%arg6 : memref<4096xf32, #tpu.memory_space<vmem>>)
      tpu.yield
    }) : () -> ()
    "tpu.region"() ({
      %run_scoped3A = tpu.sem_alloc : memref<!tpu.dma_semaphore, #tpu.memory_space<semaphore_mem>>
      %dma_start3A_21 = tpu.memref_slice %arg4[%add3A_4] : memref<1048576xf32, #tpu.memory_space<hbm>> -> memref<4096xf32, #tpu.memory_space<hbm>>
      %dma_start3A_22 = tpu.memref_slice %arg4[%add3A_4] : memref<1048576xf32, #tpu.memory_space<hbm>> -> memref<4096xf32, #tpu.memory_space<hbm>>
      tpu.enqueue_dma source(%dma_start3A_22 : memref<4096xf32, #tpu.memory_space<hbm>>) target(%arg7 : memref<4096xf32, #tpu.memory_space<vmem>>) target_semaphore(%run_scoped3A : memref<!tpu.dma_semaphore, #tpu.memory_space<semaphore_mem>>)
      %dma_wait3A = tpu.memref_slice %arg4[%add3A_4] : memref<1048576xf32, #tpu.memory_space<hbm>> -> memref<4096xf32, #tpu.memory_space<hbm>>
      %dma_wait3A_23 = tpu.memref_slice %arg4[%add3A_4] : memref<1048576xf32, #tpu.memory_space<hbm>> -> memref<4096xf32, #tpu.memory_space<hbm>>
      tpu.wait_dma2 semaphore(%run_scoped3A : memref<!tpu.dma_semaphore, #tpu.memory_space<semaphore_mem>>) src(%dma_wait3A_23 : memref<4096xf32, #tpu.memory_space<hbm>>) dst(%arg7 : memref<4096xf32, #tpu.memory_space<vmem>>)
      tpu.yield
    }) : () -> ()
    %scan3A = arith.constant 0 : i32
    %scan3A_5 = arith.constant 256 : i32
    %scan3A_6 = arith.addi %scan3A, %scan3A_5 : i32
    %scan3A_7 = arith.constant 4 : i32
    scf.for %scan3A_21 = %scan3A to %scan3A_6 step %scan3A_7  : i32 {
      %mul3A_22 = arith.constant 1 : i32
      %mul3A_23 = arith.muli %scan3A_21, %mul3A_22 : i32
      %add3A_24 = arith.constant 0 : i32
      %add3A_25 = arith.addi %add3A_24, %mul3A_23 : i32
      %mul3A_26 = arith.constant 16 : i32
      %mul3A_27 = arith.muli %add3A_25, %mul3A_26 : i32
      %get3A = arith.index_cast %mul3A_27 : i32 to index
      %get3A_28 = tpu.vector_load %arg6[%get3A] {strides = array<i32>} : memref<4096xf32, #tpu.memory_space<vmem>>, vector<16xf32>,
      %get3A_29 = vector.shape_cast %get3A_28 : vector<16xf32> to vector<16xf32>
      %add3A_30 = arith.constant 9.000000e+01 : f32
      %add3A_31 = vector.broadcast %add3A_30 : f32 to vector<16xf32>
      %add3A_32 = arith.addf %get3A_29, %add3A_31 : vector<16xf32>
      %mul3A_33 = arith.constant 1.000000e+01 : f32
      %mul3A_34 = vector.broadcast %mul3A_33 : f32 to vector<16xf32>
      %mul3A_35 = arith.mulf %add3A_32, %mul3A_34 : vector<16xf32>
      %get3A_36 = arith.index_cast %mul3A_27 : i32 to index
      %get3A_37 = tpu.vector_load %arg7[%get3A_36] {strides = array<i32>} : memref<4096xf32, #tpu.memory_space<vmem>>, vector<16xf32>,
      %get3A_38 = vector.shape_cast %get3A_37 : vector<16xf32> to vector<16xf32>
      %add3A_39 = arith.constant 1.800000e+02 : f32
      %add3A_40 = vector.broadcast %add3A_39 : f32 to vector<16xf32>
      %add3A_41 = arith.addf %get3A_38, %add3A_40 : vector<16xf32>
      %mul3A_42 = arith.constant 1.000000e+01 : f32
      %mul3A_43 = vector.broadcast %mul3A_42 : f32 to vector<16xf32>
      %mul3A_44 = arith.mulf %add3A_41, %mul3A_43 : vector<16xf32>
      %convert_element_type3A = arith.fptosi %mul3A_35 : vector<16xf32> to vector<16xi32>
      %min3A = arith.constant 1799 : i32
      %min3A_45 = vector.broadcast %min3A : i32 to vector<16xi32>
      %min3A_46 = arith.minsi %convert_element_type3A, %min3A_45 : vector<16xi32>
      %convert_element_type3A_47 = arith.fptosi %mul3A_44 : vector<16xf32> to vector<16xi32>
      %min3A_48 = arith.constant 3599 : i32
      %min3A_49 = vector.broadcast %min3A_48 : i32 to vector<16xi32>
      %min3A_50 = arith.minsi %convert_element_type3A_47, %min3A_49 : vector<16xi32>
      %convert_element_type3A_51 = arith.sitofp %min3A_46 : vector<16xi32> to vector<16xf32>
      %sub3A = arith.subf %mul3A_35, %convert_element_type3A_51 : vector<16xf32>
      %swap3A = arith.index_cast %mul3A_27 : i32 to index
      %swap3A_52 = tpu.vector_load %arg12[%swap3A] {strides = array<i32>} : memref<4096xf32, #tpu.memory_space<vmem>>, vector<16xf32>,
      %swap3A_53 = vector.shape_cast %swap3A_52 : vector<16xf32> to vector<16xf32>
      %swap3A_54 = vector.shape_cast %sub3A : vector<16xf32> to vector<16xf32>
      tpu.vector_store %arg12[%swap3A], %swap3A_54 {strides = array<i32>} : memref<4096xf32, #tpu.memory_space<vmem>>, vector<16xf32>,
      %convert_element_type3A_55 = arith.sitofp %min3A_50 : vector<16xi32> to vector<16xf32>
      %sub3A_56 = arith.subf %mul3A_44, %convert_element_type3A_55 : vector<16xf32>
      %swap3A_57 = arith.index_cast %mul3A_27 : i32 to index
      %swap3A_58 = tpu.vector_load %arg13[%swap3A_57] {strides = array<i32>} : memref<4096xf32, #tpu.memory_space<vmem>>, vector<16xf32>,
      %swap3A_59 = vector.shape_cast %swap3A_58 : vector<16xf32> to vector<16xf32>
      %swap3A_60 = vector.shape_cast %sub3A_56 : vector<16xf32> to vector<16xf32>
      tpu.vector_store %arg13[%swap3A_57], %swap3A_60 {strides = array<i32>} : memref<4096xf32, #tpu.memory_space<vmem>>, vector<16xf32>,
      %mul3A_61 = arith.constant 3600 : i32
      %mul3A_62 = vector.broadcast %mul3A_61 : i32 to vector<16xi32>
      %mul3A_63 = arith.muli %min3A_46, %mul3A_62 : vector<16xi32>
      %add3A_64 = arith.addi %mul3A_63, %min3A_50 : vector<16xi32>
      %eq3A = arith.constant 3599 : i32
      %eq3A_65 = vector.broadcast %eq3A : i32 to vector<16xi32>
      %eq3A_66 = arith.cmpi eq, %min3A_50, %eq3A_65 : vector<16xi32>
      %mul3A_67 = arith.constant 3600 : i32
      %mul3A_68 = vector.broadcast %mul3A_67 : i32 to vector<16xi32>
      %mul3A_69 = arith.muli %min3A_46, %mul3A_68 : vector<16xi32>
      %add3A_70 = arith.constant 1 : i32
      %add3A_71 = vector.broadcast %add3A_70 : i32 to vector<16xi32>
      %add3A_72 = arith.addi %add3A_64, %add3A_71 : vector<16xi32>
      %select_n3A = arith.select %eq3A_66, %mul3A_69, %add3A_72 : vector<16xi1>, vector<16xi32>
      %swap3A_73 = arith.index_cast %mul3A_27 : i32 to index
      %swap3A_74 = tpu.vector_load %arg8[%swap3A_73] {strides = array<i32>} : memref<4096xi32, #tpu.memory_space<vmem>>, vector<16xi32>,
      %swap3A_75 = vector.shape_cast %swap3A_74 : vector<16xi32> to vector<16xi32>
      %swap3A_76 = vector.shape_cast %add3A_64 : vector<16xi32> to vector<16xi32>
      tpu.vector_store %arg8[%swap3A_73], %swap3A_76 {strides = array<i32>} : memref<4096xi32, #tpu.memory_space<vmem>>, vector<16xi32>,
      %swap3A_77 = arith.index_cast %mul3A_27 : i32 to index
      %swap3A_78 = tpu.vector_load %arg9[%swap3A_77] {strides = array<i32>} : memref<4096xi32, #tpu.memory_space<vmem>>, vector<16xi32>,
      %swap3A_79 = vector.shape_cast %swap3A_78 : vector<16xi32> to vector<16xi32>
      %swap3A_80 = vector.shape_cast %select_n3A : vector<16xi32> to vector<16xi32>
      tpu.vector_store %arg9[%swap3A_77], %swap3A_80 {strides = array<i32>} : memref<4096xi32, #tpu.memory_space<vmem>>, vector<16xi32>,
      %add3A_81 = arith.constant 3600 : i32
      %add3A_82 = vector.broadcast %add3A_81 : i32 to vector<16xi32>
      %add3A_83 = arith.addi %add3A_64, %add3A_82 : vector<16xi32>
      %swap3A_84 = arith.index_cast %mul3A_27 : i32 to index
      %swap3A_85 = tpu.vector_load %arg10[%swap3A_84] {strides = array<i32>} : memref<4096xi32, #tpu.memory_space<vmem>>, vector<16xi32>,
      %swap3A_86 = vector.shape_cast %swap3A_85 : vector<16xi32> to vector<16xi32>
      %swap3A_87 = vector.shape_cast %add3A_83 : vector<16xi32> to vector<16xi32>
      tpu.vector_store %arg10[%swap3A_84], %swap3A_87 {strides = array<i32>} : memref<4096xi32, #tpu.memory_space<vmem>>, vector<16xi32>,
      %add3A_88 = arith.constant 3600 : i32
      %add3A_89 = vector.broadcast %add3A_88 : i32 to vector<16xi32>
      %add3A_90 = arith.addi %select_n3A, %add3A_89 : vector<16xi32>
      %swap3A_91 = arith.index_cast %mul3A_27 : i32 to index
      %swap3A_92 = tpu.vector_load %arg11[%swap3A_91] {strides = array<i32>} : memref<4096xi32, #tpu.memory_space<vmem>>, vector<16xi32>,
      %swap3A_93 = vector.shape_cast %swap3A_92 : vector<16xi32> to vector<16xi32>
      %swap3A_94 = vector.shape_cast %add3A_90 : vector<16xi32> to vector<16xi32>
      tpu.vector_store %arg11[%swap3A_91], %swap3A_94 {strides = array<i32>} : memref<4096xi32, #tpu.memory_space<vmem>>, vector<16xi32>,
      %scan3A_95 = arith.constant 1 : i32
      %scan3A_96 = arith.addi %scan3A_21, %scan3A_95 : i32
      %mul3A_97 = arith.constant 1 : i32
      %mul3A_98 = arith.muli %scan3A_96, %mul3A_97 : i32
      %add3A_99 = arith.constant 0 : i32
      %add3A_100 = arith.addi %add3A_99, %mul3A_98 : i32
      %mul3A_101 = arith.constant 16 : i32
      %mul3A_102 = arith.muli %add3A_100, %mul3A_101 : i32
      %get3A_103 = arith.index_cast %mul3A_102 : i32 to index
      %get3A_104 = tpu.vector_load %arg6[%get3A_103] {strides = array<i32>} : memref<4096xf32, #tpu.memory_space<vmem>>, vector<16xf32>,
      %get3A_105 = vector.shape_cast %get3A_104 : vector<16xf32> to vector<16xf32>
      %add3A_106 = arith.constant 9.000000e+01 : f32
      %add3A_107 = vector.broadcast %add3A_106 : f32 to vector<16xf32>
      %add3A_108 = arith.addf %get3A_105, %add3A_107 : vector<16xf32>
      %mul3A_109 = arith.constant 1.000000e+01 : f32
      %mul3A_110 = vector.broadcast %mul3A_109 : f32 to vector<16xf32>
      %mul3A_111 = arith.mulf %add3A_108, %mul3A_110 : vector<16xf32>
      %get3A_112 = arith.index_cast %mul3A_102 : i32 to index
      %get3A_113 = tpu.vector_load %arg7[%get3A_112] {strides = array<i32>} : memref<4096xf32, #tpu.memory_space<vmem>>, vector<16xf32>,
      %get3A_114 = vector.shape_cast %get3A_113 : vector<16xf32> to vector<16xf32>
      %add3A_115 = arith.constant 1.800000e+02 : f32
      %add3A_116 = vector.broadcast %add3A_115 : f32 to vector<16xf32>
      %add3A_117 = arith.addf %get3A_114, %add3A_116 : vector<16xf32>
      %mul3A_118 = arith.constant 1.000000e+01 : f32
      %mul3A_119 = vector.broadcast %mul3A_118 : f32 to vector<16xf32>
      %mul3A_120 = arith.mulf %add3A_117, %mul3A_119 : vector<16xf32>
      %convert_element_type3A_121 = arith.fptosi %mul3A_111 : vector<16xf32> to vector<16xi32>
      %min3A_122 = arith.constant 1799 : i32
      %min3A_123 = vector.broadcast %min3A_122 : i32 to vector<16xi32>
      %min3A_124 = arith.minsi %convert_element_type3A_121, %min3A_123 : vector<16xi32>
      %convert_element_type3A_125 = arith.fptosi %mul3A_120 : vector<16xf32> to vector<16xi32>
      %min3A_126 = arith.constant 3599 : i32
      %min3A_127 = vector.broadcast %min3A_126 : i32 to vector<16xi32>
      %min3A_128 = arith.minsi %convert_element_type3A_125, %min3A_127 : vector<16xi32>
      %convert_element_type3A_129 = arith.sitofp %min3A_124 : vector<16xi32> to vector<16xf32>
      %sub3A_130 = arith.subf %mul3A_111, %convert_element_type3A_129 : vector<16xf32>
      %swap3A_131 = arith.index_cast %mul3A_102 : i32 to index
      %swap3A_132 = tpu.vector_load %arg12[%swap3A_131] {strides = array<i32>} : memref<4096xf32, #tpu.memory_space<vmem>>, vector<16xf32>,
      %swap3A_133 = vector.shape_cast %swap3A_132 : vector<16xf32> to vector<16xf32>
      %swap3A_134 = vector.shape_cast %sub3A_130 : vector<16xf32> to vector<16xf32>
      tpu.vector_store %arg12[%swap3A_131], %swap3A_134 {strides = array<i32>} : memref<4096xf32, #tpu.memory_space<vmem>>, vector<16xf32>,
      %convert_element_type3A_135 = arith.sitofp %min3A_128 : vector<16xi32> to vector<16xf32>
      %sub3A_136 = arith.subf %mul3A_120, %convert_element_type3A_135 : vector<16xf32>
      %swap3A_137 = arith.index_cast %mul3A_102 : i32 to index
      %swap3A_138 = tpu.vector_load %arg13[%swap3A_137] {strides = array<i32>} : memref<4096xf32, #tpu.memory_space<vmem>>, vector<16xf32>,
      %swap3A_139 = vector.shape_cast %swap3A_138 : vector<16xf32> to vector<16xf32>
      %swap3A_140 = vector.shape_cast %sub3A_136 : vector<16xf32> to vector<16xf32>
      tpu.vector_store %arg13[%swap3A_137], %swap3A_140 {strides = array<i32>} : memref<4096xf32, #tpu.memory_space<vmem>>, vector<16xf32>,
      %mul3A_141 = arith.constant 3600 : i32
      %mul3A_142 = vector.broadcast %mul3A_141 : i32 to vector<16xi32>
      %mul3A_143 = arith.muli %min3A_124, %mul3A_142 : vector<16xi32>
      %add3A_144 = arith.addi %mul3A_143, %min3A_128 : vector<16xi32>
      %eq3A_145 = arith.constant 3599 : i32
      %eq3A_146 = vector.broadcast %eq3A_145 : i32 to vector<16xi32>
      %eq3A_147 = arith.cmpi eq, %min3A_128, %eq3A_146 : vector<16xi32>
      %mul3A_148 = arith.constant 3600 : i32
      %mul3A_149 = vector.broadcast %mul3A_148 : i32 to vector<16xi32>
      %mul3A_150 = arith.muli %min3A_124, %mul3A_149 : vector<16xi32>
      %add3A_151 = arith.constant 1 : i32
      %add3A_152 = vector.broadcast %add3A_151 : i32 to vector<16xi32>
      %add3A_153 = arith.addi %add3A_144, %add3A_152 : vector<16xi32>
      %select_n3A_154 = arith.select %eq3A_147, %mul3A_150, %add3A_153 : vector<16xi1>, vector<16xi32>
      %swap3A_155 = arith.index_cast %mul3A_102 : i32 to index
      %swap3A_156 = tpu.vector_load %arg8[%swap3A_155] {strides = array<i32>} : memref<4096xi32, #tpu.memory_space<vmem>>, vector<16xi32>,
      %swap3A_157 = vector.shape_cast %swap3A_156 : vector<16xi32> to vector<16xi32>
      %swap3A_158 = vector.shape_cast %add3A_144 : vector<16xi32> to vector<16xi32>
      tpu.vector_store %arg8[%swap3A_155], %swap3A_158 {strides = array<i32>} : memref<4096xi32, #tpu.memory_space<vmem>>, vector<16xi32>,
      %swap3A_159 = arith.index_cast %mul3A_102 : i32 to index
      %swap3A_160 = tpu.vector_load %arg9[%swap3A_159] {strides = array<i32>} : memref<4096xi32, #tpu.memory_space<vmem>>, vector<16xi32>,
      %swap3A_161 = vector.shape_cast %swap3A_160 : vector<16xi32> to vector<16xi32>
      %swap3A_162 = vector.shape_cast %select_n3A_154 : vector<16xi32> to vector<16xi32>
      tpu.vector_store %arg9[%swap3A_159], %swap3A_162 {strides = array<i32>} : memref<4096xi32, #tpu.memory_space<vmem>>, vector<16xi32>,
      %add3A_163 = arith.constant 3600 : i32
      %add3A_164 = vector.broadcast %add3A_163 : i32 to vector<16xi32>
      %add3A_165 = arith.addi %add3A_144, %add3A_164 : vector<16xi32>
      %swap3A_166 = arith.index_cast %mul3A_102 : i32 to index
      %swap3A_167 = tpu.vector_load %arg10[%swap3A_166] {strides = array<i32>} : memref<4096xi32, #tpu.memory_space<vmem>>, vector<16xi32>,
      %swap3A_168 = vector.shape_cast %swap3A_167 : vector<16xi32> to vector<16xi32>
      %swap3A_169 = vector.shape_cast %add3A_165 : vector<16xi32> to vector<16xi32>
      tpu.vector_store %arg10[%swap3A_166], %swap3A_169 {strides = array<i32>} : memref<4096xi32, #tpu.memory_space<vmem>>, vector<16xi32>,
      %add3A_170 = arith.constant 3600 : i32
      %add3A_171 = vector.broadcast %add3A_170 : i32 to vector<16xi32>
      %add3A_172 = arith.addi %select_n3A_154, %add3A_171 : vector<16xi32>
      %swap3A_173 = arith.index_cast %mul3A_102 : i32 to index
      %swap3A_174 = tpu.vector_load %arg11[%swap3A_173] {strides = array<i32>} : memref<4096xi32, #tpu.memory_space<vmem>>, vector<16xi32>,
      %swap3A_175 = vector.shape_cast %swap3A_174 : vector<16xi32> to vector<16xi32>
      %swap3A_176 = vector.shape_cast %add3A_172 : vector<16xi32> to vector<16xi32>
      tpu.vector_store %arg11[%swap3A_173], %swap3A_176 {strides = array<i32>} : memref<4096xi32, #tpu.memory_space<vmem>>, vector<16xi32>,
      %scan3A_177 = arith.constant 2 : i32
      %scan3A_178 = arith.addi %scan3A_21, %scan3A_177 : i32
      %mul3A_179 = arith.constant 1 : i32
      %mul3A_180 = arith.muli %scan3A_178, %mul3A_179 : i32
      %add3A_181 = arith.constant 0 : i32
      %add3A_182 = arith.addi %add3A_181, %mul3A_180 : i32
      %mul3A_183 = arith.constant 16 : i32
      %mul3A_184 = arith.muli %add3A_182, %mul3A_183 : i32
      %get3A_185 = arith.index_cast %mul3A_184 : i32 to index
      %get3A_186 = tpu.vector_load %arg6[%get3A_185] {strides = array<i32>} : memref<4096xf32, #tpu.memory_space<vmem>>, vector<16xf32>,
      %get3A_187 = vector.shape_cast %get3A_186 : vector<16xf32> to vector<16xf32>
      %add3A_188 = arith.constant 9.000000e+01 : f32
      %add3A_189 = vector.broadcast %add3A_188 : f32 to vector<16xf32>
      %add3A_190 = arith.addf %get3A_187, %add3A_189 : vector<16xf32>
      %mul3A_191 = arith.constant 1.000000e+01 : f32
      %mul3A_192 = vector.broadcast %mul3A_191 : f32 to vector<16xf32>
      %mul3A_193 = arith.mulf %add3A_190, %mul3A_192 : vector<16xf32>
      %get3A_194 = arith.index_cast %mul3A_184 : i32 to index
      %get3A_195 = tpu.vector_load %arg7[%get3A_194] {strides = array<i32>} : memref<4096xf32, #tpu.memory_space<vmem>>, vector<16xf32>,
      %get3A_196 = vector.shape_cast %get3A_195 : vector<16xf32> to vector<16xf32>
      %add3A_197 = arith.constant 1.800000e+02 : f32
      %add3A_198 = vector.broadcast %add3A_197 : f32 to vector<16xf32>
      %add3A_199 = arith.addf %get3A_196, %add3A_198 : vector<16xf32>
      %mul3A_200 = arith.constant 1.000000e+01 : f32
      %mul3A_201 = vector.broadcast %mul3A_200 : f32 to vector<16xf32>
      %mul3A_202 = arith.mulf %add3A_199, %mul3A_201 : vector<16xf32>
      %convert_element_type3A_203 = arith.fptosi %mul3A_193 : vector<16xf32> to vector<16xi32>
      %min3A_204 = arith.constant 1799 : i32
      %min3A_205 = vector.broadcast %min3A_204 : i32 to vector<16xi32>
      %min3A_206 = arith.minsi %convert_element_type3A_203, %min3A_205 : vector<16xi32>
      %convert_element_type3A_207 = arith.fptosi %mul3A_202 : vector<16xf32> to vector<16xi32>
      %min3A_208 = arith.constant 3599 : i32
      %min3A_209 = vector.broadcast %min3A_208 : i32 to vector<16xi32>
      %min3A_210 = arith.minsi %convert_element_type3A_207, %min3A_209 : vector<16xi32>
      %convert_element_type3A_211 = arith.sitofp %min3A_206 : vector<16xi32> to vector<16xf32>
      %sub3A_212 = arith.subf %mul3A_193, %convert_element_type3A_211 : vector<16xf32>
      %swap3A_213 = arith.index_cast %mul3A_184 : i32 to index
      %swap3A_214 = tpu.vector_load %arg12[%swap3A_213] {strides = array<i32>} : memref<4096xf32, #tpu.memory_space<vmem>>, vector<16xf32>,
      %swap3A_215 = vector.shape_cast %swap3A_214 : vector<16xf32> to vector<16xf32>
      %swap3A_216 = vector.shape_cast %sub3A_212 : vector<16xf32> to vector<16xf32>
      tpu.vector_store %arg12[%swap3A_213], %swap3A_216 {strides = array<i32>} : memref<4096xf32, #tpu.memory_space<vmem>>, vector<16xf32>,
      %convert_element_type3A_217 = arith.sitofp %min3A_210 : vector<16xi32> to vector<16xf32>
      %sub3A_218 = arith.subf %mul3A_202, %convert_element_type3A_217 : vector<16xf32>
      %swap3A_219 = arith.index_cast %mul3A_184 : i32 to index
      %swap3A_220 = tpu.vector_load %arg13[%swap3A_219] {strides = array<i32>} : memref<4096xf32, #tpu.memory_space<vmem>>, vector<16xf32>,
      %swap3A_221 = vector.shape_cast %swap3A_220 : vector<16xf32> to vector<16xf32>
      %swap3A_222 = vector.shape_cast %sub3A_218 : vector<16xf32> to vector<16xf32>
      tpu.vector_store %arg13[%swap3A_219], %swap3A_222 {strides = array<i32>} : memref<4096xf32, #tpu.memory_space<vmem>>, vector<16xf32>,
      %mul3A_223 = arith.constant 3600 : i32
      %mul3A_224 = vector.broadcast %mul3A_223 : i32 to vector<16xi32>
      %mul3A_225 = arith.muli %min3A_206, %mul3A_224 : vector<16xi32>
      %add3A_226 = arith.addi %mul3A_225, %min3A_210 : vector<16xi32>
      %eq3A_227 = arith.constant 3599 : i32
      %eq3A_228 = vector.broadcast %eq3A_227 : i32 to vector<16xi32>
      %eq3A_229 = arith.cmpi eq, %min3A_210, %eq3A_228 : vector<16xi32>
      %mul3A_230 = arith.constant 3600 : i32
      %mul3A_231 = vector.broadcast %mul3A_230 : i32 to vector<16xi32>
      %mul3A_232 = arith.muli %min3A_206, %mul3A_231 : vector<16xi32>
      %add3A_233 = arith.constant 1 : i32
      %add3A_234 = vector.broadcast %add3A_233 : i32 to vector<16xi32>
      %add3A_235 = arith.addi %add3A_226, %add3A_234 : vector<16xi32>
      %select_n3A_236 = arith.select %eq3A_229, %mul3A_232, %add3A_235 : vector<16xi1>, vector<16xi32>
      %swap3A_237 = arith.index_cast %mul3A_184 : i32 to index
      %swap3A_238 = tpu.vector_load %arg8[%swap3A_237] {strides = array<i32>} : memref<4096xi32, #tpu.memory_space<vmem>>, vector<16xi32>,
      %swap3A_239 = vector.shape_cast %swap3A_238 : vector<16xi32> to vector<16xi32>
      %swap3A_240 = vector.shape_cast %add3A_226 : vector<16xi32> to vector<16xi32>
      tpu.vector_store %arg8[%swap3A_237], %swap3A_240 {strides = array<i32>} : memref<4096xi32, #tpu.memory_space<vmem>>, vector<16xi32>,
      %swap3A_241 = arith.index_cast %mul3A_184 : i32 to index
      %swap3A_242 = tpu.vector_load %arg9[%swap3A_241] {strides = array<i32>} : memref<4096xi32, #tpu.memory_space<vmem>>, vector<16xi32>,
      %swap3A_243 = vector.shape_cast %swap3A_242 : vector<16xi32> to vector<16xi32>
      %swap3A_244 = vector.shape_cast %select_n3A_236 : vector<16xi32> to vector<16xi32>
      tpu.vector_store %arg9[%swap3A_241], %swap3A_244 {strides = array<i32>} : memref<4096xi32, #tpu.memory_space<vmem>>, vector<16xi32>,
      %add3A_245 = arith.constant 3600 : i32
      %add3A_246 = vector.broadcast %add3A_245 : i32 to vector<16xi32>
      %add3A_247 = arith.addi %add3A_226, %add3A_246 : vector<16xi32>
      %swap3A_248 = arith.index_cast %mul3A_184 : i32 to index
      %swap3A_249 = tpu.vector_load %arg10[%swap3A_248] {strides = array<i32>} : memref<4096xi32, #tpu.memory_space<vmem>>, vector<16xi32>,
      %swap3A_250 = vector.shape_cast %swap3A_249 : vector<16xi32> to vector<16xi32>
      %swap3A_251 = vector.shape_cast %add3A_247 : vector<16xi32> to vector<16xi32>
      tpu.vector_store %arg10[%swap3A_248], %swap3A_251 {strides = array<i32>} : memref<4096xi32, #tpu.memory_space<vmem>>, vector<16xi32>,
      %add3A_252 = arith.constant 3600 : i32
      %add3A_253 = vector.broadcast %add3A_252 : i32 to vector<16xi32>
      %add3A_254 = arith.addi %select_n3A_236, %add3A_253 : vector<16xi32>
      %swap3A_255 = arith.index_cast %mul3A_184 : i32 to index
      %swap3A_256 = tpu.vector_load %arg11[%swap3A_255] {strides = array<i32>} : memref<4096xi32, #tpu.memory_space<vmem>>, vector<16xi32>,
      %swap3A_257 = vector.shape_cast %swap3A_256 : vector<16xi32> to vector<16xi32>
      %swap3A_258 = vector.shape_cast %add3A_254 : vector<16xi32> to vector<16xi32>
      tpu.vector_store %arg11[%swap3A_255], %swap3A_258 {strides = array<i32>} : memref<4096xi32, #tpu.memory_space<vmem>>, vector<16xi32>,
      %scan3A_259 = arith.constant 3 : i32
      %scan3A_260 = arith.addi %scan3A_21, %scan3A_259 : i32
      %mul3A_261 = arith.constant 1 : i32
      %mul3A_262 = arith.muli %scan3A_260, %mul3A_261 : i32
      %add3A_263 = arith.constant 0 : i32
      %add3A_264 = arith.addi %add3A_263, %mul3A_262 : i32
      %mul3A_265 = arith.constant 16 : i32
      %mul3A_266 = arith.muli %add3A_264, %mul3A_265 : i32
      %get3A_267 = arith.index_cast %mul3A_266 : i32 to index
      %get3A_268 = tpu.vector_load %arg6[%get3A_267] {strides = array<i32>} : memref<4096xf32, #tpu.memory_space<vmem>>, vector<16xf32>,
      %get3A_269 = vector.shape_cast %get3A_268 : vector<16xf32> to vector<16xf32>
      %add3A_270 = arith.constant 9.000000e+01 : f32
      %add3A_271 = vector.broadcast %add3A_270 : f32 to vector<16xf32>
      %add3A_272 = arith.addf %get3A_269, %add3A_271 : vector<16xf32>
      %mul3A_273 = arith.constant 1.000000e+01 : f32
      %mul3A_274 = vector.broadcast %mul3A_273 : f32 to vector<16xf32>
      %mul3A_275 = arith.mulf %add3A_272, %mul3A_274 : vector<16xf32>
      %get3A_276 = arith.index_cast %mul3A_266 : i32 to index
      %get3A_277 = tpu.vector_load %arg7[%get3A_276] {strides = array<i32>} : memref<4096xf32, #tpu.memory_space<vmem>>, vector<16xf32>,
      %get3A_278 = vector.shape_cast %get3A_277 : vector<16xf32> to vector<16xf32>
      %add3A_279 = arith.constant 1.800000e+02 : f32
      %add3A_280 = vector.broadcast %add3A_279 : f32 to vector<16xf32>
      %add3A_281 = arith.addf %get3A_278, %add3A_280 : vector<16xf32>
      %mul3A_282 = arith.constant 1.000000e+01 : f32
      %mul3A_283 = vector.broadcast %mul3A_282 : f32 to vector<16xf32>
      %mul3A_284 = arith.mulf %add3A_281, %mul3A_283 : vector<16xf32>
      %convert_element_type3A_285 = arith.fptosi %mul3A_275 : vector<16xf32> to vector<16xi32>
      %min3A_286 = arith.constant 1799 : i32
      %min3A_287 = vector.broadcast %min3A_286 : i32 to vector<16xi32>
      %min3A_288 = arith.minsi %convert_element_type3A_285, %min3A_287 : vector<16xi32>
      %convert_element_type3A_289 = arith.fptosi %mul3A_284 : vector<16xf32> to vector<16xi32>
      %min3A_290 = arith.constant 3599 : i32
      %min3A_291 = vector.broadcast %min3A_290 : i32 to vector<16xi32>
      %min3A_292 = arith.minsi %convert_element_type3A_289, %min3A_291 : vector<16xi32>
      %convert_element_type3A_293 = arith.sitofp %min3A_288 : vector<16xi32> to vector<16xf32>
      %sub3A_294 = arith.subf %mul3A_275, %convert_element_type3A_293 : vector<16xf32>
      %swap3A_295 = arith.index_cast %mul3A_266 : i32 to index
      %swap3A_296 = tpu.vector_load %arg12[%swap3A_295] {strides = array<i32>} : memref<4096xf32, #tpu.memory_space<vmem>>, vector<16xf32>,
      %swap3A_297 = vector.shape_cast %swap3A_296 : vector<16xf32> to vector<16xf32>
      %swap3A_298 = vector.shape_cast %sub3A_294 : vector<16xf32> to vector<16xf32>
      tpu.vector_store %arg12[%swap3A_295], %swap3A_298 {strides = array<i32>} : memref<4096xf32, #tpu.memory_space<vmem>>, vector<16xf32>,
      %convert_element_type3A_299 = arith.sitofp %min3A_292 : vector<16xi32> to vector<16xf32>
      %sub3A_300 = arith.subf %mul3A_284, %convert_element_type3A_299 : vector<16xf32>
      %swap3A_301 = arith.index_cast %mul3A_266 : i32 to index
      %swap3A_302 = tpu.vector_load %arg13[%swap3A_301] {strides = array<i32>} : memref<4096xf32, #tpu.memory_space<vmem>>, vector<16xf32>,
      %swap3A_303 = vector.shape_cast %swap3A_302 : vector<16xf32> to vector<16xf32>
      %swap3A_304 = vector.shape_cast %sub3A_300 : vector<16xf32> to vector<16xf32>
      tpu.vector_store %arg13[%swap3A_301], %swap3A_304 {strides = array<i32>} : memref<4096xf32, #tpu.memory_space<vmem>>, vector<16xf32>,
      %mul3A_305 = arith.constant 3600 : i32
      %mul3A_306 = vector.broadcast %mul3A_305 : i32 to vector<16xi32>
      %mul3A_307 = arith.muli %min3A_288, %mul3A_306 : vector<16xi32>
      %add3A_308 = arith.addi %mul3A_307, %min3A_292 : vector<16xi32>
      %eq3A_309 = arith.constant 3599 : i32
      %eq3A_310 = vector.broadcast %eq3A_309 : i32 to vector<16xi32>
      %eq3A_311 = arith.cmpi eq, %min3A_292, %eq3A_310 : vector<16xi32>
      %mul3A_312 = arith.constant 3600 : i32
      %mul3A_313 = vector.broadcast %mul3A_312 : i32 to vector<16xi32>
      %mul3A_314 = arith.muli %min3A_288, %mul3A_313 : vector<16xi32>
      %add3A_315 = arith.constant 1 : i32
      %add3A_316 = vector.broadcast %add3A_315 : i32 to vector<16xi32>
      %add3A_317 = arith.addi %add3A_308, %add3A_316 : vector<16xi32>
      %select_n3A_318 = arith.select %eq3A_311, %mul3A_314, %add3A_317 : vector<16xi1>, vector<16xi32>
      %swap3A_319 = arith.index_cast %mul3A_266 : i32 to index
      %swap3A_320 = tpu.vector_load %arg8[%swap3A_319] {strides = array<i32>} : memref<4096xi32, #tpu.memory_space<vmem>>, vector<16xi32>,
      %swap3A_321 = vector.shape_cast %swap3A_320 : vector<16xi32> to vector<16xi32>
      %swap3A_322 = vector.shape_cast %add3A_308 : vector<16xi32> to vector<16xi32>
      tpu.vector_store %arg8[%swap3A_319], %swap3A_322 {strides = array<i32>} : memref<4096xi32, #tpu.memory_space<vmem>>, vector<16xi32>,
      %swap3A_323 = arith.index_cast %mul3A_266 : i32 to index
      %swap3A_324 = tpu.vector_load %arg9[%swap3A_323] {strides = array<i32>} : memref<4096xi32, #tpu.memory_space<vmem>>, vector<16xi32>,
      %swap3A_325 = vector.shape_cast %swap3A_324 : vector<16xi32> to vector<16xi32>
      %swap3A_326 = vector.shape_cast %select_n3A_318 : vector<16xi32> to vector<16xi32>
      tpu.vector_store %arg9[%swap3A_323], %swap3A_326 {strides = array<i32>} : memref<4096xi32, #tpu.memory_space<vmem>>, vector<16xi32>,
      %add3A_327 = arith.constant 3600 : i32
      %add3A_328 = vector.broadcast %add3A_327 : i32 to vector<16xi32>
      %add3A_329 = arith.addi %add3A_308, %add3A_328 : vector<16xi32>
      %swap3A_330 = arith.index_cast %mul3A_266 : i32 to index
      %swap3A_331 = tpu.vector_load %arg10[%swap3A_330] {strides = array<i32>} : memref<4096xi32, #tpu.memory_space<vmem>>, vector<16xi32>,
      %swap3A_332 = vector.shape_cast %swap3A_331 : vector<16xi32> to vector<16xi32>
      %swap3A_333 = vector.shape_cast %add3A_329 : vector<16xi32> to vector<16xi32>
      tpu.vector_store %arg10[%swap3A_330], %swap3A_333 {strides = array<i32>} : memref<4096xi32, #tpu.memory_space<vmem>>, vector<16xi32>,
      %add3A_334 = arith.constant 3600 : i32
      %add3A_335 = vector.broadcast %add3A_334 : i32 to vector<16xi32>
      %add3A_336 = arith.addi %select_n3A_318, %add3A_335 : vector<16xi32>
      %swap3A_337 = arith.index_cast %mul3A_266 : i32 to index
      %swap3A_338 = tpu.vector_load %arg11[%swap3A_337] {strides = array<i32>} : memref<4096xi32, #tpu.memory_space<vmem>>, vector<16xi32>,
      %swap3A_339 = vector.shape_cast %swap3A_338 : vector<16xi32> to vector<16xi32>
      %swap3A_340 = vector.shape_cast %add3A_336 : vector<16xi32> to vector<16xi32>
      tpu.vector_store %arg11[%swap3A_337], %swap3A_340 {strides = array<i32>} : memref<4096xi32, #tpu.memory_space<vmem>>, vector<16xi32>,
    }
    %scan3A_8 = arith.constant 256 : i32
    %dma_start3A = arith.constant 0 : i32
    %dma_start3A_9 = tpu.memref_slice %arg2[%dma_start3A] : memref<6483600xf32, #tpu.memory_space<hbm>> -> memref<6483600xf32, #tpu.memory_space<hbm>>
    tpu.enqueue_indirect_dma source(%dma_start3A_9 : memref<6483600xf32, #tpu.memory_space<hbm>>) target(%arg14 : memref<4096xf32, #tpu.memory_space<vmem>>) offsets(%arg8 : memref<4096xi32, #tpu.memory_space<vmem>>) semaphore(%arg31 : memref<!tpu.dma_semaphore, #tpu.memory_space<semaphore_mem>>)
    %dma_start3A_10 = arith.constant 0 : i32
    %dma_start3A_11 = tpu.memref_slice %arg2[%dma_start3A_10] : memref<6483600xf32, #tpu.memory_space<hbm>> -> memref<6483600xf32, #tpu.memory_space<hbm>>
    tpu.enqueue_indirect_dma source(%dma_start3A_11 : memref<6483600xf32, #tpu.memory_space<hbm>>) target(%arg15 : memref<4096xf32, #tpu.memory_space<vmem>>) offsets(%arg9 : memref<4096xi32, #tpu.memory_space<vmem>>) semaphore(%arg31 : memref<!tpu.dma_semaphore, #tpu.memory_space<semaphore_mem>>)
    %dma_start3A_12 = arith.constant 0 : i32
    %dma_start3A_13 = tpu.memref_slice %arg2[%dma_start3A_12] : memref<6483600xf32, #tpu.memory_space<hbm>> -> memref<6483600xf32, #tpu.memory_space<hbm>>
    tpu.enqueue_indirect_dma source(%dma_start3A_13 : memref<6483600xf32, #tpu.memory_space<hbm>>) target(%arg16 : memref<4096xf32, #tpu.memory_space<vmem>>) offsets(%arg10 : memref<4096xi32, #tpu.memory_space<vmem>>) semaphore(%arg31 : memref<!tpu.dma_semaphore, #tpu.memory_space<semaphore_mem>>)
    %dma_start3A_14 = arith.constant 0 : i32
    %dma_start3A_15 = tpu.memref_slice %arg2[%dma_start3A_14] : memref<6483600xf32, #tpu.memory_space<hbm>> -> memref<6483600xf32, #tpu.memory_space<hbm>>
    tpu.enqueue_indirect_dma source(%dma_start3A_15 : memref<6483600xf32, #tpu.memory_space<hbm>>) target(%arg17 : memref<4096xf32, #tpu.memory_space<vmem>>) offsets(%arg11 : memref<4096xi32, #tpu.memory_space<vmem>>) semaphore(%arg31 : memref<!tpu.dma_semaphore, #tpu.memory_space<semaphore_mem>>)
    %scan3A_16 = arith.constant 0 : i32
    %scan3A_17 = arith.constant 4 : i32
    %scan3A_18 = arith.addi %scan3A_16, %scan3A_17 : i32
    %scan3A_19 = arith.constant 1 : i32
    scf.for %scan3A_21 = %scan3A_16 to %scan3A_18 step %scan3A_19  : i32 {
      %mul3A_22 = arith.constant 1 : i32
      %mul3A_23 = arith.muli %scan3A_21, %mul3A_22 : i32
      %add3A_24 = arith.constant 0 : i32
      %add3A_25 = arith.addi %add3A_24, %mul3A_23 : i32
      %mul3A_26 = arith.constant 2 : i32
      %mul3A_27 = arith.muli %mul3A_26, %add3A_25 : i32
      %add3A_28 = arith.constant 1 : i32
      %add3A_29 = arith.addi %mul3A_27, %add3A_28 : i32
      %mul3A_30 = arith.constant 4096 : i32
      %mul3A_31 = arith.muli %add3A_29, %mul3A_30 : i32
      %add3A_32 = arith.addi %mul3A_2, %mul3A_31 : i32
      "tpu.region"() ({
        %run_scoped3A = tpu.sem_alloc : memref<!tpu.dma_semaphore, #tpu.memory_space<semaphore_mem>>
        %dma_start3A_81 = tpu.memref_slice %arg3[%add3A_32] : memref<1048576xf32, #tpu.memory_space<hbm>> -> memref<4096xf32, #tpu.memory_space<hbm>>
        %dma_start3A_82 = tpu.memref_slice %arg3[%add3A_32] : memref<1048576xf32, #tpu.memory_space<hbm>> -> memref<4096xf32, #tpu.memory_space<hbm>>
        tpu.enqueue_dma source(%dma_start3A_82 : memref<4096xf32, #tpu.memory_space<hbm>>) target(%arg18 : memref<4096xf32, #tpu.memory_space<vmem>>) target_semaphore(%run_scoped3A : memref<!tpu.dma_semaphore, #tpu.memory_space<semaphore_mem>>)
        %dma_wait3A_83 = tpu.memref_slice %arg3[%add3A_32] : memref<1048576xf32, #tpu.memory_space<hbm>> -> memref<4096xf32, #tpu.memory_space<hbm>>
        %dma_wait3A_84 = tpu.memref_slice %arg3[%add3A_32] : memref<1048576xf32, #tpu.memory_space<hbm>> -> memref<4096xf32, #tpu.memory_space<hbm>>
        tpu.wait_dma2 semaphore(%run_scoped3A : memref<!tpu.dma_semaphore, #tpu.memory_space<semaphore_mem>>) src(%dma_wait3A_84 : memref<4096xf32, #tpu.memory_space<hbm>>) dst(%arg18 : memref<4096xf32, #tpu.memory_space<vmem>>)
        tpu.yield
      }) : () -> ()
      "tpu.region"() ({
        %run_scoped3A = tpu.sem_alloc : memref<!tpu.dma_semaphore, #tpu.memory_space<semaphore_mem>>
        %dma_start3A_81 = tpu.memref_slice %arg4[%add3A_32] : memref<1048576xf32, #tpu.memory_space<hbm>> -> memref<4096xf32, #tpu.memory_space<hbm>>
        %dma_start3A_82 = tpu.memref_slice %arg4[%add3A_32] : memref<1048576xf32, #tpu.memory_space<hbm>> -> memref<4096xf32, #tpu.memory_space<hbm>>
        tpu.enqueue_dma source(%dma_start3A_82 : memref<4096xf32, #tpu.memory_space<hbm>>) target(%arg19 : memref<4096xf32, #tpu.memory_space<vmem>>) target_semaphore(%run_scoped3A : memref<!tpu.dma_semaphore, #tpu.memory_space<semaphore_mem>>)
        %dma_wait3A_83 = tpu.memref_slice %arg4[%add3A_32] : memref<1048576xf32, #tpu.memory_space<hbm>> -> memref<4096xf32, #tpu.memory_space<hbm>>
        %dma_wait3A_84 = tpu.memref_slice %arg4[%add3A_32] : memref<1048576xf32, #tpu.memory_space<hbm>> -> memref<4096xf32, #tpu.memory_space<hbm>>
        tpu.wait_dma2 semaphore(%run_scoped3A : memref<!tpu.dma_semaphore, #tpu.memory_space<semaphore_mem>>) src(%dma_wait3A_84 : memref<4096xf32, #tpu.memory_space<hbm>>) dst(%arg19 : memref<4096xf32, #tpu.memory_space<vmem>>)
        tpu.yield
      }) : () -> ()
      %scan3A_33 = arith.constant 0 : i32
      %scan3A_34 = arith.constant 256 : i32
      %scan3A_35 = arith.addi %scan3A_33, %scan3A_34 : i32
      %scan3A_36 = arith.constant 4 : i32
      scf.for %scan3A_81 = %scan3A_33 to %scan3A_35 step %scan3A_36  : i32 {
        %mul3A_82 = arith.constant 1 : i32
        %mul3A_83 = arith.muli %scan3A_81, %mul3A_82 : i32
        %add3A_84 = arith.constant 0 : i32
        %add3A_85 = arith.addi %add3A_84, %mul3A_83 : i32
        %mul3A_86 = arith.constant 16 : i32
        %mul3A_87 = arith.muli %add3A_85, %mul3A_86 : i32
        %get3A = arith.index_cast %mul3A_87 : i32 to index
        %get3A_88 = tpu.vector_load %arg18[%get3A] {strides = array<i32>} : memref<4096xf32, #tpu.memory_space<vmem>>, vector<16xf32>,
        %get3A_89 = vector.shape_cast %get3A_88 : vector<16xf32> to vector<16xf32>
        %add3A_90 = arith.constant 9.000000e+01 : f32
        %add3A_91 = vector.broadcast %add3A_90 : f32 to vector<16xf32>
        %add3A_92 = arith.addf %get3A_89, %add3A_91 : vector<16xf32>
        %mul3A_93 = arith.constant 1.000000e+01 : f32
        %mul3A_94 = vector.broadcast %mul3A_93 : f32 to vector<16xf32>
        %mul3A_95 = arith.mulf %add3A_92, %mul3A_94 : vector<16xf32>
        %get3A_96 = arith.index_cast %mul3A_87 : i32 to index
        %get3A_97 = tpu.vector_load %arg19[%get3A_96] {strides = array<i32>} : memref<4096xf32, #tpu.memory_space<vmem>>, vector<16xf32>,
        %get3A_98 = vector.shape_cast %get3A_97 : vector<16xf32> to vector<16xf32>
        %add3A_99 = arith.constant 1.800000e+02 : f32
        %add3A_100 = vector.broadcast %add3A_99 : f32 to vector<16xf32>
        %add3A_101 = arith.addf %get3A_98, %add3A_100 : vector<16xf32>
        %mul3A_102 = arith.constant 1.000000e+01 : f32
        %mul3A_103 = vector.broadcast %mul3A_102 : f32 to vector<16xf32>
        %mul3A_104 = arith.mulf %add3A_101, %mul3A_103 : vector<16xf32>
        %convert_element_type3A_105 = arith.fptosi %mul3A_95 : vector<16xf32> to vector<16xi32>
        %min3A = arith.constant 1799 : i32
        %min3A_106 = vector.broadcast %min3A : i32 to vector<16xi32>
        %min3A_107 = arith.minsi %convert_element_type3A_105, %min3A_106 : vector<16xi32>
        %convert_element_type3A_108 = arith.fptosi %mul3A_104 : vector<16xf32> to vector<16xi32>
        %min3A_109 = arith.constant 3599 : i32
        %min3A_110 = vector.broadcast %min3A_109 : i32 to vector<16xi32>
        %min3A_111 = arith.minsi %convert_element_type3A_108, %min3A_110 : vector<16xi32>
        %convert_element_type3A_112 = arith.sitofp %min3A_107 : vector<16xi32> to vector<16xf32>
        %sub3A = arith.subf %mul3A_95, %convert_element_type3A_112 : vector<16xf32>
        %swap3A = arith.index_cast %mul3A_87 : i32 to index
        %swap3A_113 = tpu.vector_load %arg24[%swap3A] {strides = array<i32>} : memref<4096xf32, #tpu.memory_space<vmem>>, vector<16xf32>,
        %swap3A_114 = vector.shape_cast %swap3A_113 : vector<16xf32> to vector<16xf32>
        %swap3A_115 = vector.shape_cast %sub3A : vector<16xf32> to vector<16xf32>
        tpu.vector_store %arg24[%swap3A], %swap3A_115 {strides = array<i32>} : memref<4096xf32, #tpu.memory_space<vmem>>, vector<16xf32>,
        %convert_element_type3A_116 = arith.sitofp %min3A_111 : vector<16xi32> to vector<16xf32>
        %sub3A_117 = arith.subf %mul3A_104, %convert_element_type3A_116 : vector<16xf32>
        %swap3A_118 = arith.index_cast %mul3A_87 : i32 to index
        %swap3A_119 = tpu.vector_load %arg25[%swap3A_118] {strides = array<i32>} : memref<4096xf32, #tpu.memory_space<vmem>>, vector<16xf32>,
        %swap3A_120 = vector.shape_cast %swap3A_119 : vector<16xf32> to vector<16xf32>
        %swap3A_121 = vector.shape_cast %sub3A_117 : vector<16xf32> to vector<16xf32>
        tpu.vector_store %arg25[%swap3A_118], %swap3A_121 {strides = array<i32>} : memref<4096xf32, #tpu.memory_space<vmem>>, vector<16xf32>,
        %mul3A_122 = arith.constant 3600 : i32
        %mul3A_123 = vector.broadcast %mul3A_122 : i32 to vector<16xi32>
        %mul3A_124 = arith.muli %min3A_107, %mul3A_123 : vector<16xi32>
        %add3A_125 = arith.addi %mul3A_124, %min3A_111 : vector<16xi32>
        %eq3A = arith.constant 3599 : i32
        %eq3A_126 = vector.broadcast %eq3A : i32 to vector<16xi32>
        %eq3A_127 = arith.cmpi eq, %min3A_111, %eq3A_126 : vector<16xi32>
        %mul3A_128 = arith.constant 3600 : i32
        %mul3A_129 = vector.broadcast %mul3A_128 : i32 to vector<16xi32>
        %mul3A_130 = arith.muli %min3A_107, %mul3A_129 : vector<16xi32>
        %add3A_131 = arith.constant 1 : i32
        %add3A_132 = vector.broadcast %add3A_131 : i32 to vector<16xi32>
        %add3A_133 = arith.addi %add3A_125, %add3A_132 : vector<16xi32>
        %select_n3A = arith.select %eq3A_127, %mul3A_130, %add3A_133 : vector<16xi1>, vector<16xi32>
        %swap3A_134 = arith.index_cast %mul3A_87 : i32 to index
        %swap3A_135 = tpu.vector_load %arg20[%swap3A_134] {strides = array<i32>} : memref<4096xi32, #tpu.memory_space<vmem>>, vector<16xi32>,
        %swap3A_136 = vector.shape_cast %swap3A_135 : vector<16xi32> to vector<16xi32>
        %swap3A_137 = vector.shape_cast %add3A_125 : vector<16xi32> to vector<16xi32>
        tpu.vector_store %arg20[%swap3A_134], %swap3A_137 {strides = array<i32>} : memref<4096xi32, #tpu.memory_space<vmem>>, vector<16xi32>,
        %swap3A_138 = arith.index_cast %mul3A_87 : i32 to index
        %swap3A_139 = tpu.vector_load %arg21[%swap3A_138] {strides = array<i32>} : memref<4096xi32, #tpu.memory_space<vmem>>, vector<16xi32>,
        %swap3A_140 = vector.shape_cast %swap3A_139 : vector<16xi32> to vector<16xi32>
        %swap3A_141 = vector.shape_cast %select_n3A : vector<16xi32> to vector<16xi32>
        tpu.vector_store %arg21[%swap3A_138], %swap3A_141 {strides = array<i32>} : memref<4096xi32, #tpu.memory_space<vmem>>, vector<16xi32>,
        %add3A_142 = arith.constant 3600 : i32
        %add3A_143 = vector.broadcast %add3A_142 : i32 to vector<16xi32>
        %add3A_144 = arith.addi %add3A_125, %add3A_143 : vector<16xi32>
        %swap3A_145 = arith.index_cast %mul3A_87 : i32 to index
        %swap3A_146 = tpu.vector_load %arg22[%swap3A_145] {strides = array<i32>} : memref<4096xi32, #tpu.memory_space<vmem>>, vector<16xi32>,
        %swap3A_147 = vector.shape_cast %swap3A_146 : vector<16xi32> to vector<16xi32>
        %swap3A_148 = vector.shape_cast %add3A_144 : vector<16xi32> to vector<16xi32>
        tpu.vector_store %arg22[%swap3A_145], %swap3A_148 {strides = array<i32>} : memref<4096xi32, #tpu.memory_space<vmem>>, vector<16xi32>,
        %add3A_149 = arith.constant 3600 : i32
        %add3A_150 = vector.broadcast %add3A_149 : i32 to vector<16xi32>
        %add3A_151 = arith.addi %select_n3A, %add3A_150 : vector<16xi32>
        %swap3A_152 = arith.index_cast %mul3A_87 : i32 to index
        %swap3A_153 = tpu.vector_load %arg23[%swap3A_152] {strides = array<i32>} : memref<4096xi32, #tpu.memory_space<vmem>>, vector<16xi32>,
        %swap3A_154 = vector.shape_cast %swap3A_153 : vector<16xi32> to vector<16xi32>
        %swap3A_155 = vector.shape_cast %add3A_151 : vector<16xi32> to vector<16xi32>
        tpu.vector_store %arg23[%swap3A_152], %swap3A_155 {strides = array<i32>} : memref<4096xi32, #tpu.memory_space<vmem>>, vector<16xi32>,
        %scan3A_156 = arith.constant 1 : i32
        %scan3A_157 = arith.addi %scan3A_81, %scan3A_156 : i32
        %mul3A_158 = arith.constant 1 : i32
        %mul3A_159 = arith.muli %scan3A_157, %mul3A_158 : i32
        %add3A_160 = arith.constant 0 : i32
        %add3A_161 = arith.addi %add3A_160, %mul3A_159 : i32
        %mul3A_162 = arith.constant 16 : i32
        %mul3A_163 = arith.muli %add3A_161, %mul3A_162 : i32
        %get3A_164 = arith.index_cast %mul3A_163 : i32 to index
        %get3A_165 = tpu.vector_load %arg18[%get3A_164] {strides = array<i32>} : memref<4096xf32, #tpu.memory_space<vmem>>, vector<16xf32>,
        %get3A_166 = vector.shape_cast %get3A_165 : vector<16xf32> to vector<16xf32>
        %add3A_167 = arith.constant 9.000000e+01 : f32
        %add3A_168 = vector.broadcast %add3A_167 : f32 to vector<16xf32>
        %add3A_169 = arith.addf %get3A_166, %add3A_168 : vector<16xf32>
        %mul3A_170 = arith.constant 1.000000e+01 : f32
        %mul3A_171 = vector.broadcast %mul3A_170 : f32 to vector<16xf32>
        %mul3A_172 = arith.mulf %add3A_169, %mul3A_171 : vector<16xf32>
        %get3A_173 = arith.index_cast %mul3A_163 : i32 to index
        %get3A_174 = tpu.vector_load %arg19[%get3A_173] {strides = array<i32>} : memref<4096xf32, #tpu.memory_space<vmem>>, vector<16xf32>,
        %get3A_175 = vector.shape_cast %get3A_174 : vector<16xf32> to vector<16xf32>
        %add3A_176 = arith.constant 1.800000e+02 : f32
        %add3A_177 = vector.broadcast %add3A_176 : f32 to vector<16xf32>
        %add3A_178 = arith.addf %get3A_175, %add3A_177 : vector<16xf32>
        %mul3A_179 = arith.constant 1.000000e+01 : f32
        %mul3A_180 = vector.broadcast %mul3A_179 : f32 to vector<16xf32>
        %mul3A_181 = arith.mulf %add3A_178, %mul3A_180 : vector<16xf32>
        %convert_element_type3A_182 = arith.fptosi %mul3A_172 : vector<16xf32> to vector<16xi32>
        %min3A_183 = arith.constant 1799 : i32
        %min3A_184 = vector.broadcast %min3A_183 : i32 to vector<16xi32>
        %min3A_185 = arith.minsi %convert_element_type3A_182, %min3A_184 : vector<16xi32>
        %convert_element_type3A_186 = arith.fptosi %mul3A_181 : vector<16xf32> to vector<16xi32>
        %min3A_187 = arith.constant 3599 : i32
        %min3A_188 = vector.broadcast %min3A_187 : i32 to vector<16xi32>
        %min3A_189 = arith.minsi %convert_element_type3A_186, %min3A_188 : vector<16xi32>
        %convert_element_type3A_190 = arith.sitofp %min3A_185 : vector<16xi32> to vector<16xf32>
        %sub3A_191 = arith.subf %mul3A_172, %convert_element_type3A_190 : vector<16xf32>
        %swap3A_192 = arith.index_cast %mul3A_163 : i32 to index
        %swap3A_193 = tpu.vector_load %arg24[%swap3A_192] {strides = array<i32>} : memref<4096xf32, #tpu.memory_space<vmem>>, vector<16xf32>,
        %swap3A_194 = vector.shape_cast %swap3A_193 : vector<16xf32> to vector<16xf32>
        %swap3A_195 = vector.shape_cast %sub3A_191 : vector<16xf32> to vector<16xf32>
        tpu.vector_store %arg24[%swap3A_192], %swap3A_195 {strides = array<i32>} : memref<4096xf32, #tpu.memory_space<vmem>>, vector<16xf32>,
        %convert_element_type3A_196 = arith.sitofp %min3A_189 : vector<16xi32> to vector<16xf32>
        %sub3A_197 = arith.subf %mul3A_181, %convert_element_type3A_196 : vector<16xf32>
        %swap3A_198 = arith.index_cast %mul3A_163 : i32 to index
        %swap3A_199 = tpu.vector_load %arg25[%swap3A_198] {strides = array<i32>} : memref<4096xf32, #tpu.memory_space<vmem>>, vector<16xf32>,
        %swap3A_200 = vector.shape_cast %swap3A_199 : vector<16xf32> to vector<16xf32>
        %swap3A_201 = vector.shape_cast %sub3A_197 : vector<16xf32> to vector<16xf32>
        tpu.vector_store %arg25[%swap3A_198], %swap3A_201 {strides = array<i32>} : memref<4096xf32, #tpu.memory_space<vmem>>, vector<16xf32>,
        %mul3A_202 = arith.constant 3600 : i32
        %mul3A_203 = vector.broadcast %mul3A_202 : i32 to vector<16xi32>
        %mul3A_204 = arith.muli %min3A_185, %mul3A_203 : vector<16xi32>
        %add3A_205 = arith.addi %mul3A_204, %min3A_189 : vector<16xi32>
        %eq3A_206 = arith.constant 3599 : i32
        %eq3A_207 = vector.broadcast %eq3A_206 : i32 to vector<16xi32>
        %eq3A_208 = arith.cmpi eq, %min3A_189, %eq3A_207 : vector<16xi32>
        %mul3A_209 = arith.constant 3600 : i32
        %mul3A_210 = vector.broadcast %mul3A_209 : i32 to vector<16xi32>
        %mul3A_211 = arith.muli %min3A_185, %mul3A_210 : vector<16xi32>
        %add3A_212 = arith.constant 1 : i32
        %add3A_213 = vector.broadcast %add3A_212 : i32 to vector<16xi32>
        %add3A_214 = arith.addi %add3A_205, %add3A_213 : vector<16xi32>
        %select_n3A_215 = arith.select %eq3A_208, %mul3A_211, %add3A_214 : vector<16xi1>, vector<16xi32>
        %swap3A_216 = arith.index_cast %mul3A_163 : i32 to index
        %swap3A_217 = tpu.vector_load %arg20[%swap3A_216] {strides = array<i32>} : memref<4096xi32, #tpu.memory_space<vmem>>, vector<16xi32>,
        %swap3A_218 = vector.shape_cast %swap3A_217 : vector<16xi32> to vector<16xi32>
        %swap3A_219 = vector.shape_cast %add3A_205 : vector<16xi32> to vector<16xi32>
        tpu.vector_store %arg20[%swap3A_216], %swap3A_219 {strides = array<i32>} : memref<4096xi32, #tpu.memory_space<vmem>>, vector<16xi32>,
        %swap3A_220 = arith.index_cast %mul3A_163 : i32 to index
        %swap3A_221 = tpu.vector_load %arg21[%swap3A_220] {strides = array<i32>} : memref<4096xi32, #tpu.memory_space<vmem>>, vector<16xi32>,
        %swap3A_222 = vector.shape_cast %swap3A_221 : vector<16xi32> to vector<16xi32>
        %swap3A_223 = vector.shape_cast %select_n3A_215 : vector<16xi32> to vector<16xi32>
        tpu.vector_store %arg21[%swap3A_220], %swap3A_223 {strides = array<i32>} : memref<4096xi32, #tpu.memory_space<vmem>>, vector<16xi32>,
        %add3A_224 = arith.constant 3600 : i32
        %add3A_225 = vector.broadcast %add3A_224 : i32 to vector<16xi32>
        %add3A_226 = arith.addi %add3A_205, %add3A_225 : vector<16xi32>
        %swap3A_227 = arith.index_cast %mul3A_163 : i32 to index
        %swap3A_228 = tpu.vector_load %arg22[%swap3A_227] {strides = array<i32>} : memref<4096xi32, #tpu.memory_space<vmem>>, vector<16xi32>,
        %swap3A_229 = vector.shape_cast %swap3A_228 : vector<16xi32> to vector<16xi32>
        %swap3A_230 = vector.shape_cast %add3A_226 : vector<16xi32> to vector<16xi32>
        tpu.vector_store %arg22[%swap3A_227], %swap3A_230 {strides = array<i32>} : memref<4096xi32, #tpu.memory_space<vmem>>, vector<16xi32>,
        %add3A_231 = arith.constant 3600 : i32
        %add3A_232 = vector.broadcast %add3A_231 : i32 to vector<16xi32>
        %add3A_233 = arith.addi %select_n3A_215, %add3A_232 : vector<16xi32>
        %swap3A_234 = arith.index_cast %mul3A_163 : i32 to index
        %swap3A_235 = tpu.vector_load %arg23[%swap3A_234] {strides = array<i32>} : memref<4096xi32, #tpu.memory_space<vmem>>, vector<16xi32>,
        %swap3A_236 = vector.shape_cast %swap3A_235 : vector<16xi32> to vector<16xi32>
        %swap3A_237 = vector.shape_cast %add3A_233 : vector<16xi32> to vector<16xi32>
        tpu.vector_store %arg23[%swap3A_234], %swap3A_237 {strides = array<i32>} : memref<4096xi32, #tpu.memory_space<vmem>>, vector<16xi32>,
        %scan3A_238 = arith.constant 2 : i32
        %scan3A_239 = arith.addi %scan3A_81, %scan3A_238 : i32
        %mul3A_240 = arith.constant 1 : i32
        %mul3A_241 = arith.muli %scan3A_239, %mul3A_240 : i32
        %add3A_242 = arith.constant 0 : i32
        %add3A_243 = arith.addi %add3A_242, %mul3A_241 : i32
        %mul3A_244 = arith.constant 16 : i32
        %mul3A_245 = arith.muli %add3A_243, %mul3A_244 : i32
        %get3A_246 = arith.index_cast %mul3A_245 : i32 to index
        %get3A_247 = tpu.vector_load %arg18[%get3A_246] {strides = array<i32>} : memref<4096xf32, #tpu.memory_space<vmem>>, vector<16xf32>,
        %get3A_248 = vector.shape_cast %get3A_247 : vector<16xf32> to vector<16xf32>
        %add3A_249 = arith.constant 9.000000e+01 : f32
        %add3A_250 = vector.broadcast %add3A_249 : f32 to vector<16xf32>
        %add3A_251 = arith.addf %get3A_248, %add3A_250 : vector<16xf32>
        %mul3A_252 = arith.constant 1.000000e+01 : f32
        %mul3A_253 = vector.broadcast %mul3A_252 : f32 to vector<16xf32>
        %mul3A_254 = arith.mulf %add3A_251, %mul3A_253 : vector<16xf32>
        %get3A_255 = arith.index_cast %mul3A_245 : i32 to index
        %get3A_256 = tpu.vector_load %arg19[%get3A_255] {strides = array<i32>} : memref<4096xf32, #tpu.memory_space<vmem>>, vector<16xf32>,
        %get3A_257 = vector.shape_cast %get3A_256 : vector<16xf32> to vector<16xf32>
        %add3A_258 = arith.constant 1.800000e+02 : f32
        %add3A_259 = vector.broadcast %add3A_258 : f32 to vector<16xf32>
        %add3A_260 = arith.addf %get3A_257, %add3A_259 : vector<16xf32>
        %mul3A_261 = arith.constant 1.000000e+01 : f32
        %mul3A_262 = vector.broadcast %mul3A_261 : f32 to vector<16xf32>
        %mul3A_263 = arith.mulf %add3A_260, %mul3A_262 : vector<16xf32>
        %convert_element_type3A_264 = arith.fptosi %mul3A_254 : vector<16xf32> to vector<16xi32>
        %min3A_265 = arith.constant 1799 : i32
        %min3A_266 = vector.broadcast %min3A_265 : i32 to vector<16xi32>
        %min3A_267 = arith.minsi %convert_element_type3A_264, %min3A_266 : vector<16xi32>
        %convert_element_type3A_268 = arith.fptosi %mul3A_263 : vector<16xf32> to vector<16xi32>
        %min3A_269 = arith.constant 3599 : i32
        %min3A_270 = vector.broadcast %min3A_269 : i32 to vector<16xi32>
        %min3A_271 = arith.minsi %convert_element_type3A_268, %min3A_270 : vector<16xi32>
        %convert_element_type3A_272 = arith.sitofp %min3A_267 : vector<16xi32> to vector<16xf32>
        %sub3A_273 = arith.subf %mul3A_254, %convert_element_type3A_272 : vector<16xf32>
        %swap3A_274 = arith.index_cast %mul3A_245 : i32 to index
        %swap3A_275 = tpu.vector_load %arg24[%swap3A_274] {strides = array<i32>} : memref<4096xf32, #tpu.memory_space<vmem>>, vector<16xf32>,
        %swap3A_276 = vector.shape_cast %swap3A_275 : vector<16xf32> to vector<16xf32>
        %swap3A_277 = vector.shape_cast %sub3A_273 : vector<16xf32> to vector<16xf32>
        tpu.vector_store %arg24[%swap3A_274], %swap3A_277 {strides = array<i32>} : memref<4096xf32, #tpu.memory_space<vmem>>, vector<16xf32>,
        %convert_element_type3A_278 = arith.sitofp %min3A_271 : vector<16xi32> to vector<16xf32>
        %sub3A_279 = arith.subf %mul3A_263, %convert_element_type3A_278 : vector<16xf32>
        %swap3A_280 = arith.index_cast %mul3A_245 : i32 to index
        %swap3A_281 = tpu.vector_load %arg25[%swap3A_280] {strides = array<i32>} : memref<4096xf32, #tpu.memory_space<vmem>>, vector<16xf32>,
        %swap3A_282 = vector.shape_cast %swap3A_281 : vector<16xf32> to vector<16xf32>
        %swap3A_283 = vector.shape_cast %sub3A_279 : vector<16xf32> to vector<16xf32>
        tpu.vector_store %arg25[%swap3A_280], %swap3A_283 {strides = array<i32>} : memref<4096xf32, #tpu.memory_space<vmem>>, vector<16xf32>,
        %mul3A_284 = arith.constant 3600 : i32
        %mul3A_285 = vector.broadcast %mul3A_284 : i32 to vector<16xi32>
        %mul3A_286 = arith.muli %min3A_267, %mul3A_285 : vector<16xi32>
        %add3A_287 = arith.addi %mul3A_286, %min3A_271 : vector<16xi32>
        %eq3A_288 = arith.constant 3599 : i32
        %eq3A_289 = vector.broadcast %eq3A_288 : i32 to vector<16xi32>
        %eq3A_290 = arith.cmpi eq, %min3A_271, %eq3A_289 : vector<16xi32>
        %mul3A_291 = arith.constant 3600 : i32
        %mul3A_292 = vector.broadcast %mul3A_291 : i32 to vector<16xi32>
        %mul3A_293 = arith.muli %min3A_267, %mul3A_292 : vector<16xi32>
        %add3A_294 = arith.constant 1 : i32
        %add3A_295 = vector.broadcast %add3A_294 : i32 to vector<16xi32>
        %add3A_296 = arith.addi %add3A_287, %add3A_295 : vector<16xi32>
        %select_n3A_297 = arith.select %eq3A_290, %mul3A_293, %add3A_296 : vector<16xi1>, vector<16xi32>
        %swap3A_298 = arith.index_cast %mul3A_245 : i32 to index
        %swap3A_299 = tpu.vector_load %arg20[%swap3A_298] {strides = array<i32>} : memref<4096xi32, #tpu.memory_space<vmem>>, vector<16xi32>,
        %swap3A_300 = vector.shape_cast %swap3A_299 : vector<16xi32> to vector<16xi32>
        %swap3A_301 = vector.shape_cast %add3A_287 : vector<16xi32> to vector<16xi32>
        tpu.vector_store %arg20[%swap3A_298], %swap3A_301 {strides = array<i32>} : memref<4096xi32, #tpu.memory_space<vmem>>, vector<16xi32>,
        %swap3A_302 = arith.index_cast %mul3A_245 : i32 to index
        %swap3A_303 = tpu.vector_load %arg21[%swap3A_302] {strides = array<i32>} : memref<4096xi32, #tpu.memory_space<vmem>>, vector<16xi32>,
        %swap3A_304 = vector.shape_cast %swap3A_303 : vector<16xi32> to vector<16xi32>
        %swap3A_305 = vector.shape_cast %select_n3A_297 : vector<16xi32> to vector<16xi32>
        tpu.vector_store %arg21[%swap3A_302], %swap3A_305 {strides = array<i32>} : memref<4096xi32, #tpu.memory_space<vmem>>, vector<16xi32>,
        %add3A_306 = arith.constant 3600 : i32
        %add3A_307 = vector.broadcast %add3A_306 : i32 to vector<16xi32>
        %add3A_308 = arith.addi %add3A_287, %add3A_307 : vector<16xi32>
        %swap3A_309 = arith.index_cast %mul3A_245 : i32 to index
        %swap3A_310 = tpu.vector_load %arg22[%swap3A_309] {strides = array<i32>} : memref<4096xi32, #tpu.memory_space<vmem>>, vector<16xi32>,
        %swap3A_311 = vector.shape_cast %swap3A_310 : vector<16xi32> to vector<16xi32>
        %swap3A_312 = vector.shape_cast %add3A_308 : vector<16xi32> to vector<16xi32>
        tpu.vector_store %arg22[%swap3A_309], %swap3A_312 {strides = array<i32>} : memref<4096xi32, #tpu.memory_space<vmem>>, vector<16xi32>,
        %add3A_313 = arith.constant 3600 : i32
        %add3A_314 = vector.broadcast %add3A_313 : i32 to vector<16xi32>
        %add3A_315 = arith.addi %select_n3A_297, %add3A_314 : vector<16xi32>
        %swap3A_316 = arith.index_cast %mul3A_245 : i32 to index
        %swap3A_317 = tpu.vector_load %arg23[%swap3A_316] {strides = array<i32>} : memref<4096xi32, #tpu.memory_space<vmem>>, vector<16xi32>,
        %swap3A_318 = vector.shape_cast %swap3A_317 : vector<16xi32> to vector<16xi32>
        %swap3A_319 = vector.shape_cast %add3A_315 : vector<16xi32> to vector<16xi32>
        tpu.vector_store %arg23[%swap3A_316], %swap3A_319 {strides = array<i32>} : memref<4096xi32, #tpu.memory_space<vmem>>, vector<16xi32>,
        %scan3A_320 = arith.constant 3 : i32
        %scan3A_321 = arith.addi %scan3A_81, %scan3A_320 : i32
        %mul3A_322 = arith.constant 1 : i32
        %mul3A_323 = arith.muli %scan3A_321, %mul3A_322 : i32
        %add3A_324 = arith.constant 0 : i32
        %add3A_325 = arith.addi %add3A_324, %mul3A_323 : i32
        %mul3A_326 = arith.constant 16 : i32
        %mul3A_327 = arith.muli %add3A_325, %mul3A_326 : i32
        %get3A_328 = arith.index_cast %mul3A_327 : i32 to index
        %get3A_329 = tpu.vector_load %arg18[%get3A_328] {strides = array<i32>} : memref<4096xf32, #tpu.memory_space<vmem>>, vector<16xf32>,
        %get3A_330 = vector.shape_cast %get3A_329 : vector<16xf32> to vector<16xf32>
        %add3A_331 = arith.constant 9.000000e+01 : f32
        %add3A_332 = vector.broadcast %add3A_331 : f32 to vector<16xf32>
        %add3A_333 = arith.addf %get3A_330, %add3A_332 : vector<16xf32>
        %mul3A_334 = arith.constant 1.000000e+01 : f32
        %mul3A_335 = vector.broadcast %mul3A_334 : f32 to vector<16xf32>
        %mul3A_336 = arith.mulf %add3A_333, %mul3A_335 : vector<16xf32>
        %get3A_337 = arith.index_cast %mul3A_327 : i32 to index
        %get3A_338 = tpu.vector_load %arg19[%get3A_337] {strides = array<i32>} : memref<4096xf32, #tpu.memory_space<vmem>>, vector<16xf32>,
        %get3A_339 = vector.shape_cast %get3A_338 : vector<16xf32> to vector<16xf32>
        %add3A_340 = arith.constant 1.800000e+02 : f32
        %add3A_341 = vector.broadcast %add3A_340 : f32 to vector<16xf32>
        %add3A_342 = arith.addf %get3A_339, %add3A_341 : vector<16xf32>
        %mul3A_343 = arith.constant 1.000000e+01 : f32
        %mul3A_344 = vector.broadcast %mul3A_343 : f32 to vector<16xf32>
        %mul3A_345 = arith.mulf %add3A_342, %mul3A_344 : vector<16xf32>
        %convert_element_type3A_346 = arith.fptosi %mul3A_336 : vector<16xf32> to vector<16xi32>
        %min3A_347 = arith.constant 1799 : i32
        %min3A_348 = vector.broadcast %min3A_347 : i32 to vector<16xi32>
        %min3A_349 = arith.minsi %convert_element_type3A_346, %min3A_348 : vector<16xi32>
        %convert_element_type3A_350 = arith.fptosi %mul3A_345 : vector<16xf32> to vector<16xi32>
        %min3A_351 = arith.constant 3599 : i32
        %min3A_352 = vector.broadcast %min3A_351 : i32 to vector<16xi32>
        %min3A_353 = arith.minsi %convert_element_type3A_350, %min3A_352 : vector<16xi32>
        %convert_element_type3A_354 = arith.sitofp %min3A_349 : vector<16xi32> to vector<16xf32>
        %sub3A_355 = arith.subf %mul3A_336, %convert_element_type3A_354 : vector<16xf32>
        %swap3A_356 = arith.index_cast %mul3A_327 : i32 to index
        %swap3A_357 = tpu.vector_load %arg24[%swap3A_356] {strides = array<i32>} : memref<4096xf32, #tpu.memory_space<vmem>>, vector<16xf32>,
        %swap3A_358 = vector.shape_cast %swap3A_357 : vector<16xf32> to vector<16xf32>
        %swap3A_359 = vector.shape_cast %sub3A_355 : vector<16xf32> to vector<16xf32>
        tpu.vector_store %arg24[%swap3A_356], %swap3A_359 {strides = array<i32>} : memref<4096xf32, #tpu.memory_space<vmem>>, vector<16xf32>,
        %convert_element_type3A_360 = arith.sitofp %min3A_353 : vector<16xi32> to vector<16xf32>
        %sub3A_361 = arith.subf %mul3A_345, %convert_element_type3A_360 : vector<16xf32>
        %swap3A_362 = arith.index_cast %mul3A_327 : i32 to index
        %swap3A_363 = tpu.vector_load %arg25[%swap3A_362] {strides = array<i32>} : memref<4096xf32, #tpu.memory_space<vmem>>, vector<16xf32>,
        %swap3A_364 = vector.shape_cast %swap3A_363 : vector<16xf32> to vector<16xf32>
        %swap3A_365 = vector.shape_cast %sub3A_361 : vector<16xf32> to vector<16xf32>
        tpu.vector_store %arg25[%swap3A_362], %swap3A_365 {strides = array<i32>} : memref<4096xf32, #tpu.memory_space<vmem>>, vector<16xf32>,
        %mul3A_366 = arith.constant 3600 : i32
        %mul3A_367 = vector.broadcast %mul3A_366 : i32 to vector<16xi32>
        %mul3A_368 = arith.muli %min3A_349, %mul3A_367 : vector<16xi32>
        %add3A_369 = arith.addi %mul3A_368, %min3A_353 : vector<16xi32>
        %eq3A_370 = arith.constant 3599 : i32
        %eq3A_371 = vector.broadcast %eq3A_370 : i32 to vector<16xi32>
        %eq3A_372 = arith.cmpi eq, %min3A_353, %eq3A_371 : vector<16xi32>
        %mul3A_373 = arith.constant 3600 : i32
        %mul3A_374 = vector.broadcast %mul3A_373 : i32 to vector<16xi32>
        %mul3A_375 = arith.muli %min3A_349, %mul3A_374 : vector<16xi32>
        %add3A_376 = arith.constant 1 : i32
        %add3A_377 = vector.broadcast %add3A_376 : i32 to vector<16xi32>
        %add3A_378 = arith.addi %add3A_369, %add3A_377 : vector<16xi32>
        %select_n3A_379 = arith.select %eq3A_372, %mul3A_375, %add3A_378 : vector<16xi1>, vector<16xi32>
        %swap3A_380 = arith.index_cast %mul3A_327 : i32 to index
        %swap3A_381 = tpu.vector_load %arg20[%swap3A_380] {strides = array<i32>} : memref<4096xi32, #tpu.memory_space<vmem>>, vector<16xi32>,
        %swap3A_382 = vector.shape_cast %swap3A_381 : vector<16xi32> to vector<16xi32>
        %swap3A_383 = vector.shape_cast %add3A_369 : vector<16xi32> to vector<16xi32>
        tpu.vector_store %arg20[%swap3A_380], %swap3A_383 {strides = array<i32>} : memref<4096xi32, #tpu.memory_space<vmem>>, vector<16xi32>,
        %swap3A_384 = arith.index_cast %mul3A_327 : i32 to index
        %swap3A_385 = tpu.vector_load %arg21[%swap3A_384] {strides = array<i32>} : memref<4096xi32, #tpu.memory_space<vmem>>, vector<16xi32>,
        %swap3A_386 = vector.shape_cast %swap3A_385 : vector<16xi32> to vector<16xi32>
        %swap3A_387 = vector.shape_cast %select_n3A_379 : vector<16xi32> to vector<16xi32>
        tpu.vector_store %arg21[%swap3A_384], %swap3A_387 {strides = array<i32>} : memref<4096xi32, #tpu.memory_space<vmem>>, vector<16xi32>,
        %add3A_388 = arith.constant 3600 : i32
        %add3A_389 = vector.broadcast %add3A_388 : i32 to vector<16xi32>
        %add3A_390 = arith.addi %add3A_369, %add3A_389 : vector<16xi32>
        %swap3A_391 = arith.index_cast %mul3A_327 : i32 to index
        %swap3A_392 = tpu.vector_load %arg22[%swap3A_391] {strides = array<i32>} : memref<4096xi32, #tpu.memory_space<vmem>>, vector<16xi32>,
        %swap3A_393 = vector.shape_cast %swap3A_392 : vector<16xi32> to vector<16xi32>
        %swap3A_394 = vector.shape_cast %add3A_390 : vector<16xi32> to vector<16xi32>
        tpu.vector_store %arg22[%swap3A_391], %swap3A_394 {strides = array<i32>} : memref<4096xi32, #tpu.memory_space<vmem>>, vector<16xi32>,
        %add3A_395 = arith.constant 3600 : i32
        %add3A_396 = vector.broadcast %add3A_395 : i32 to vector<16xi32>
        %add3A_397 = arith.addi %select_n3A_379, %add3A_396 : vector<16xi32>
        %swap3A_398 = arith.index_cast %mul3A_327 : i32 to index
        %swap3A_399 = tpu.vector_load %arg23[%swap3A_398] {strides = array<i32>} : memref<4096xi32, #tpu.memory_space<vmem>>, vector<16xi32>,
        %swap3A_400 = vector.shape_cast %swap3A_399 : vector<16xi32> to vector<16xi32>
        %swap3A_401 = vector.shape_cast %add3A_397 : vector<16xi32> to vector<16xi32>
        tpu.vector_store %arg23[%swap3A_398], %swap3A_401 {strides = array<i32>} : memref<4096xi32, #tpu.memory_space<vmem>>, vector<16xi32>,
      }
      %scan3A_37 = arith.constant 256 : i32
      %dma_start3A_38 = arith.constant 0 : i32
      %dma_start3A_39 = tpu.memref_slice %arg2[%dma_start3A_38] : memref<6483600xf32, #tpu.memory_space<hbm>> -> memref<6483600xf32, #tpu.memory_space<hbm>>
      tpu.enqueue_indirect_dma source(%dma_start3A_39 : memref<6483600xf32, #tpu.memory_space<hbm>>) target(%arg26 : memref<4096xf32, #tpu.memory_space<vmem>>) offsets(%arg20 : memref<4096xi32, #tpu.memory_space<vmem>>) semaphore(%arg32 : memref<!tpu.dma_semaphore, #tpu.memory_space<semaphore_mem>>)
      %dma_start3A_40 = arith.constant 0 : i32
      %dma_start3A_41 = tpu.memref_slice %arg2[%dma_start3A_40] : memref<6483600xf32, #tpu.memory_space<hbm>> -> memref<6483600xf32, #tpu.memory_space<hbm>>
      tpu.enqueue_indirect_dma source(%dma_start3A_41 : memref<6483600xf32, #tpu.memory_space<hbm>>) target(%arg27 : memref<4096xf32, #tpu.memory_space<vmem>>) offsets(%arg21 : memref<4096xi32, #tpu.memory_space<vmem>>) semaphore(%arg32 : memref<!tpu.dma_semaphore, #tpu.memory_space<semaphore_mem>>)
      %dma_start3A_42 = arith.constant 0 : i32
      %dma_start3A_43 = tpu.memref_slice %arg2[%dma_start3A_42] : memref<6483600xf32, #tpu.memory_space<hbm>> -> memref<6483600xf32, #tpu.memory_space<hbm>>
      tpu.enqueue_indirect_dma source(%dma_start3A_43 : memref<6483600xf32, #tpu.memory_space<hbm>>) target(%arg28 : memref<4096xf32, #tpu.memory_space<vmem>>) offsets(%arg22 : memref<4096xi32, #tpu.memory_space<vmem>>) semaphore(%arg32 : memref<!tpu.dma_semaphore, #tpu.memory_space<semaphore_mem>>)
      %dma_start3A_44 = arith.constant 0 : i32
      %dma_start3A_45 = tpu.memref_slice %arg2[%dma_start3A_44] : memref<6483600xf32, #tpu.memory_space<hbm>> -> memref<6483600xf32, #tpu.memory_space<hbm>>
      tpu.enqueue_indirect_dma source(%dma_start3A_45 : memref<6483600xf32, #tpu.memory_space<hbm>>) target(%arg29 : memref<4096xf32, #tpu.memory_space<vmem>>) offsets(%arg23 : memref<4096xi32, #tpu.memory_space<vmem>>) semaphore(%arg32 : memref<!tpu.dma_semaphore, #tpu.memory_space<semaphore_mem>>)
      %dma_wait3A = arith.constant 0 : i32
      %dma_wait3A_46 = tpu.memref_slice %arg2[%dma_wait3A] : memref<6483600xf32, #tpu.memory_space<hbm>> -> memref<6483600xf32, #tpu.memory_space<hbm>>
      tpu.wait_indirect_dma semaphore(%arg31 : memref<!tpu.dma_semaphore, #tpu.memory_space<semaphore_mem>>) src(%dma_wait3A_46 : memref<6483600xf32, #tpu.memory_space<hbm>>) dst(%arg14 : memref<4096xf32, #tpu.memory_space<vmem>>)
      %dma_wait3A_47 = arith.constant 0 : i32
      %dma_wait3A_48 = tpu.memref_slice %arg2[%dma_wait3A_47] : memref<6483600xf32, #tpu.memory_space<hbm>> -> memref<6483600xf32, #tpu.memory_space<hbm>>
      tpu.wait_indirect_dma semaphore(%arg31 : memref<!tpu.dma_semaphore, #tpu.memory_space<semaphore_mem>>) src(%dma_wait3A_48 : memref<6483600xf32, #tpu.memory_space<hbm>>) dst(%arg15 : memref<4096xf32, #tpu.memory_space<vmem>>)
      %dma_wait3A_49 = arith.constant 0 : i32
      %dma_wait3A_50 = tpu.memref_slice %arg2[%dma_wait3A_49] : memref<6483600xf32, #tpu.memory_space<hbm>> -> memref<6483600xf32, #tpu.memory_space<hbm>>
      tpu.wait_indirect_dma semaphore(%arg31 : memref<!tpu.dma_semaphore, #tpu.memory_space<semaphore_mem>>) src(%dma_wait3A_50 : memref<6483600xf32, #tpu.memory_space<hbm>>) dst(%arg16 : memref<4096xf32, #tpu.memory_space<vmem>>)
      %dma_wait3A_51 = arith.constant 0 : i32
      %dma_wait3A_52 = tpu.memref_slice %arg2[%dma_wait3A_51] : memref<6483600xf32, #tpu.memory_space<hbm>> -> memref<6483600xf32, #tpu.memory_space<hbm>>
      tpu.wait_indirect_dma semaphore(%arg31 : memref<!tpu.dma_semaphore, #tpu.memory_space<semaphore_mem>>) src(%dma_wait3A_52 : memref<6483600xf32, #tpu.memory_space<hbm>>) dst(%arg17 : memref<4096xf32, #tpu.memory_space<vmem>>)
      %scan3A_53 = arith.constant 0 : i32
      %scan3A_54 = arith.constant 256 : i32
      %scan3A_55 = arith.addi %scan3A_53, %scan3A_54 : i32
      %scan3A_56 = arith.constant 4 : i32
      scf.for %scan3A_81 = %scan3A_53 to %scan3A_55 step %scan3A_56  : i32 {
        %mul3A_82 = arith.constant 1 : i32
        %mul3A_83 = arith.muli %scan3A_81, %mul3A_82 : i32
        %add3A_84 = arith.constant 0 : i32
        %add3A_85 = arith.addi %add3A_84, %mul3A_83 : i32
        %mul3A_86 = arith.constant 16 : i32
        %mul3A_87 = arith.muli %add3A_85, %mul3A_86 : i32
        %get3A = arith.index_cast %mul3A_87 : i32 to index
        %get3A_88 = tpu.vector_load %arg12[%get3A] {strides = array<i32>} : memref<4096xf32, #tpu.memory_space<vmem>>, vector<16xf32>,
        %get3A_89 = vector.shape_cast %get3A_88 : vector<16xf32> to vector<16xf32>
        %get3A_90 = arith.index_cast %mul3A_87 : i32 to index
        %get3A_91 = tpu.vector_load %arg13[%get3A_90] {strides = array<i32>} : memref<4096xf32, #tpu.memory_space<vmem>>, vector<16xf32>,
        %get3A_92 = vector.shape_cast %get3A_91 : vector<16xf32> to vector<16xf32>
        %sub3A = arith.constant 1.000000e+00 : f32
        %sub3A_93 = vector.broadcast %sub3A : f32 to vector<16xf32>
        %sub3A_94 = arith.subf %sub3A_93, %get3A_89 : vector<16xf32>
        %sub3A_95 = arith.constant 1.000000e+00 : f32
        %sub3A_96 = vector.broadcast %sub3A_95 : f32 to vector<16xf32>
        %sub3A_97 = arith.subf %sub3A_96, %get3A_92 : vector<16xf32>
        %mul3A_98 = arith.mulf %sub3A_94, %sub3A_97 : vector<16xf32>
        %get3A_99 = arith.index_cast %mul3A_87 : i32 to index
        %get3A_100 = tpu.vector_load %arg14[%get3A_99] {strides = array<i32>} : memref<4096xf32, #tpu.memory_space<vmem>>, vector<16xf32>,
        %get3A_101 = vector.shape_cast %get3A_100 : vector<16xf32> to vector<16xf32>
        %mul3A_102 = arith.mulf %mul3A_98, %get3A_101 : vector<16xf32>
        %sub3A_103 = arith.constant 1.000000e+00 : f32
        %sub3A_104 = vector.broadcast %sub3A_103 : f32 to vector<16xf32>
        %sub3A_105 = arith.subf %sub3A_104, %get3A_89 : vector<16xf32>
        %mul3A_106 = arith.mulf %sub3A_105, %get3A_92 : vector<16xf32>
        %get3A_107 = arith.index_cast %mul3A_87 : i32 to index
        %get3A_108 = tpu.vector_load %arg15[%get3A_107] {strides = array<i32>} : memref<4096xf32, #tpu.memory_space<vmem>>, vector<16xf32>,
        %get3A_109 = vector.shape_cast %get3A_108 : vector<16xf32> to vector<16xf32>
        %mul3A_110 = arith.mulf %mul3A_106, %get3A_109 : vector<16xf32>
        %add3A_111 = arith.addf %mul3A_102, %mul3A_110 : vector<16xf32>
        %sub3A_112 = arith.constant 1.000000e+00 : f32
        %sub3A_113 = vector.broadcast %sub3A_112 : f32 to vector<16xf32>
        %sub3A_114 = arith.subf %sub3A_113, %get3A_92 : vector<16xf32>
        %mul3A_115 = arith.mulf %get3A_89, %sub3A_114 : vector<16xf32>
        %get3A_116 = arith.index_cast %mul3A_87 : i32 to index
        %get3A_117 = tpu.vector_load %arg16[%get3A_116] {strides = array<i32>} : memref<4096xf32, #tpu.memory_space<vmem>>, vector<16xf32>,
        %get3A_118 = vector.shape_cast %get3A_117 : vector<16xf32> to vector<16xf32>
        %mul3A_119 = arith.mulf %mul3A_115, %get3A_118 : vector<16xf32>
        %add3A_120 = arith.addf %add3A_111, %mul3A_119 : vector<16xf32>
        %mul3A_121 = arith.mulf %get3A_89, %get3A_92 : vector<16xf32>
        %get3A_122 = arith.index_cast %mul3A_87 : i32 to index
        %get3A_123 = tpu.vector_load %arg17[%get3A_122] {strides = array<i32>} : memref<4096xf32, #tpu.memory_space<vmem>>, vector<16xf32>,
        %get3A_124 = vector.shape_cast %get3A_123 : vector<16xf32> to vector<16xf32>
        %mul3A_125 = arith.mulf %mul3A_121, %get3A_124 : vector<16xf32>
        %add3A_126 = arith.addf %add3A_120, %mul3A_125 : vector<16xf32>
        %swap3A = arith.index_cast %mul3A_87 : i32 to index
        %swap3A_127 = tpu.vector_load %arg30[%swap3A] {strides = array<i32>} : memref<4096xf32, #tpu.memory_space<vmem>>, vector<16xf32>,
        %swap3A_128 = vector.shape_cast %swap3A_127 : vector<16xf32> to vector<16xf32>
        %swap3A_129 = vector.shape_cast %add3A_126 : vector<16xf32> to vector<16xf32>
        tpu.vector_store %arg30[%swap3A], %swap3A_129 {strides = array<i32>} : memref<4096xf32, #tpu.memory_space<vmem>>, vector<16xf32>,
        %scan3A_130 = arith.constant 1 : i32
        %scan3A_131 = arith.addi %scan3A_81, %scan3A_130 : i32
        %mul3A_132 = arith.constant 1 : i32
        %mul3A_133 = arith.muli %scan3A_131, %mul3A_132 : i32
        %add3A_134 = arith.constant 0 : i32
        %add3A_135 = arith.addi %add3A_134, %mul3A_133 : i32
        %mul3A_136 = arith.constant 16 : i32
        %mul3A_137 = arith.muli %add3A_135, %mul3A_136 : i32
        %get3A_138 = arith.index_cast %mul3A_137 : i32 to index
        %get3A_139 = tpu.vector_load %arg12[%get3A_138] {strides = array<i32>} : memref<4096xf32, #tpu.memory_space<vmem>>, vector<16xf32>,
        %get3A_140 = vector.shape_cast %get3A_139 : vector<16xf32> to vector<16xf32>
        %get3A_141 = arith.index_cast %mul3A_137 : i32 to index
        %get3A_142 = tpu.vector_load %arg13[%get3A_141] {strides = array<i32>} : memref<4096xf32, #tpu.memory_space<vmem>>, vector<16xf32>,
        %get3A_143 = vector.shape_cast %get3A_142 : vector<16xf32> to vector<16xf32>
        %sub3A_144 = arith.constant 1.000000e+00 : f32
        %sub3A_145 = vector.broadcast %sub3A_144 : f32 to vector<16xf32>
        %sub3A_146 = arith.subf %sub3A_145, %get3A_140 : vector<16xf32>
        %sub3A_147 = arith.constant 1.000000e+00 : f32
        %sub3A_148 = vector.broadcast %sub3A_147 : f32 to vector<16xf32>
        %sub3A_149 = arith.subf %sub3A_148, %get3A_143 : vector<16xf32>
        %mul3A_150 = arith.mulf %sub3A_146, %sub3A_149 : vector<16xf32>
        %get3A_151 = arith.index_cast %mul3A_137 : i32 to index
        %get3A_152 = tpu.vector_load %arg14[%get3A_151] {strides = array<i32>} : memref<4096xf32, #tpu.memory_space<vmem>>, vector<16xf32>,
        %get3A_153 = vector.shape_cast %get3A_152 : vector<16xf32> to vector<16xf32>
        %mul3A_154 = arith.mulf %mul3A_150, %get3A_153 : vector<16xf32>
        %sub3A_155 = arith.constant 1.000000e+00 : f32
        %sub3A_156 = vector.broadcast %sub3A_155 : f32 to vector<16xf32>
        %sub3A_157 = arith.subf %sub3A_156, %get3A_140 : vector<16xf32>
        %mul3A_158 = arith.mulf %sub3A_157, %get3A_143 : vector<16xf32>
        %get3A_159 = arith.index_cast %mul3A_137 : i32 to index
        %get3A_160 = tpu.vector_load %arg15[%get3A_159] {strides = array<i32>} : memref<4096xf32, #tpu.memory_space<vmem>>, vector<16xf32>,
        %get3A_161 = vector.shape_cast %get3A_160 : vector<16xf32> to vector<16xf32>
        %mul3A_162 = arith.mulf %mul3A_158, %get3A_161 : vector<16xf32>
        %add3A_163 = arith.addf %mul3A_154, %mul3A_162 : vector<16xf32>
        %sub3A_164 = arith.constant 1.000000e+00 : f32
        %sub3A_165 = vector.broadcast %sub3A_164 : f32 to vector<16xf32>
        %sub3A_166 = arith.subf %sub3A_165, %get3A_143 : vector<16xf32>
        %mul3A_167 = arith.mulf %get3A_140, %sub3A_166 : vector<16xf32>
        %get3A_168 = arith.index_cast %mul3A_137 : i32 to index
        %get3A_169 = tpu.vector_load %arg16[%get3A_168] {strides = array<i32>} : memref<4096xf32, #tpu.memory_space<vmem>>, vector<16xf32>,
        %get3A_170 = vector.shape_cast %get3A_169 : vector<16xf32> to vector<16xf32>
        %mul3A_171 = arith.mulf %mul3A_167, %get3A_170 : vector<16xf32>
        %add3A_172 = arith.addf %add3A_163, %mul3A_171 : vector<16xf32>
        %mul3A_173 = arith.mulf %get3A_140, %get3A_143 : vector<16xf32>
        %get3A_174 = arith.index_cast %mul3A_137 : i32 to index
        %get3A_175 = tpu.vector_load %arg17[%get3A_174] {strides = array<i32>} : memref<4096xf32, #tpu.memory_space<vmem>>, vector<16xf32>,
        %get3A_176 = vector.shape_cast %get3A_175 : vector<16xf32> to vector<16xf32>
        %mul3A_177 = arith.mulf %mul3A_173, %get3A_176 : vector<16xf32>
        %add3A_178 = arith.addf %add3A_172, %mul3A_177 : vector<16xf32>
        %swap3A_179 = arith.index_cast %mul3A_137 : i32 to index
        %swap3A_180 = tpu.vector_load %arg30[%swap3A_179] {strides = array<i32>} : memref<4096xf32, #tpu.memory_space<vmem>>, vector<16xf32>,
        %swap3A_181 = vector.shape_cast %swap3A_180 : vector<16xf32> to vector<16xf32>
        %swap3A_182 = vector.shape_cast %add3A_178 : vector<16xf32> to vector<16xf32>
        tpu.vector_store %arg30[%swap3A_179], %swap3A_182 {strides = array<i32>} : memref<4096xf32, #tpu.memory_space<vmem>>, vector<16xf32>,
        %scan3A_183 = arith.constant 2 : i32
        %scan3A_184 = arith.addi %scan3A_81, %scan3A_183 : i32
        %mul3A_185 = arith.constant 1 : i32
        %mul3A_186 = arith.muli %scan3A_184, %mul3A_185 : i32
        %add3A_187 = arith.constant 0 : i32
        %add3A_188 = arith.addi %add3A_187, %mul3A_186 : i32
        %mul3A_189 = arith.constant 16 : i32
        %mul3A_190 = arith.muli %add3A_188, %mul3A_189 : i32
        %get3A_191 = arith.index_cast %mul3A_190 : i32 to index
        %get3A_192 = tpu.vector_load %arg12[%get3A_191] {strides = array<i32>} : memref<4096xf32, #tpu.memory_space<vmem>>, vector<16xf32>,
        %get3A_193 = vector.shape_cast %get3A_192 : vector<16xf32> to vector<16xf32>
        %get3A_194 = arith.index_cast %mul3A_190 : i32 to index
        %get3A_195 = tpu.vector_load %arg13[%get3A_194] {strides = array<i32>} : memref<4096xf32, #tpu.memory_space<vmem>>, vector<16xf32>,
        %get3A_196 = vector.shape_cast %get3A_195 : vector<16xf32> to vector<16xf32>
        %sub3A_197 = arith.constant 1.000000e+00 : f32
        %sub3A_198 = vector.broadcast %sub3A_197 : f32 to vector<16xf32>
        %sub3A_199 = arith.subf %sub3A_198, %get3A_193 : vector<16xf32>
        %sub3A_200 = arith.constant 1.000000e+00 : f32
        %sub3A_201 = vector.broadcast %sub3A_200 : f32 to vector<16xf32>
        %sub3A_202 = arith.subf %sub3A_201, %get3A_196 : vector<16xf32>
        %mul3A_203 = arith.mulf %sub3A_199, %sub3A_202 : vector<16xf32>
        %get3A_204 = arith.index_cast %mul3A_190 : i32 to index
        %get3A_205 = tpu.vector_load %arg14[%get3A_204] {strides = array<i32>} : memref<4096xf32, #tpu.memory_space<vmem>>, vector<16xf32>,
        %get3A_206 = vector.shape_cast %get3A_205 : vector<16xf32> to vector<16xf32>
        %mul3A_207 = arith.mulf %mul3A_203, %get3A_206 : vector<16xf32>
        %sub3A_208 = arith.constant 1.000000e+00 : f32
        %sub3A_209 = vector.broadcast %sub3A_208 : f32 to vector<16xf32>
        %sub3A_210 = arith.subf %sub3A_209, %get3A_193 : vector<16xf32>
        %mul3A_211 = arith.mulf %sub3A_210, %get3A_196 : vector<16xf32>
        %get3A_212 = arith.index_cast %mul3A_190 : i32 to index
        %get3A_213 = tpu.vector_load %arg15[%get3A_212] {strides = array<i32>} : memref<4096xf32, #tpu.memory_space<vmem>>, vector<16xf32>,
        %get3A_214 = vector.shape_cast %get3A_213 : vector<16xf32> to vector<16xf32>
        %mul3A_215 = arith.mulf %mul3A_211, %get3A_214 : vector<16xf32>
        %add3A_216 = arith.addf %mul3A_207, %mul3A_215 : vector<16xf32>
        %sub3A_217 = arith.constant 1.000000e+00 : f32
        %sub3A_218 = vector.broadcast %sub3A_217 : f32 to vector<16xf32>
        %sub3A_219 = arith.subf %sub3A_218, %get3A_196 : vector<16xf32>
        %mul3A_220 = arith.mulf %get3A_193, %sub3A_219 : vector<16xf32>
        %get3A_221 = arith.index_cast %mul3A_190 : i32 to index
        %get3A_222 = tpu.vector_load %arg16[%get3A_221] {strides = array<i32>} : memref<4096xf32, #tpu.memory_space<vmem>>, vector<16xf32>,
        %get3A_223 = vector.shape_cast %get3A_222 : vector<16xf32> to vector<16xf32>
        %mul3A_224 = arith.mulf %mul3A_220, %get3A_223 : vector<16xf32>
        %add3A_225 = arith.addf %add3A_216, %mul3A_224 : vector<16xf32>
        %mul3A_226 = arith.mulf %get3A_193, %get3A_196 : vector<16xf32>
        %get3A_227 = arith.index_cast %mul3A_190 : i32 to index
        %get3A_228 = tpu.vector_load %arg17[%get3A_227] {strides = array<i32>} : memref<4096xf32, #tpu.memory_space<vmem>>, vector<16xf32>,
        %get3A_229 = vector.shape_cast %get3A_228 : vector<16xf32> to vector<16xf32>
        %mul3A_230 = arith.mulf %mul3A_226, %get3A_229 : vector<16xf32>
        %add3A_231 = arith.addf %add3A_225, %mul3A_230 : vector<16xf32>
        %swap3A_232 = arith.index_cast %mul3A_190 : i32 to index
        %swap3A_233 = tpu.vector_load %arg30[%swap3A_232] {strides = array<i32>} : memref<4096xf32, #tpu.memory_space<vmem>>, vector<16xf32>,
        %swap3A_234 = vector.shape_cast %swap3A_233 : vector<16xf32> to vector<16xf32>
        %swap3A_235 = vector.shape_cast %add3A_231 : vector<16xf32> to vector<16xf32>
        tpu.vector_store %arg30[%swap3A_232], %swap3A_235 {strides = array<i32>} : memref<4096xf32, #tpu.memory_space<vmem>>, vector<16xf32>,
        %scan3A_236 = arith.constant 3 : i32
        %scan3A_237 = arith.addi %scan3A_81, %scan3A_236 : i32
        %mul3A_238 = arith.constant 1 : i32
        %mul3A_239 = arith.muli %scan3A_237, %mul3A_238 : i32
        %add3A_240 = arith.constant 0 : i32
        %add3A_241 = arith.addi %add3A_240, %mul3A_239 : i32
        %mul3A_242 = arith.constant 16 : i32
        %mul3A_243 = arith.muli %add3A_241, %mul3A_242 : i32
        %get3A_244 = arith.index_cast %mul3A_243 : i32 to index
        %get3A_245 = tpu.vector_load %arg12[%get3A_244] {strides = array<i32>} : memref<4096xf32, #tpu.memory_space<vmem>>, vector<16xf32>,
        %get3A_246 = vector.shape_cast %get3A_245 : vector<16xf32> to vector<16xf32>
        %get3A_247 = arith.index_cast %mul3A_243 : i32 to index
        %get3A_248 = tpu.vector_load %arg13[%get3A_247] {strides = array<i32>} : memref<4096xf32, #tpu.memory_space<vmem>>, vector<16xf32>,
        %get3A_249 = vector.shape_cast %get3A_248 : vector<16xf32> to vector<16xf32>
        %sub3A_250 = arith.constant 1.000000e+00 : f32
        %sub3A_251 = vector.broadcast %sub3A_250 : f32 to vector<16xf32>
        %sub3A_252 = arith.subf %sub3A_251, %get3A_246 : vector<16xf32>
        %sub3A_253 = arith.constant 1.000000e+00 : f32
        %sub3A_254 = vector.broadcast %sub3A_253 : f32 to vector<16xf32>
        %sub3A_255 = arith.subf %sub3A_254, %get3A_249 : vector<16xf32>
        %mul3A_256 = arith.mulf %sub3A_252, %sub3A_255 : vector<16xf32>
        %get3A_257 = arith.index_cast %mul3A_243 : i32 to index
        %get3A_258 = tpu.vector_load %arg14[%get3A_257] {strides = array<i32>} : memref<4096xf32, #tpu.memory_space<vmem>>, vector<16xf32>,
        %get3A_259 = vector.shape_cast %get3A_258 : vector<16xf32> to vector<16xf32>
        %mul3A_260 = arith.mulf %mul3A_256, %get3A_259 : vector<16xf32>
        %sub3A_261 = arith.constant 1.000000e+00 : f32
        %sub3A_262 = vector.broadcast %sub3A_261 : f32 to vector<16xf32>
        %sub3A_263 = arith.subf %sub3A_262, %get3A_246 : vector<16xf32>
        %mul3A_264 = arith.mulf %sub3A_263, %get3A_249 : vector<16xf32>
        %get3A_265 = arith.index_cast %mul3A_243 : i32 to index
        %get3A_266 = tpu.vector_load %arg15[%get3A_265] {strides = array<i32>} : memref<4096xf32, #tpu.memory_space<vmem>>, vector<16xf32>,
        %get3A_267 = vector.shape_cast %get3A_266 : vector<16xf32> to vector<16xf32>
        %mul3A_268 = arith.mulf %mul3A_264, %get3A_267 : vector<16xf32>
        %add3A_269 = arith.addf %mul3A_260, %mul3A_268 : vector<16xf32>
        %sub3A_270 = arith.constant 1.000000e+00 : f32
        %sub3A_271 = vector.broadcast %sub3A_270 : f32 to vector<16xf32>
        %sub3A_272 = arith.subf %sub3A_271, %get3A_249 : vector<16xf32>
        %mul3A_273 = arith.mulf %get3A_246, %sub3A_272 : vector<16xf32>
        %get3A_274 = arith.index_cast %mul3A_243 : i32 to index
        %get3A_275 = tpu.vector_load %arg16[%get3A_274] {strides = array<i32>} : memref<4096xf32, #tpu.memory_space<vmem>>, vector<16xf32>,
        %get3A_276 = vector.shape_cast %get3A_275 : vector<16xf32> to vector<16xf32>
        %mul3A_277 = arith.mulf %mul3A_273, %get3A_276 : vector<16xf32>
        %add3A_278 = arith.addf %add3A_269, %mul3A_277 : vector<16xf32>
        %mul3A_279 = arith.mulf %get3A_246, %get3A_249 : vector<16xf32>
        %get3A_280 = arith.index_cast %mul3A_243 : i32 to index
        %get3A_281 = tpu.vector_load %arg17[%get3A_280] {strides = array<i32>} : memref<4096xf32, #tpu.memory_space<vmem>>, vector<16xf32>,
        %get3A_282 = vector.shape_cast %get3A_281 : vector<16xf32> to vector<16xf32>
        %mul3A_283 = arith.mulf %mul3A_279, %get3A_282 : vector<16xf32>
        %add3A_284 = arith.addf %add3A_278, %mul3A_283 : vector<16xf32>
        %swap3A_285 = arith.index_cast %mul3A_243 : i32 to index
        %swap3A_286 = tpu.vector_load %arg30[%swap3A_285] {strides = array<i32>} : memref<4096xf32, #tpu.memory_space<vmem>>, vector<16xf32>,
        %swap3A_287 = vector.shape_cast %swap3A_286 : vector<16xf32> to vector<16xf32>
        %swap3A_288 = vector.shape_cast %add3A_284 : vector<16xf32> to vector<16xf32>
        tpu.vector_store %arg30[%swap3A_285], %swap3A_288 {strides = array<i32>} : memref<4096xf32, #tpu.memory_space<vmem>>, vector<16xf32>,
      }
      %scan3A_57 = arith.constant 256 : i32
      %mul3A_58 = arith.constant 4096 : i32
      %mul3A_59 = arith.muli %mul3A_27, %mul3A_58 : i32
      %add3A_60 = arith.addi %mul3A_2, %mul3A_59 : i32
      "tpu.region"() ({
        %run_scoped3A = tpu.sem_alloc : memref<!tpu.dma_semaphore, #tpu.memory_space<semaphore_mem>>
        %dma_start3A_81 = tpu.memref_slice %arg5[%add3A_60] : memref<1048576xf32, #tpu.memory_space<hbm>> -> memref<4096xf32, #tpu.memory_space<hbm>>
        %dma_start3A_82 = tpu.memref_slice %arg5[%add3A_60] : memref<1048576xf32, #tpu.memory_space<hbm>> -> memref<4096xf32, #tpu.memory_space<hbm>>
        tpu.enqueue_dma source(%arg30 : memref<4096xf32, #tpu.memory_space<vmem>>) target(%dma_start3A_82 : memref<4096xf32, #tpu.memory_space<hbm>>) target_semaphore(%run_scoped3A : memref<!tpu.dma_semaphore, #tpu.memory_space<semaphore_mem>>)
        %dma_wait3A_83 = tpu.memref_slice %arg5[%add3A_60] : memref<1048576xf32, #tpu.memory_space<hbm>> -> memref<4096xf32, #tpu.memory_space<hbm>>
        %dma_wait3A_84 = tpu.memref_slice %arg5[%add3A_60] : memref<1048576xf32, #tpu.memory_space<hbm>> -> memref<4096xf32, #tpu.memory_space<hbm>>
        tpu.wait_dma2 semaphore(%run_scoped3A : memref<!tpu.dma_semaphore, #tpu.memory_space<semaphore_mem>>) src(%arg30 : memref<4096xf32, #tpu.memory_space<vmem>>) dst(%dma_wait3A_84 : memref<4096xf32, #tpu.memory_space<hbm>>)
        tpu.yield
      }) : () -> ()
      %lt3A = arith.constant 3 : i32
      %lt3A_61 = arith.cmpi slt, %add3A_25, %lt3A : i32
      %convert_element_type3A = arith.extui %lt3A_61 : i1 to i32
      %cond3A = arith.constant 0 : i32
      %cond3A_62 = arith.cmpi ne, %convert_element_type3A, %cond3A : i32
      scf.if %cond3A_62 {
        %add3A_81 = arith.constant 2 : i32
        %add3A_82 = arith.addi %mul3A_27, %add3A_81 : i32
        %mul3A_83 = arith.constant 4096 : i32
        %mul3A_84 = arith.muli %add3A_82, %mul3A_83 : i32
        %add3A_85 = arith.addi %mul3A_2, %mul3A_84 : i32
        "tpu.region"() ({
          %run_scoped3A = tpu.sem_alloc : memref<!tpu.dma_semaphore, #tpu.memory_space<semaphore_mem>>
          %dma_start3A_99 = tpu.memref_slice %arg3[%add3A_85] : memref<1048576xf32, #tpu.memory_space<hbm>> -> memref<4096xf32, #tpu.memory_space<hbm>>
          %dma_start3A_100 = tpu.memref_slice %arg3[%add3A_85] : memref<1048576xf32, #tpu.memory_space<hbm>> -> memref<4096xf32, #tpu.memory_space<hbm>>
          tpu.enqueue_dma source(%dma_start3A_100 : memref<4096xf32, #tpu.memory_space<hbm>>) target(%arg6 : memref<4096xf32, #tpu.memory_space<vmem>>) target_semaphore(%run_scoped3A : memref<!tpu.dma_semaphore, #tpu.memory_space<semaphore_mem>>)
          %dma_wait3A_101 = tpu.memref_slice %arg3[%add3A_85] : memref<1048576xf32, #tpu.memory_space<hbm>> -> memref<4096xf32, #tpu.memory_space<hbm>>
          %dma_wait3A_102 = tpu.memref_slice %arg3[%add3A_85] : memref<1048576xf32, #tpu.memory_space<hbm>> -> memref<4096xf32, #tpu.memory_space<hbm>>
          tpu.wait_dma2 semaphore(%run_scoped3A : memref<!tpu.dma_semaphore, #tpu.memory_space<semaphore_mem>>) src(%dma_wait3A_102 : memref<4096xf32, #tpu.memory_space<hbm>>) dst(%arg6 : memref<4096xf32, #tpu.memory_space<vmem>>)
          tpu.yield
        }) : () -> ()
        "tpu.region"() ({
          %run_scoped3A = tpu.sem_alloc : memref<!tpu.dma_semaphore, #tpu.memory_space<semaphore_mem>>
          %dma_start3A_99 = tpu.memref_slice %arg4[%add3A_85] : memref<1048576xf32, #tpu.memory_space<hbm>> -> memref<4096xf32, #tpu.memory_space<hbm>>
          %dma_start3A_100 = tpu.memref_slice %arg4[%add3A_85] : memref<1048576xf32, #tpu.memory_space<hbm>> -> memref<4096xf32, #tpu.memory_space<hbm>>
          tpu.enqueue_dma source(%dma_start3A_100 : memref<4096xf32, #tpu.memory_space<hbm>>) target(%arg7 : memref<4096xf32, #tpu.memory_space<vmem>>) target_semaphore(%run_scoped3A : memref<!tpu.dma_semaphore, #tpu.memory_space<semaphore_mem>>)
          %dma_wait3A_101 = tpu.memref_slice %arg4[%add3A_85] : memref<1048576xf32, #tpu.memory_space<hbm>> -> memref<4096xf32, #tpu.memory_space<hbm>>
          %dma_wait3A_102 = tpu.memref_slice %arg4[%add3A_85] : memref<1048576xf32, #tpu.memory_space<hbm>> -> memref<4096xf32, #tpu.memory_space<hbm>>
          tpu.wait_dma2 semaphore(%run_scoped3A : memref<!tpu.dma_semaphore, #tpu.memory_space<semaphore_mem>>) src(%dma_wait3A_102 : memref<4096xf32, #tpu.memory_space<hbm>>) dst(%arg7 : memref<4096xf32, #tpu.memory_space<vmem>>)
          tpu.yield
        }) : () -> ()
        %scan3A_86 = arith.constant 0 : i32
        %scan3A_87 = arith.constant 256 : i32
        %scan3A_88 = arith.addi %scan3A_86, %scan3A_87 : i32
        %scan3A_89 = arith.constant 4 : i32
        scf.for %scan3A_99 = %scan3A_86 to %scan3A_88 step %scan3A_89  : i32 {
          %mul3A_100 = arith.constant 1 : i32
          %mul3A_101 = arith.muli %scan3A_99, %mul3A_100 : i32
          %add3A_102 = arith.constant 0 : i32
          %add3A_103 = arith.addi %add3A_102, %mul3A_101 : i32
          %mul3A_104 = arith.constant 16 : i32
          %mul3A_105 = arith.muli %add3A_103, %mul3A_104 : i32
          %get3A = arith.index_cast %mul3A_105 : i32 to index
          %get3A_106 = tpu.vector_load %arg6[%get3A] {strides = array<i32>} : memref<4096xf32, #tpu.memory_space<vmem>>, vector<16xf32>,
          %get3A_107 = vector.shape_cast %get3A_106 : vector<16xf32> to vector<16xf32>
          %add3A_108 = arith.constant 9.000000e+01 : f32
          %add3A_109 = vector.broadcast %add3A_108 : f32 to vector<16xf32>
          %add3A_110 = arith.addf %get3A_107, %add3A_109 : vector<16xf32>
          %mul3A_111 = arith.constant 1.000000e+01 : f32
          %mul3A_112 = vector.broadcast %mul3A_111 : f32 to vector<16xf32>
          %mul3A_113 = arith.mulf %add3A_110, %mul3A_112 : vector<16xf32>
          %get3A_114 = arith.index_cast %mul3A_105 : i32 to index
          %get3A_115 = tpu.vector_load %arg7[%get3A_114] {strides = array<i32>} : memref<4096xf32, #tpu.memory_space<vmem>>, vector<16xf32>,
          %get3A_116 = vector.shape_cast %get3A_115 : vector<16xf32> to vector<16xf32>
          %add3A_117 = arith.constant 1.800000e+02 : f32
          %add3A_118 = vector.broadcast %add3A_117 : f32 to vector<16xf32>
          %add3A_119 = arith.addf %get3A_116, %add3A_118 : vector<16xf32>
          %mul3A_120 = arith.constant 1.000000e+01 : f32
          %mul3A_121 = vector.broadcast %mul3A_120 : f32 to vector<16xf32>
          %mul3A_122 = arith.mulf %add3A_119, %mul3A_121 : vector<16xf32>
          %convert_element_type3A_123 = arith.fptosi %mul3A_113 : vector<16xf32> to vector<16xi32>
          %min3A = arith.constant 1799 : i32
          %min3A_124 = vector.broadcast %min3A : i32 to vector<16xi32>
          %min3A_125 = arith.minsi %convert_element_type3A_123, %min3A_124 : vector<16xi32>
          %convert_element_type3A_126 = arith.fptosi %mul3A_122 : vector<16xf32> to vector<16xi32>
          %min3A_127 = arith.constant 3599 : i32
          %min3A_128 = vector.broadcast %min3A_127 : i32 to vector<16xi32>
          %min3A_129 = arith.minsi %convert_element_type3A_126, %min3A_128 : vector<16xi32>
          %convert_element_type3A_130 = arith.sitofp %min3A_125 : vector<16xi32> to vector<16xf32>
          %sub3A = arith.subf %mul3A_113, %convert_element_type3A_130 : vector<16xf32>
          %swap3A = arith.index_cast %mul3A_105 : i32 to index
          %swap3A_131 = tpu.vector_load %arg12[%swap3A] {strides = array<i32>} : memref<4096xf32, #tpu.memory_space<vmem>>, vector<16xf32>,
          %swap3A_132 = vector.shape_cast %swap3A_131 : vector<16xf32> to vector<16xf32>
          %swap3A_133 = vector.shape_cast %sub3A : vector<16xf32> to vector<16xf32>
          tpu.vector_store %arg12[%swap3A], %swap3A_133 {strides = array<i32>} : memref<4096xf32, #tpu.memory_space<vmem>>, vector<16xf32>,
          %convert_element_type3A_134 = arith.sitofp %min3A_129 : vector<16xi32> to vector<16xf32>
          %sub3A_135 = arith.subf %mul3A_122, %convert_element_type3A_134 : vector<16xf32>
          %swap3A_136 = arith.index_cast %mul3A_105 : i32 to index
          %swap3A_137 = tpu.vector_load %arg13[%swap3A_136] {strides = array<i32>} : memref<4096xf32, #tpu.memory_space<vmem>>, vector<16xf32>,
          %swap3A_138 = vector.shape_cast %swap3A_137 : vector<16xf32> to vector<16xf32>
          %swap3A_139 = vector.shape_cast %sub3A_135 : vector<16xf32> to vector<16xf32>
          tpu.vector_store %arg13[%swap3A_136], %swap3A_139 {strides = array<i32>} : memref<4096xf32, #tpu.memory_space<vmem>>, vector<16xf32>,
          %mul3A_140 = arith.constant 3600 : i32
          %mul3A_141 = vector.broadcast %mul3A_140 : i32 to vector<16xi32>
          %mul3A_142 = arith.muli %min3A_125, %mul3A_141 : vector<16xi32>
          %add3A_143 = arith.addi %mul3A_142, %min3A_129 : vector<16xi32>
          %eq3A = arith.constant 3599 : i32
          %eq3A_144 = vector.broadcast %eq3A : i32 to vector<16xi32>
          %eq3A_145 = arith.cmpi eq, %min3A_129, %eq3A_144 : vector<16xi32>
          %mul3A_146 = arith.constant 3600 : i32
          %mul3A_147 = vector.broadcast %mul3A_146 : i32 to vector<16xi32>
          %mul3A_148 = arith.muli %min3A_125, %mul3A_147 : vector<16xi32>
          %add3A_149 = arith.constant 1 : i32
          %add3A_150 = vector.broadcast %add3A_149 : i32 to vector<16xi32>
          %add3A_151 = arith.addi %add3A_143, %add3A_150 : vector<16xi32>
          %select_n3A = arith.select %eq3A_145, %mul3A_148, %add3A_151 : vector<16xi1>, vector<16xi32>
          %swap3A_152 = arith.index_cast %mul3A_105 : i32 to index
          %swap3A_153 = tpu.vector_load %arg8[%swap3A_152] {strides = array<i32>} : memref<4096xi32, #tpu.memory_space<vmem>>, vector<16xi32>,
          %swap3A_154 = vector.shape_cast %swap3A_153 : vector<16xi32> to vector<16xi32>
          %swap3A_155 = vector.shape_cast %add3A_143 : vector<16xi32> to vector<16xi32>
          tpu.vector_store %arg8[%swap3A_152], %swap3A_155 {strides = array<i32>} : memref<4096xi32, #tpu.memory_space<vmem>>, vector<16xi32>,
          %swap3A_156 = arith.index_cast %mul3A_105 : i32 to index
          %swap3A_157 = tpu.vector_load %arg9[%swap3A_156] {strides = array<i32>} : memref<4096xi32, #tpu.memory_space<vmem>>, vector<16xi32>,
          %swap3A_158 = vector.shape_cast %swap3A_157 : vector<16xi32> to vector<16xi32>
          %swap3A_159 = vector.shape_cast %select_n3A : vector<16xi32> to vector<16xi32>
          tpu.vector_store %arg9[%swap3A_156], %swap3A_159 {strides = array<i32>} : memref<4096xi32, #tpu.memory_space<vmem>>, vector<16xi32>,
          %add3A_160 = arith.constant 3600 : i32
          %add3A_161 = vector.broadcast %add3A_160 : i32 to vector<16xi32>
          %add3A_162 = arith.addi %add3A_143, %add3A_161 : vector<16xi32>
          %swap3A_163 = arith.index_cast %mul3A_105 : i32 to index
          %swap3A_164 = tpu.vector_load %arg10[%swap3A_163] {strides = array<i32>} : memref<4096xi32, #tpu.memory_space<vmem>>, vector<16xi32>,
          %swap3A_165 = vector.shape_cast %swap3A_164 : vector<16xi32> to vector<16xi32>
          %swap3A_166 = vector.shape_cast %add3A_162 : vector<16xi32> to vector<16xi32>
          tpu.vector_store %arg10[%swap3A_163], %swap3A_166 {strides = array<i32>} : memref<4096xi32, #tpu.memory_space<vmem>>, vector<16xi32>,
          %add3A_167 = arith.constant 3600 : i32
          %add3A_168 = vector.broadcast %add3A_167 : i32 to vector<16xi32>
          %add3A_169 = arith.addi %select_n3A, %add3A_168 : vector<16xi32>
          %swap3A_170 = arith.index_cast %mul3A_105 : i32 to index
          %swap3A_171 = tpu.vector_load %arg11[%swap3A_170] {strides = array<i32>} : memref<4096xi32, #tpu.memory_space<vmem>>, vector<16xi32>,
          %swap3A_172 = vector.shape_cast %swap3A_171 : vector<16xi32> to vector<16xi32>
          %swap3A_173 = vector.shape_cast %add3A_169 : vector<16xi32> to vector<16xi32>
          tpu.vector_store %arg11[%swap3A_170], %swap3A_173 {strides = array<i32>} : memref<4096xi32, #tpu.memory_space<vmem>>, vector<16xi32>,
          %scan3A_174 = arith.constant 1 : i32
          %scan3A_175 = arith.addi %scan3A_99, %scan3A_174 : i32
          %mul3A_176 = arith.constant 1 : i32
          %mul3A_177 = arith.muli %scan3A_175, %mul3A_176 : i32
          %add3A_178 = arith.constant 0 : i32
          %add3A_179 = arith.addi %add3A_178, %mul3A_177 : i32
          %mul3A_180 = arith.constant 16 : i32
          %mul3A_181 = arith.muli %add3A_179, %mul3A_180 : i32
          %get3A_182 = arith.index_cast %mul3A_181 : i32 to index
          %get3A_183 = tpu.vector_load %arg6[%get3A_182] {strides = array<i32>} : memref<4096xf32, #tpu.memory_space<vmem>>, vector<16xf32>,
          %get3A_184 = vector.shape_cast %get3A_183 : vector<16xf32> to vector<16xf32>
          %add3A_185 = arith.constant 9.000000e+01 : f32
          %add3A_186 = vector.broadcast %add3A_185 : f32 to vector<16xf32>
          %add3A_187 = arith.addf %get3A_184, %add3A_186 : vector<16xf32>
          %mul3A_188 = arith.constant 1.000000e+01 : f32
          %mul3A_189 = vector.broadcast %mul3A_188 : f32 to vector<16xf32>
          %mul3A_190 = arith.mulf %add3A_187, %mul3A_189 : vector<16xf32>
          %get3A_191 = arith.index_cast %mul3A_181 : i32 to index
          %get3A_192 = tpu.vector_load %arg7[%get3A_191] {strides = array<i32>} : memref<4096xf32, #tpu.memory_space<vmem>>, vector<16xf32>,
          %get3A_193 = vector.shape_cast %get3A_192 : vector<16xf32> to vector<16xf32>
          %add3A_194 = arith.constant 1.800000e+02 : f32
          %add3A_195 = vector.broadcast %add3A_194 : f32 to vector<16xf32>
          %add3A_196 = arith.addf %get3A_193, %add3A_195 : vector<16xf32>
          %mul3A_197 = arith.constant 1.000000e+01 : f32
          %mul3A_198 = vector.broadcast %mul3A_197 : f32 to vector<16xf32>
          %mul3A_199 = arith.mulf %add3A_196, %mul3A_198 : vector<16xf32>
          %convert_element_type3A_200 = arith.fptosi %mul3A_190 : vector<16xf32> to vector<16xi32>
          %min3A_201 = arith.constant 1799 : i32
          %min3A_202 = vector.broadcast %min3A_201 : i32 to vector<16xi32>
          %min3A_203 = arith.minsi %convert_element_type3A_200, %min3A_202 : vector<16xi32>
          %convert_element_type3A_204 = arith.fptosi %mul3A_199 : vector<16xf32> to vector<16xi32>
          %min3A_205 = arith.constant 3599 : i32
          %min3A_206 = vector.broadcast %min3A_205 : i32 to vector<16xi32>
          %min3A_207 = arith.minsi %convert_element_type3A_204, %min3A_206 : vector<16xi32>
          %convert_element_type3A_208 = arith.sitofp %min3A_203 : vector<16xi32> to vector<16xf32>
          %sub3A_209 = arith.subf %mul3A_190, %convert_element_type3A_208 : vector<16xf32>
          %swap3A_210 = arith.index_cast %mul3A_181 : i32 to index
          %swap3A_211 = tpu.vector_load %arg12[%swap3A_210] {strides = array<i32>} : memref<4096xf32, #tpu.memory_space<vmem>>, vector<16xf32>,
          %swap3A_212 = vector.shape_cast %swap3A_211 : vector<16xf32> to vector<16xf32>
          %swap3A_213 = vector.shape_cast %sub3A_209 : vector<16xf32> to vector<16xf32>
          tpu.vector_store %arg12[%swap3A_210], %swap3A_213 {strides = array<i32>} : memref<4096xf32, #tpu.memory_space<vmem>>, vector<16xf32>,
          %convert_element_type3A_214 = arith.sitofp %min3A_207 : vector<16xi32> to vector<16xf32>
          %sub3A_215 = arith.subf %mul3A_199, %convert_element_type3A_214 : vector<16xf32>
          %swap3A_216 = arith.index_cast %mul3A_181 : i32 to index
          %swap3A_217 = tpu.vector_load %arg13[%swap3A_216] {strides = array<i32>} : memref<4096xf32, #tpu.memory_space<vmem>>, vector<16xf32>,
          %swap3A_218 = vector.shape_cast %swap3A_217 : vector<16xf32> to vector<16xf32>
          %swap3A_219 = vector.shape_cast %sub3A_215 : vector<16xf32> to vector<16xf32>
          tpu.vector_store %arg13[%swap3A_216], %swap3A_219 {strides = array<i32>} : memref<4096xf32, #tpu.memory_space<vmem>>, vector<16xf32>,
          %mul3A_220 = arith.constant 3600 : i32
          %mul3A_221 = vector.broadcast %mul3A_220 : i32 to vector<16xi32>
          %mul3A_222 = arith.muli %min3A_203, %mul3A_221 : vector<16xi32>
          %add3A_223 = arith.addi %mul3A_222, %min3A_207 : vector<16xi32>
          %eq3A_224 = arith.constant 3599 : i32
          %eq3A_225 = vector.broadcast %eq3A_224 : i32 to vector<16xi32>
          %eq3A_226 = arith.cmpi eq, %min3A_207, %eq3A_225 : vector<16xi32>
          %mul3A_227 = arith.constant 3600 : i32
          %mul3A_228 = vector.broadcast %mul3A_227 : i32 to vector<16xi32>
          %mul3A_229 = arith.muli %min3A_203, %mul3A_228 : vector<16xi32>
          %add3A_230 = arith.constant 1 : i32
          %add3A_231 = vector.broadcast %add3A_230 : i32 to vector<16xi32>
          %add3A_232 = arith.addi %add3A_223, %add3A_231 : vector<16xi32>
          %select_n3A_233 = arith.select %eq3A_226, %mul3A_229, %add3A_232 : vector<16xi1>, vector<16xi32>
          %swap3A_234 = arith.index_cast %mul3A_181 : i32 to index
          %swap3A_235 = tpu.vector_load %arg8[%swap3A_234] {strides = array<i32>} : memref<4096xi32, #tpu.memory_space<vmem>>, vector<16xi32>,
          %swap3A_236 = vector.shape_cast %swap3A_235 : vector<16xi32> to vector<16xi32>
          %swap3A_237 = vector.shape_cast %add3A_223 : vector<16xi32> to vector<16xi32>
          tpu.vector_store %arg8[%swap3A_234], %swap3A_237 {strides = array<i32>} : memref<4096xi32, #tpu.memory_space<vmem>>, vector<16xi32>,
          %swap3A_238 = arith.index_cast %mul3A_181 : i32 to index
          %swap3A_239 = tpu.vector_load %arg9[%swap3A_238] {strides = array<i32>} : memref<4096xi32, #tpu.memory_space<vmem>>, vector<16xi32>,
          %swap3A_240 = vector.shape_cast %swap3A_239 : vector<16xi32> to vector<16xi32>
          %swap3A_241 = vector.shape_cast %select_n3A_233 : vector<16xi32> to vector<16xi32>
          tpu.vector_store %arg9[%swap3A_238], %swap3A_241 {strides = array<i32>} : memref<4096xi32, #tpu.memory_space<vmem>>, vector<16xi32>,
          %add3A_242 = arith.constant 3600 : i32
          %add3A_243 = vector.broadcast %add3A_242 : i32 to vector<16xi32>
          %add3A_244 = arith.addi %add3A_223, %add3A_243 : vector<16xi32>
          %swap3A_245 = arith.index_cast %mul3A_181 : i32 to index
          %swap3A_246 = tpu.vector_load %arg10[%swap3A_245] {strides = array<i32>} : memref<4096xi32, #tpu.memory_space<vmem>>, vector<16xi32>,
          %swap3A_247 = vector.shape_cast %swap3A_246 : vector<16xi32> to vector<16xi32>
          %swap3A_248 = vector.shape_cast %add3A_244 : vector<16xi32> to vector<16xi32>
          tpu.vector_store %arg10[%swap3A_245], %swap3A_248 {strides = array<i32>} : memref<4096xi32, #tpu.memory_space<vmem>>, vector<16xi32>,
          %add3A_249 = arith.constant 3600 : i32
          %add3A_250 = vector.broadcast %add3A_249 : i32 to vector<16xi32>
          %add3A_251 = arith.addi %select_n3A_233, %add3A_250 : vector<16xi32>
          %swap3A_252 = arith.index_cast %mul3A_181 : i32 to index
          %swap3A_253 = tpu.vector_load %arg11[%swap3A_252] {strides = array<i32>} : memref<4096xi32, #tpu.memory_space<vmem>>, vector<16xi32>,
          %swap3A_254 = vector.shape_cast %swap3A_253 : vector<16xi32> to vector<16xi32>
          %swap3A_255 = vector.shape_cast %add3A_251 : vector<16xi32> to vector<16xi32>
          tpu.vector_store %arg11[%swap3A_252], %swap3A_255 {strides = array<i32>} : memref<4096xi32, #tpu.memory_space<vmem>>, vector<16xi32>,
          %scan3A_256 = arith.constant 2 : i32
          %scan3A_257 = arith.addi %scan3A_99, %scan3A_256 : i32
          %mul3A_258 = arith.constant 1 : i32
          %mul3A_259 = arith.muli %scan3A_257, %mul3A_258 : i32
          %add3A_260 = arith.constant 0 : i32
          %add3A_261 = arith.addi %add3A_260, %mul3A_259 : i32
          %mul3A_262 = arith.constant 16 : i32
          %mul3A_263 = arith.muli %add3A_261, %mul3A_262 : i32
          %get3A_264 = arith.index_cast %mul3A_263 : i32 to index
          %get3A_265 = tpu.vector_load %arg6[%get3A_264] {strides = array<i32>} : memref<4096xf32, #tpu.memory_space<vmem>>, vector<16xf32>,
          %get3A_266 = vector.shape_cast %get3A_265 : vector<16xf32> to vector<16xf32>
          %add3A_267 = arith.constant 9.000000e+01 : f32
          %add3A_268 = vector.broadcast %add3A_267 : f32 to vector<16xf32>
          %add3A_269 = arith.addf %get3A_266, %add3A_268 : vector<16xf32>
          %mul3A_270 = arith.constant 1.000000e+01 : f32
          %mul3A_271 = vector.broadcast %mul3A_270 : f32 to vector<16xf32>
          %mul3A_272 = arith.mulf %add3A_269, %mul3A_271 : vector<16xf32>
          %get3A_273 = arith.index_cast %mul3A_263 : i32 to index
          %get3A_274 = tpu.vector_load %arg7[%get3A_273] {strides = array<i32>} : memref<4096xf32, #tpu.memory_space<vmem>>, vector<16xf32>,
          %get3A_275 = vector.shape_cast %get3A_274 : vector<16xf32> to vector<16xf32>
          %add3A_276 = arith.constant 1.800000e+02 : f32
          %add3A_277 = vector.broadcast %add3A_276 : f32 to vector<16xf32>
          %add3A_278 = arith.addf %get3A_275, %add3A_277 : vector<16xf32>
          %mul3A_279 = arith.constant 1.000000e+01 : f32
          %mul3A_280 = vector.broadcast %mul3A_279 : f32 to vector<16xf32>
          %mul3A_281 = arith.mulf %add3A_278, %mul3A_280 : vector<16xf32>
          %convert_element_type3A_282 = arith.fptosi %mul3A_272 : vector<16xf32> to vector<16xi32>
          %min3A_283 = arith.constant 1799 : i32
          %min3A_284 = vector.broadcast %min3A_283 : i32 to vector<16xi32>
          %min3A_285 = arith.minsi %convert_element_type3A_282, %min3A_284 : vector<16xi32>
          %convert_element_type3A_286 = arith.fptosi %mul3A_281 : vector<16xf32> to vector<16xi32>
          %min3A_287 = arith.constant 3599 : i32
          %min3A_288 = vector.broadcast %min3A_287 : i32 to vector<16xi32>
          %min3A_289 = arith.minsi %convert_element_type3A_286, %min3A_288 : vector<16xi32>
          %convert_element_type3A_290 = arith.sitofp %min3A_285 : vector<16xi32> to vector<16xf32>
          %sub3A_291 = arith.subf %mul3A_272, %convert_element_type3A_290 : vector<16xf32>
          %swap3A_292 = arith.index_cast %mul3A_263 : i32 to index
          %swap3A_293 = tpu.vector_load %arg12[%swap3A_292] {strides = array<i32>} : memref<4096xf32, #tpu.memory_space<vmem>>, vector<16xf32>,
          %swap3A_294 = vector.shape_cast %swap3A_293 : vector<16xf32> to vector<16xf32>
          %swap3A_295 = vector.shape_cast %sub3A_291 : vector<16xf32> to vector<16xf32>
          tpu.vector_store %arg12[%swap3A_292], %swap3A_295 {strides = array<i32>} : memref<4096xf32, #tpu.memory_space<vmem>>, vector<16xf32>,
          %convert_element_type3A_296 = arith.sitofp %min3A_289 : vector<16xi32> to vector<16xf32>
          %sub3A_297 = arith.subf %mul3A_281, %convert_element_type3A_296 : vector<16xf32>
          %swap3A_298 = arith.index_cast %mul3A_263 : i32 to index
          %swap3A_299 = tpu.vector_load %arg13[%swap3A_298] {strides = array<i32>} : memref<4096xf32, #tpu.memory_space<vmem>>, vector<16xf32>,
          %swap3A_300 = vector.shape_cast %swap3A_299 : vector<16xf32> to vector<16xf32>
          %swap3A_301 = vector.shape_cast %sub3A_297 : vector<16xf32> to vector<16xf32>
          tpu.vector_store %arg13[%swap3A_298], %swap3A_301 {strides = array<i32>} : memref<4096xf32, #tpu.memory_space<vmem>>, vector<16xf32>,
          %mul3A_302 = arith.constant 3600 : i32
          %mul3A_303 = vector.broadcast %mul3A_302 : i32 to vector<16xi32>
          %mul3A_304 = arith.muli %min3A_285, %mul3A_303 : vector<16xi32>
          %add3A_305 = arith.addi %mul3A_304, %min3A_289 : vector<16xi32>
          %eq3A_306 = arith.constant 3599 : i32
          %eq3A_307 = vector.broadcast %eq3A_306 : i32 to vector<16xi32>
          %eq3A_308 = arith.cmpi eq, %min3A_289, %eq3A_307 : vector<16xi32>
          %mul3A_309 = arith.constant 3600 : i32
          %mul3A_310 = vector.broadcast %mul3A_309 : i32 to vector<16xi32>
          %mul3A_311 = arith.muli %min3A_285, %mul3A_310 : vector<16xi32>
          %add3A_312 = arith.constant 1 : i32
          %add3A_313 = vector.broadcast %add3A_312 : i32 to vector<16xi32>
          %add3A_314 = arith.addi %add3A_305, %add3A_313 : vector<16xi32>
          %select_n3A_315 = arith.select %eq3A_308, %mul3A_311, %add3A_314 : vector<16xi1>, vector<16xi32>
          %swap3A_316 = arith.index_cast %mul3A_263 : i32 to index
          %swap3A_317 = tpu.vector_load %arg8[%swap3A_316] {strides = array<i32>} : memref<4096xi32, #tpu.memory_space<vmem>>, vector<16xi32>,
          %swap3A_318 = vector.shape_cast %swap3A_317 : vector<16xi32> to vector<16xi32>
          %swap3A_319 = vector.shape_cast %add3A_305 : vector<16xi32> to vector<16xi32>
          tpu.vector_store %arg8[%swap3A_316], %swap3A_319 {strides = array<i32>} : memref<4096xi32, #tpu.memory_space<vmem>>, vector<16xi32>,
          %swap3A_320 = arith.index_cast %mul3A_263 : i32 to index
          %swap3A_321 = tpu.vector_load %arg9[%swap3A_320] {strides = array<i32>} : memref<4096xi32, #tpu.memory_space<vmem>>, vector<16xi32>,
          %swap3A_322 = vector.shape_cast %swap3A_321 : vector<16xi32> to vector<16xi32>
          %swap3A_323 = vector.shape_cast %select_n3A_315 : vector<16xi32> to vector<16xi32>
          tpu.vector_store %arg9[%swap3A_320], %swap3A_323 {strides = array<i32>} : memref<4096xi32, #tpu.memory_space<vmem>>, vector<16xi32>,
          %add3A_324 = arith.constant 3600 : i32
          %add3A_325 = vector.broadcast %add3A_324 : i32 to vector<16xi32>
          %add3A_326 = arith.addi %add3A_305, %add3A_325 : vector<16xi32>
          %swap3A_327 = arith.index_cast %mul3A_263 : i32 to index
          %swap3A_328 = tpu.vector_load %arg10[%swap3A_327] {strides = array<i32>} : memref<4096xi32, #tpu.memory_space<vmem>>, vector<16xi32>,
          %swap3A_329 = vector.shape_cast %swap3A_328 : vector<16xi32> to vector<16xi32>
          %swap3A_330 = vector.shape_cast %add3A_326 : vector<16xi32> to vector<16xi32>
          tpu.vector_store %arg10[%swap3A_327], %swap3A_330 {strides = array<i32>} : memref<4096xi32, #tpu.memory_space<vmem>>, vector<16xi32>,
          %add3A_331 = arith.constant 3600 : i32
          %add3A_332 = vector.broadcast %add3A_331 : i32 to vector<16xi32>
          %add3A_333 = arith.addi %select_n3A_315, %add3A_332 : vector<16xi32>
          %swap3A_334 = arith.index_cast %mul3A_263 : i32 to index
          %swap3A_335 = tpu.vector_load %arg11[%swap3A_334] {strides = array<i32>} : memref<4096xi32, #tpu.memory_space<vmem>>, vector<16xi32>,
          %swap3A_336 = vector.shape_cast %swap3A_335 : vector<16xi32> to vector<16xi32>
          %swap3A_337 = vector.shape_cast %add3A_333 : vector<16xi32> to vector<16xi32>
          tpu.vector_store %arg11[%swap3A_334], %swap3A_337 {strides = array<i32>} : memref<4096xi32, #tpu.memory_space<vmem>>, vector<16xi32>,
          %scan3A_338 = arith.constant 3 : i32
          %scan3A_339 = arith.addi %scan3A_99, %scan3A_338 : i32
          %mul3A_340 = arith.constant 1 : i32
          %mul3A_341 = arith.muli %scan3A_339, %mul3A_340 : i32
          %add3A_342 = arith.constant 0 : i32
          %add3A_343 = arith.addi %add3A_342, %mul3A_341 : i32
          %mul3A_344 = arith.constant 16 : i32
          %mul3A_345 = arith.muli %add3A_343, %mul3A_344 : i32
          %get3A_346 = arith.index_cast %mul3A_345 : i32 to index
          %get3A_347 = tpu.vector_load %arg6[%get3A_346] {strides = array<i32>} : memref<4096xf32, #tpu.memory_space<vmem>>, vector<16xf32>,
          %get3A_348 = vector.shape_cast %get3A_347 : vector<16xf32> to vector<16xf32>
          %add3A_349 = arith.constant 9.000000e+01 : f32
          %add3A_350 = vector.broadcast %add3A_349 : f32 to vector<16xf32>
          %add3A_351 = arith.addf %get3A_348, %add3A_350 : vector<16xf32>
          %mul3A_352 = arith.constant 1.000000e+01 : f32
          %mul3A_353 = vector.broadcast %mul3A_352 : f32 to vector<16xf32>
          %mul3A_354 = arith.mulf %add3A_351, %mul3A_353 : vector<16xf32>
          %get3A_355 = arith.index_cast %mul3A_345 : i32 to index
          %get3A_356 = tpu.vector_load %arg7[%get3A_355] {strides = array<i32>} : memref<4096xf32, #tpu.memory_space<vmem>>, vector<16xf32>,
          %get3A_357 = vector.shape_cast %get3A_356 : vector<16xf32> to vector<16xf32>
          %add3A_358 = arith.constant 1.800000e+02 : f32
          %add3A_359 = vector.broadcast %add3A_358 : f32 to vector<16xf32>
          %add3A_360 = arith.addf %get3A_357, %add3A_359 : vector<16xf32>
          %mul3A_361 = arith.constant 1.000000e+01 : f32
          %mul3A_362 = vector.broadcast %mul3A_361 : f32 to vector<16xf32>
          %mul3A_363 = arith.mulf %add3A_360, %mul3A_362 : vector<16xf32>
          %convert_element_type3A_364 = arith.fptosi %mul3A_354 : vector<16xf32> to vector<16xi32>
          %min3A_365 = arith.constant 1799 : i32
          %min3A_366 = vector.broadcast %min3A_365 : i32 to vector<16xi32>
          %min3A_367 = arith.minsi %convert_element_type3A_364, %min3A_366 : vector<16xi32>
          %convert_element_type3A_368 = arith.fptosi %mul3A_363 : vector<16xf32> to vector<16xi32>
          %min3A_369 = arith.constant 3599 : i32
          %min3A_370 = vector.broadcast %min3A_369 : i32 to vector<16xi32>
          %min3A_371 = arith.minsi %convert_element_type3A_368, %min3A_370 : vector<16xi32>
          %convert_element_type3A_372 = arith.sitofp %min3A_367 : vector<16xi32> to vector<16xf32>
          %sub3A_373 = arith.subf %mul3A_354, %convert_element_type3A_372 : vector<16xf32>
          %swap3A_374 = arith.index_cast %mul3A_345 : i32 to index
          %swap3A_375 = tpu.vector_load %arg12[%swap3A_374] {strides = array<i32>} : memref<4096xf32, #tpu.memory_space<vmem>>, vector<16xf32>,
          %swap3A_376 = vector.shape_cast %swap3A_375 : vector<16xf32> to vector<16xf32>
          %swap3A_377 = vector.shape_cast %sub3A_373 : vector<16xf32> to vector<16xf32>
          tpu.vector_store %arg12[%swap3A_374], %swap3A_377 {strides = array<i32>} : memref<4096xf32, #tpu.memory_space<vmem>>, vector<16xf32>,
          %convert_element_type3A_378 = arith.sitofp %min3A_371 : vector<16xi32> to vector<16xf32>
          %sub3A_379 = arith.subf %mul3A_363, %convert_element_type3A_378 : vector<16xf32>
          %swap3A_380 = arith.index_cast %mul3A_345 : i32 to index
          %swap3A_381 = tpu.vector_load %arg13[%swap3A_380] {strides = array<i32>} : memref<4096xf32, #tpu.memory_space<vmem>>, vector<16xf32>,
          %swap3A_382 = vector.shape_cast %swap3A_381 : vector<16xf32> to vector<16xf32>
          %swap3A_383 = vector.shape_cast %sub3A_379 : vector<16xf32> to vector<16xf32>
          tpu.vector_store %arg13[%swap3A_380], %swap3A_383 {strides = array<i32>} : memref<4096xf32, #tpu.memory_space<vmem>>, vector<16xf32>,
          %mul3A_384 = arith.constant 3600 : i32
          %mul3A_385 = vector.broadcast %mul3A_384 : i32 to vector<16xi32>
          %mul3A_386 = arith.muli %min3A_367, %mul3A_385 : vector<16xi32>
          %add3A_387 = arith.addi %mul3A_386, %min3A_371 : vector<16xi32>
          %eq3A_388 = arith.constant 3599 : i32
          %eq3A_389 = vector.broadcast %eq3A_388 : i32 to vector<16xi32>
          %eq3A_390 = arith.cmpi eq, %min3A_371, %eq3A_389 : vector<16xi32>
          %mul3A_391 = arith.constant 3600 : i32
          %mul3A_392 = vector.broadcast %mul3A_391 : i32 to vector<16xi32>
          %mul3A_393 = arith.muli %min3A_367, %mul3A_392 : vector<16xi32>
          %add3A_394 = arith.constant 1 : i32
          %add3A_395 = vector.broadcast %add3A_394 : i32 to vector<16xi32>
          %add3A_396 = arith.addi %add3A_387, %add3A_395 : vector<16xi32>
          %select_n3A_397 = arith.select %eq3A_390, %mul3A_393, %add3A_396 : vector<16xi1>, vector<16xi32>
          %swap3A_398 = arith.index_cast %mul3A_345 : i32 to index
          %swap3A_399 = tpu.vector_load %arg8[%swap3A_398] {strides = array<i32>} : memref<4096xi32, #tpu.memory_space<vmem>>, vector<16xi32>,
          %swap3A_400 = vector.shape_cast %swap3A_399 : vector<16xi32> to vector<16xi32>
          %swap3A_401 = vector.shape_cast %add3A_387 : vector<16xi32> to vector<16xi32>
          tpu.vector_store %arg8[%swap3A_398], %swap3A_401 {strides = array<i32>} : memref<4096xi32, #tpu.memory_space<vmem>>, vector<16xi32>,
          %swap3A_402 = arith.index_cast %mul3A_345 : i32 to index
          %swap3A_403 = tpu.vector_load %arg9[%swap3A_402] {strides = array<i32>} : memref<4096xi32, #tpu.memory_space<vmem>>, vector<16xi32>,
          %swap3A_404 = vector.shape_cast %swap3A_403 : vector<16xi32> to vector<16xi32>
          %swap3A_405 = vector.shape_cast %select_n3A_397 : vector<16xi32> to vector<16xi32>
          tpu.vector_store %arg9[%swap3A_402], %swap3A_405 {strides = array<i32>} : memref<4096xi32, #tpu.memory_space<vmem>>, vector<16xi32>,
          %add3A_406 = arith.constant 3600 : i32
          %add3A_407 = vector.broadcast %add3A_406 : i32 to vector<16xi32>
          %add3A_408 = arith.addi %add3A_387, %add3A_407 : vector<16xi32>
          %swap3A_409 = arith.index_cast %mul3A_345 : i32 to index
          %swap3A_410 = tpu.vector_load %arg10[%swap3A_409] {strides = array<i32>} : memref<4096xi32, #tpu.memory_space<vmem>>, vector<16xi32>,
          %swap3A_411 = vector.shape_cast %swap3A_410 : vector<16xi32> to vector<16xi32>
          %swap3A_412 = vector.shape_cast %add3A_408 : vector<16xi32> to vector<16xi32>
          tpu.vector_store %arg10[%swap3A_409], %swap3A_412 {strides = array<i32>} : memref<4096xi32, #tpu.memory_space<vmem>>, vector<16xi32>,
          %add3A_413 = arith.constant 3600 : i32
          %add3A_414 = vector.broadcast %add3A_413 : i32 to vector<16xi32>
          %add3A_415 = arith.addi %select_n3A_397, %add3A_414 : vector<16xi32>
          %swap3A_416 = arith.index_cast %mul3A_345 : i32 to index
          %swap3A_417 = tpu.vector_load %arg11[%swap3A_416] {strides = array<i32>} : memref<4096xi32, #tpu.memory_space<vmem>>, vector<16xi32>,
          %swap3A_418 = vector.shape_cast %swap3A_417 : vector<16xi32> to vector<16xi32>
          %swap3A_419 = vector.shape_cast %add3A_415 : vector<16xi32> to vector<16xi32>
          tpu.vector_store %arg11[%swap3A_416], %swap3A_419 {strides = array<i32>} : memref<4096xi32, #tpu.memory_space<vmem>>, vector<16xi32>,
        }
        %scan3A_90 = arith.constant 256 : i32
        %dma_start3A_91 = arith.constant 0 : i32
        %dma_start3A_92 = tpu.memref_slice %arg2[%dma_start3A_91] : memref<6483600xf32, #tpu.memory_space<hbm>> -> memref<6483600xf32, #tpu.memory_space<hbm>>
        tpu.enqueue_indirect_dma source(%dma_start3A_92 : memref<6483600xf32, #tpu.memory_space<hbm>>) target(%arg14 : memref<4096xf32, #tpu.memory_space<vmem>>) offsets(%arg8 : memref<4096xi32, #tpu.memory_space<vmem>>) semaphore(%arg31 : memref<!tpu.dma_semaphore, #tpu.memory_space<semaphore_mem>>)
        %dma_start3A_93 = arith.constant 0 : i32
        %dma_start3A_94 = tpu.memref_slice %arg2[%dma_start3A_93] : memref<6483600xf32, #tpu.memory_space<hbm>> -> memref<6483600xf32, #tpu.memory_space<hbm>>
        tpu.enqueue_indirect_dma source(%dma_start3A_94 : memref<6483600xf32, #tpu.memory_space<hbm>>) target(%arg15 : memref<4096xf32, #tpu.memory_space<vmem>>) offsets(%arg9 : memref<4096xi32, #tpu.memory_space<vmem>>) semaphore(%arg31 : memref<!tpu.dma_semaphore, #tpu.memory_space<semaphore_mem>>)
        %dma_start3A_95 = arith.constant 0 : i32
        %dma_start3A_96 = tpu.memref_slice %arg2[%dma_start3A_95] : memref<6483600xf32, #tpu.memory_space<hbm>> -> memref<6483600xf32, #tpu.memory_space<hbm>>
        tpu.enqueue_indirect_dma source(%dma_start3A_96 : memref<6483600xf32, #tpu.memory_space<hbm>>) target(%arg16 : memref<4096xf32, #tpu.memory_space<vmem>>) offsets(%arg10 : memref<4096xi32, #tpu.memory_space<vmem>>) semaphore(%arg31 : memref<!tpu.dma_semaphore, #tpu.memory_space<semaphore_mem>>)
        %dma_start3A_97 = arith.constant 0 : i32
        %dma_start3A_98 = tpu.memref_slice %arg2[%dma_start3A_97] : memref<6483600xf32, #tpu.memory_space<hbm>> -> memref<6483600xf32, #tpu.memory_space<hbm>>
        tpu.enqueue_indirect_dma source(%dma_start3A_98 : memref<6483600xf32, #tpu.memory_space<hbm>>) target(%arg17 : memref<4096xf32, #tpu.memory_space<vmem>>) offsets(%arg11 : memref<4096xi32, #tpu.memory_space<vmem>>) semaphore(%arg31 : memref<!tpu.dma_semaphore, #tpu.memory_space<semaphore_mem>>)
      } else {
      }
      %add3A_63 = arith.constant 1 : i32
      %add3A_64 = arith.addi %mul3A_27, %add3A_63 : i32
      %dma_wait3A_65 = arith.constant 0 : i32
      %dma_wait3A_66 = tpu.memref_slice %arg2[%dma_wait3A_65] : memref<6483600xf32, #tpu.memory_space<hbm>> -> memref<6483600xf32, #tpu.memory_space<hbm>>
      tpu.wait_indirect_dma semaphore(%arg32 : memref<!tpu.dma_semaphore, #tpu.memory_space<semaphore_mem>>) src(%dma_wait3A_66 : memref<6483600xf32, #tpu.memory_space<hbm>>) dst(%arg26 : memref<4096xf32, #tpu.memory_space<vmem>>)
      %dma_wait3A_67 = arith.constant 0 : i32
      %dma_wait3A_68 = tpu.memref_slice %arg2[%dma_wait3A_67] : memref<6483600xf32, #tpu.memory_space<hbm>> -> memref<6483600xf32, #tpu.memory_space<hbm>>
      tpu.wait_indirect_dma semaphore(%arg32 : memref<!tpu.dma_semaphore, #tpu.memory_space<semaphore_mem>>) src(%dma_wait3A_68 : memref<6483600xf32, #tpu.memory_space<hbm>>) dst(%arg27 : memref<4096xf32, #tpu.memory_space<vmem>>)
      %dma_wait3A_69 = arith.constant 0 : i32
      %dma_wait3A_70 = tpu.memref_slice %arg2[%dma_wait3A_69] : memref<6483600xf32, #tpu.memory_space<hbm>> -> memref<6483600xf32, #tpu.memory_space<hbm>>
      tpu.wait_indirect_dma semaphore(%arg32 : memref<!tpu.dma_semaphore, #tpu.memory_space<semaphore_mem>>) src(%dma_wait3A_70 : memref<6483600xf32, #tpu.memory_space<hbm>>) dst(%arg28 : memref<4096xf32, #tpu.memory_space<vmem>>)
      %dma_wait3A_71 = arith.constant 0 : i32
      %dma_wait3A_72 = tpu.memref_slice %arg2[%dma_wait3A_71] : memref<6483600xf32, #tpu.memory_space<hbm>> -> memref<6483600xf32, #tpu.memory_space<hbm>>
      tpu.wait_indirect_dma semaphore(%arg32 : memref<!tpu.dma_semaphore, #tpu.memory_space<semaphore_mem>>) src(%dma_wait3A_72 : memref<6483600xf32, #tpu.memory_space<hbm>>) dst(%arg29 : memref<4096xf32, #tpu.memory_space<vmem>>)
      %scan3A_73 = arith.constant 0 : i32
      %scan3A_74 = arith.constant 256 : i32
      %scan3A_75 = arith.addi %scan3A_73, %scan3A_74 : i32
      %scan3A_76 = arith.constant 4 : i32
      scf.for %scan3A_81 = %scan3A_73 to %scan3A_75 step %scan3A_76  : i32 {
        %mul3A_82 = arith.constant 1 : i32
        %mul3A_83 = arith.muli %scan3A_81, %mul3A_82 : i32
        %add3A_84 = arith.constant 0 : i32
        %add3A_85 = arith.addi %add3A_84, %mul3A_83 : i32
        %mul3A_86 = arith.constant 16 : i32
        %mul3A_87 = arith.muli %add3A_85, %mul3A_86 : i32
        %get3A = arith.index_cast %mul3A_87 : i32 to index
        %get3A_88 = tpu.vector_load %arg24[%get3A] {strides = array<i32>} : memref<4096xf32, #tpu.memory_space<vmem>>, vector<16xf32>,
        %get3A_89 = vector.shape_cast %get3A_88 : vector<16xf32> to vector<16xf32>
        %get3A_90 = arith.index_cast %mul3A_87 : i32 to index
        %get3A_91 = tpu.vector_load %arg25[%get3A_90] {strides = array<i32>} : memref<4096xf32, #tpu.memory_space<vmem>>, vector<16xf32>,
        %get3A_92 = vector.shape_cast %get3A_91 : vector<16xf32> to vector<16xf32>
        %sub3A = arith.constant 1.000000e+00 : f32
        %sub3A_93 = vector.broadcast %sub3A : f32 to vector<16xf32>
        %sub3A_94 = arith.subf %sub3A_93, %get3A_89 : vector<16xf32>
        %sub3A_95 = arith.constant 1.000000e+00 : f32
        %sub3A_96 = vector.broadcast %sub3A_95 : f32 to vector<16xf32>
        %sub3A_97 = arith.subf %sub3A_96, %get3A_92 : vector<16xf32>
        %mul3A_98 = arith.mulf %sub3A_94, %sub3A_97 : vector<16xf32>
        %get3A_99 = arith.index_cast %mul3A_87 : i32 to index
        %get3A_100 = tpu.vector_load %arg26[%get3A_99] {strides = array<i32>} : memref<4096xf32, #tpu.memory_space<vmem>>, vector<16xf32>,
        %get3A_101 = vector.shape_cast %get3A_100 : vector<16xf32> to vector<16xf32>
        %mul3A_102 = arith.mulf %mul3A_98, %get3A_101 : vector<16xf32>
        %sub3A_103 = arith.constant 1.000000e+00 : f32
        %sub3A_104 = vector.broadcast %sub3A_103 : f32 to vector<16xf32>
        %sub3A_105 = arith.subf %sub3A_104, %get3A_89 : vector<16xf32>
        %mul3A_106 = arith.mulf %sub3A_105, %get3A_92 : vector<16xf32>
        %get3A_107 = arith.index_cast %mul3A_87 : i32 to index
        %get3A_108 = tpu.vector_load %arg27[%get3A_107] {strides = array<i32>} : memref<4096xf32, #tpu.memory_space<vmem>>, vector<16xf32>,
        %get3A_109 = vector.shape_cast %get3A_108 : vector<16xf32> to vector<16xf32>
        %mul3A_110 = arith.mulf %mul3A_106, %get3A_109 : vector<16xf32>
        %add3A_111 = arith.addf %mul3A_102, %mul3A_110 : vector<16xf32>
        %sub3A_112 = arith.constant 1.000000e+00 : f32
        %sub3A_113 = vector.broadcast %sub3A_112 : f32 to vector<16xf32>
        %sub3A_114 = arith.subf %sub3A_113, %get3A_92 : vector<16xf32>
        %mul3A_115 = arith.mulf %get3A_89, %sub3A_114 : vector<16xf32>
        %get3A_116 = arith.index_cast %mul3A_87 : i32 to index
        %get3A_117 = tpu.vector_load %arg28[%get3A_116] {strides = array<i32>} : memref<4096xf32, #tpu.memory_space<vmem>>, vector<16xf32>,
        %get3A_118 = vector.shape_cast %get3A_117 : vector<16xf32> to vector<16xf32>
        %mul3A_119 = arith.mulf %mul3A_115, %get3A_118 : vector<16xf32>
        %add3A_120 = arith.addf %add3A_111, %mul3A_119 : vector<16xf32>
        %mul3A_121 = arith.mulf %get3A_89, %get3A_92 : vector<16xf32>
        %get3A_122 = arith.index_cast %mul3A_87 : i32 to index
        %get3A_123 = tpu.vector_load %arg29[%get3A_122] {strides = array<i32>} : memref<4096xf32, #tpu.memory_space<vmem>>, vector<16xf32>,
        %get3A_124 = vector.shape_cast %get3A_123 : vector<16xf32> to vector<16xf32>
        %mul3A_125 = arith.mulf %mul3A_121, %get3A_124 : vector<16xf32>
        %add3A_126 = arith.addf %add3A_120, %mul3A_125 : vector<16xf32>
        %swap3A = arith.index_cast %mul3A_87 : i32 to index
        %swap3A_127 = tpu.vector_load %arg30[%swap3A] {strides = array<i32>} : memref<4096xf32, #tpu.memory_space<vmem>>, vector<16xf32>,
        %swap3A_128 = vector.shape_cast %swap3A_127 : vector<16xf32> to vector<16xf32>
        %swap3A_129 = vector.shape_cast %add3A_126 : vector<16xf32> to vector<16xf32>
        tpu.vector_store %arg30[%swap3A], %swap3A_129 {strides = array<i32>} : memref<4096xf32, #tpu.memory_space<vmem>>, vector<16xf32>,
        %scan3A_130 = arith.constant 1 : i32
        %scan3A_131 = arith.addi %scan3A_81, %scan3A_130 : i32
        %mul3A_132 = arith.constant 1 : i32
        %mul3A_133 = arith.muli %scan3A_131, %mul3A_132 : i32
        %add3A_134 = arith.constant 0 : i32
        %add3A_135 = arith.addi %add3A_134, %mul3A_133 : i32
        %mul3A_136 = arith.constant 16 : i32
        %mul3A_137 = arith.muli %add3A_135, %mul3A_136 : i32
        %get3A_138 = arith.index_cast %mul3A_137 : i32 to index
        %get3A_139 = tpu.vector_load %arg24[%get3A_138] {strides = array<i32>} : memref<4096xf32, #tpu.memory_space<vmem>>, vector<16xf32>,
        %get3A_140 = vector.shape_cast %get3A_139 : vector<16xf32> to vector<16xf32>
        %get3A_141 = arith.index_cast %mul3A_137 : i32 to index
        %get3A_142 = tpu.vector_load %arg25[%get3A_141] {strides = array<i32>} : memref<4096xf32, #tpu.memory_space<vmem>>, vector<16xf32>,
        %get3A_143 = vector.shape_cast %get3A_142 : vector<16xf32> to vector<16xf32>
        %sub3A_144 = arith.constant 1.000000e+00 : f32
        %sub3A_145 = vector.broadcast %sub3A_144 : f32 to vector<16xf32>
        %sub3A_146 = arith.subf %sub3A_145, %get3A_140 : vector<16xf32>
        %sub3A_147 = arith.constant 1.000000e+00 : f32
        %sub3A_148 = vector.broadcast %sub3A_147 : f32 to vector<16xf32>
        %sub3A_149 = arith.subf %sub3A_148, %get3A_143 : vector<16xf32>
        %mul3A_150 = arith.mulf %sub3A_146, %sub3A_149 : vector<16xf32>
        %get3A_151 = arith.index_cast %mul3A_137 : i32 to index
        %get3A_152 = tpu.vector_load %arg26[%get3A_151] {strides = array<i32>} : memref<4096xf32, #tpu.memory_space<vmem>>, vector<16xf32>,
        %get3A_153 = vector.shape_cast %get3A_152 : vector<16xf32> to vector<16xf32>
        %mul3A_154 = arith.mulf %mul3A_150, %get3A_153 : vector<16xf32>
        %sub3A_155 = arith.constant 1.000000e+00 : f32
        %sub3A_156 = vector.broadcast %sub3A_155 : f32 to vector<16xf32>
        %sub3A_157 = arith.subf %sub3A_156, %get3A_140 : vector<16xf32>
        %mul3A_158 = arith.mulf %sub3A_157, %get3A_143 : vector<16xf32>
        %get3A_159 = arith.index_cast %mul3A_137 : i32 to index
        %get3A_160 = tpu.vector_load %arg27[%get3A_159] {strides = array<i32>} : memref<4096xf32, #tpu.memory_space<vmem>>, vector<16xf32>,
        %get3A_161 = vector.shape_cast %get3A_160 : vector<16xf32> to vector<16xf32>
        %mul3A_162 = arith.mulf %mul3A_158, %get3A_161 : vector<16xf32>
        %add3A_163 = arith.addf %mul3A_154, %mul3A_162 : vector<16xf32>
        %sub3A_164 = arith.constant 1.000000e+00 : f32
        %sub3A_165 = vector.broadcast %sub3A_164 : f32 to vector<16xf32>
        %sub3A_166 = arith.subf %sub3A_165, %get3A_143 : vector<16xf32>
        %mul3A_167 = arith.mulf %get3A_140, %sub3A_166 : vector<16xf32>
        %get3A_168 = arith.index_cast %mul3A_137 : i32 to index
        %get3A_169 = tpu.vector_load %arg28[%get3A_168] {strides = array<i32>} : memref<4096xf32, #tpu.memory_space<vmem>>, vector<16xf32>,
        %get3A_170 = vector.shape_cast %get3A_169 : vector<16xf32> to vector<16xf32>
        %mul3A_171 = arith.mulf %mul3A_167, %get3A_170 : vector<16xf32>
        %add3A_172 = arith.addf %add3A_163, %mul3A_171 : vector<16xf32>
        %mul3A_173 = arith.mulf %get3A_140, %get3A_143 : vector<16xf32>
        %get3A_174 = arith.index_cast %mul3A_137 : i32 to index
        %get3A_175 = tpu.vector_load %arg29[%get3A_174] {strides = array<i32>} : memref<4096xf32, #tpu.memory_space<vmem>>, vector<16xf32>,
        %get3A_176 = vector.shape_cast %get3A_175 : vector<16xf32> to vector<16xf32>
        %mul3A_177 = arith.mulf %mul3A_173, %get3A_176 : vector<16xf32>
        %add3A_178 = arith.addf %add3A_172, %mul3A_177 : vector<16xf32>
        %swap3A_179 = arith.index_cast %mul3A_137 : i32 to index
        %swap3A_180 = tpu.vector_load %arg30[%swap3A_179] {strides = array<i32>} : memref<4096xf32, #tpu.memory_space<vmem>>, vector<16xf32>,
        %swap3A_181 = vector.shape_cast %swap3A_180 : vector<16xf32> to vector<16xf32>
        %swap3A_182 = vector.shape_cast %add3A_178 : vector<16xf32> to vector<16xf32>
        tpu.vector_store %arg30[%swap3A_179], %swap3A_182 {strides = array<i32>} : memref<4096xf32, #tpu.memory_space<vmem>>, vector<16xf32>,
        %scan3A_183 = arith.constant 2 : i32
        %scan3A_184 = arith.addi %scan3A_81, %scan3A_183 : i32
        %mul3A_185 = arith.constant 1 : i32
        %mul3A_186 = arith.muli %scan3A_184, %mul3A_185 : i32
        %add3A_187 = arith.constant 0 : i32
        %add3A_188 = arith.addi %add3A_187, %mul3A_186 : i32
        %mul3A_189 = arith.constant 16 : i32
        %mul3A_190 = arith.muli %add3A_188, %mul3A_189 : i32
        %get3A_191 = arith.index_cast %mul3A_190 : i32 to index
        %get3A_192 = tpu.vector_load %arg24[%get3A_191] {strides = array<i32>} : memref<4096xf32, #tpu.memory_space<vmem>>, vector<16xf32>,
        %get3A_193 = vector.shape_cast %get3A_192 : vector<16xf32> to vector<16xf32>
        %get3A_194 = arith.index_cast %mul3A_190 : i32 to index
        %get3A_195 = tpu.vector_load %arg25[%get3A_194] {strides = array<i32>} : memref<4096xf32, #tpu.memory_space<vmem>>, vector<16xf32>,
        %get3A_196 = vector.shape_cast %get3A_195 : vector<16xf32> to vector<16xf32>
        %sub3A_197 = arith.constant 1.000000e+00 : f32
        %sub3A_198 = vector.broadcast %sub3A_197 : f32 to vector<16xf32>
        %sub3A_199 = arith.subf %sub3A_198, %get3A_193 : vector<16xf32>
        %sub3A_200 = arith.constant 1.000000e+00 : f32
        %sub3A_201 = vector.broadcast %sub3A_200 : f32 to vector<16xf32>
        %sub3A_202 = arith.subf %sub3A_201, %get3A_196 : vector<16xf32>
        %mul3A_203 = arith.mulf %sub3A_199, %sub3A_202 : vector<16xf32>
        %get3A_204 = arith.index_cast %mul3A_190 : i32 to index
        %get3A_205 = tpu.vector_load %arg26[%get3A_204] {strides = array<i32>} : memref<4096xf32, #tpu.memory_space<vmem>>, vector<16xf32>,
        %get3A_206 = vector.shape_cast %get3A_205 : vector<16xf32> to vector<16xf32>
        %mul3A_207 = arith.mulf %mul3A_203, %get3A_206 : vector<16xf32>
        %sub3A_208 = arith.constant 1.000000e+00 : f32
        %sub3A_209 = vector.broadcast %sub3A_208 : f32 to vector<16xf32>
        %sub3A_210 = arith.subf %sub3A_209, %get3A_193 : vector<16xf32>
        %mul3A_211 = arith.mulf %sub3A_210, %get3A_196 : vector<16xf32>
        %get3A_212 = arith.index_cast %mul3A_190 : i32 to index
        %get3A_213 = tpu.vector_load %arg27[%get3A_212] {strides = array<i32>} : memref<4096xf32, #tpu.memory_space<vmem>>, vector<16xf32>,
        %get3A_214 = vector.shape_cast %get3A_213 : vector<16xf32> to vector<16xf32>
        %mul3A_215 = arith.mulf %mul3A_211, %get3A_214 : vector<16xf32>
        %add3A_216 = arith.addf %mul3A_207, %mul3A_215 : vector<16xf32>
        %sub3A_217 = arith.constant 1.000000e+00 : f32
        %sub3A_218 = vector.broadcast %sub3A_217 : f32 to vector<16xf32>
        %sub3A_219 = arith.subf %sub3A_218, %get3A_196 : vector<16xf32>
        %mul3A_220 = arith.mulf %get3A_193, %sub3A_219 : vector<16xf32>
        %get3A_221 = arith.index_cast %mul3A_190 : i32 to index
        %get3A_222 = tpu.vector_load %arg28[%get3A_221] {strides = array<i32>} : memref<4096xf32, #tpu.memory_space<vmem>>, vector<16xf32>,
        %get3A_223 = vector.shape_cast %get3A_222 : vector<16xf32> to vector<16xf32>
        %mul3A_224 = arith.mulf %mul3A_220, %get3A_223 : vector<16xf32>
        %add3A_225 = arith.addf %add3A_216, %mul3A_224 : vector<16xf32>
        %mul3A_226 = arith.mulf %get3A_193, %get3A_196 : vector<16xf32>
        %get3A_227 = arith.index_cast %mul3A_190 : i32 to index
        %get3A_228 = tpu.vector_load %arg29[%get3A_227] {strides = array<i32>} : memref<4096xf32, #tpu.memory_space<vmem>>, vector<16xf32>,
        %get3A_229 = vector.shape_cast %get3A_228 : vector<16xf32> to vector<16xf32>
        %mul3A_230 = arith.mulf %mul3A_226, %get3A_229 : vector<16xf32>
        %add3A_231 = arith.addf %add3A_225, %mul3A_230 : vector<16xf32>
        %swap3A_232 = arith.index_cast %mul3A_190 : i32 to index
        %swap3A_233 = tpu.vector_load %arg30[%swap3A_232] {strides = array<i32>} : memref<4096xf32, #tpu.memory_space<vmem>>, vector<16xf32>,
        %swap3A_234 = vector.shape_cast %swap3A_233 : vector<16xf32> to vector<16xf32>
        %swap3A_235 = vector.shape_cast %add3A_231 : vector<16xf32> to vector<16xf32>
        tpu.vector_store %arg30[%swap3A_232], %swap3A_235 {strides = array<i32>} : memref<4096xf32, #tpu.memory_space<vmem>>, vector<16xf32>,
        %scan3A_236 = arith.constant 3 : i32
        %scan3A_237 = arith.addi %scan3A_81, %scan3A_236 : i32
        %mul3A_238 = arith.constant 1 : i32
        %mul3A_239 = arith.muli %scan3A_237, %mul3A_238 : i32
        %add3A_240 = arith.constant 0 : i32
        %add3A_241 = arith.addi %add3A_240, %mul3A_239 : i32
        %mul3A_242 = arith.constant 16 : i32
        %mul3A_243 = arith.muli %add3A_241, %mul3A_242 : i32
        %get3A_244 = arith.index_cast %mul3A_243 : i32 to index
        %get3A_245 = tpu.vector_load %arg24[%get3A_244] {strides = array<i32>} : memref<4096xf32, #tpu.memory_space<vmem>>, vector<16xf32>,
        %get3A_246 = vector.shape_cast %get3A_245 : vector<16xf32> to vector<16xf32>
        %get3A_247 = arith.index_cast %mul3A_243 : i32 to index
        %get3A_248 = tpu.vector_load %arg25[%get3A_247] {strides = array<i32>} : memref<4096xf32, #tpu.memory_space<vmem>>, vector<16xf32>,
        %get3A_249 = vector.shape_cast %get3A_248 : vector<16xf32> to vector<16xf32>
        %sub3A_250 = arith.constant 1.000000e+00 : f32
        %sub3A_251 = vector.broadcast %sub3A_250 : f32 to vector<16xf32>
        %sub3A_252 = arith.subf %sub3A_251, %get3A_246 : vector<16xf32>
        %sub3A_253 = arith.constant 1.000000e+00 : f32
        %sub3A_254 = vector.broadcast %sub3A_253 : f32 to vector<16xf32>
        %sub3A_255 = arith.subf %sub3A_254, %get3A_249 : vector<16xf32>
        %mul3A_256 = arith.mulf %sub3A_252, %sub3A_255 : vector<16xf32>
        %get3A_257 = arith.index_cast %mul3A_243 : i32 to index
        %get3A_258 = tpu.vector_load %arg26[%get3A_257] {strides = array<i32>} : memref<4096xf32, #tpu.memory_space<vmem>>, vector<16xf32>,
        %get3A_259 = vector.shape_cast %get3A_258 : vector<16xf32> to vector<16xf32>
        %mul3A_260 = arith.mulf %mul3A_256, %get3A_259 : vector<16xf32>
        %sub3A_261 = arith.constant 1.000000e+00 : f32
        %sub3A_262 = vector.broadcast %sub3A_261 : f32 to vector<16xf32>
        %sub3A_263 = arith.subf %sub3A_262, %get3A_246 : vector<16xf32>
        %mul3A_264 = arith.mulf %sub3A_263, %get3A_249 : vector<16xf32>
        %get3A_265 = arith.index_cast %mul3A_243 : i32 to index
        %get3A_266 = tpu.vector_load %arg27[%get3A_265] {strides = array<i32>} : memref<4096xf32, #tpu.memory_space<vmem>>, vector<16xf32>,
        %get3A_267 = vector.shape_cast %get3A_266 : vector<16xf32> to vector<16xf32>
        %mul3A_268 = arith.mulf %mul3A_264, %get3A_267 : vector<16xf32>
        %add3A_269 = arith.addf %mul3A_260, %mul3A_268 : vector<16xf32>
        %sub3A_270 = arith.constant 1.000000e+00 : f32
        %sub3A_271 = vector.broadcast %sub3A_270 : f32 to vector<16xf32>
        %sub3A_272 = arith.subf %sub3A_271, %get3A_249 : vector<16xf32>
        %mul3A_273 = arith.mulf %get3A_246, %sub3A_272 : vector<16xf32>
        %get3A_274 = arith.index_cast %mul3A_243 : i32 to index
        %get3A_275 = tpu.vector_load %arg28[%get3A_274] {strides = array<i32>} : memref<4096xf32, #tpu.memory_space<vmem>>, vector<16xf32>,
        %get3A_276 = vector.shape_cast %get3A_275 : vector<16xf32> to vector<16xf32>
        %mul3A_277 = arith.mulf %mul3A_273, %get3A_276 : vector<16xf32>
        %add3A_278 = arith.addf %add3A_269, %mul3A_277 : vector<16xf32>
        %mul3A_279 = arith.mulf %get3A_246, %get3A_249 : vector<16xf32>
        %get3A_280 = arith.index_cast %mul3A_243 : i32 to index
        %get3A_281 = tpu.vector_load %arg29[%get3A_280] {strides = array<i32>} : memref<4096xf32, #tpu.memory_space<vmem>>, vector<16xf32>,
        %get3A_282 = vector.shape_cast %get3A_281 : vector<16xf32> to vector<16xf32>
        %mul3A_283 = arith.mulf %mul3A_279, %get3A_282 : vector<16xf32>
        %add3A_284 = arith.addf %add3A_278, %mul3A_283 : vector<16xf32>
        %swap3A_285 = arith.index_cast %mul3A_243 : i32 to index
        %swap3A_286 = tpu.vector_load %arg30[%swap3A_285] {strides = array<i32>} : memref<4096xf32, #tpu.memory_space<vmem>>, vector<16xf32>,
        %swap3A_287 = vector.shape_cast %swap3A_286 : vector<16xf32> to vector<16xf32>
        %swap3A_288 = vector.shape_cast %add3A_284 : vector<16xf32> to vector<16xf32>
        tpu.vector_store %arg30[%swap3A_285], %swap3A_288 {strides = array<i32>} : memref<4096xf32, #tpu.memory_space<vmem>>, vector<16xf32>,
      }
      %scan3A_77 = arith.constant 256 : i32
      %mul3A_78 = arith.constant 4096 : i32
      %mul3A_79 = arith.muli %add3A_64, %mul3A_78 : i32
      %add3A_80 = arith.addi %mul3A_2, %mul3A_79 : i32
      "tpu.region"() ({
        %run_scoped3A = tpu.sem_alloc : memref<!tpu.dma_semaphore, #tpu.memory_space<semaphore_mem>>
        %dma_start3A_81 = tpu.memref_slice %arg5[%add3A_80] : memref<1048576xf32, #tpu.memory_space<hbm>> -> memref<4096xf32, #tpu.memory_space<hbm>>
        %dma_start3A_82 = tpu.memref_slice %arg5[%add3A_80] : memref<1048576xf32, #tpu.memory_space<hbm>> -> memref<4096xf32, #tpu.memory_space<hbm>>
        tpu.enqueue_dma source(%arg30 : memref<4096xf32, #tpu.memory_space<vmem>>) target(%dma_start3A_82 : memref<4096xf32, #tpu.memory_space<hbm>>) target_semaphore(%run_scoped3A : memref<!tpu.dma_semaphore, #tpu.memory_space<semaphore_mem>>)
        %dma_wait3A_83 = tpu.memref_slice %arg5[%add3A_80] : memref<1048576xf32, #tpu.memory_space<hbm>> -> memref<4096xf32, #tpu.memory_space<hbm>>
        %dma_wait3A_84 = tpu.memref_slice %arg5[%add3A_80] : memref<1048576xf32, #tpu.memory_space<hbm>> -> memref<4096xf32, #tpu.memory_space<hbm>>
        tpu.wait_dma2 semaphore(%run_scoped3A : memref<!tpu.dma_semaphore, #tpu.memory_space<semaphore_mem>>) src(%arg30 : memref<4096xf32, #tpu.memory_space<vmem>>) dst(%dma_wait3A_84 : memref<4096xf32, #tpu.memory_space<hbm>>)
        tpu.yield
      }) : () -> ()
    }
    %scan3A_20 = arith.constant 4 : i32
    return
  }
}

</mosaic_0001>

<sc_bundles>
// kernel: kernel.3.cloned.1.call-start
scs
__scs_entry_jumppad:
0x0: {  	(pc) =	sbr.rel $0x88, $3  }
0x1: {  	(tag) =	ssettag $0x0;
	lr =	simm.s32 $0x1  }
0x2: {  	[smem:$0x3F9E] =	sst lr;
	_ =	strace $0xD0000000  }
0x3: {  	_ = 	snop  }
0x4: {  	_ = 	snop  }
0x5: {  	_ = 	snop  }
0x6: {  	_ = 	snop  }
0x7: {  	_ = 	snop  }
__scs_overlays_trampoline_lowered:
0x8: {  	[smem:$0x3FAD] =	sst s0  }
0x9: {  	[smem:$0x3FAE] =	sst s1  }
0xa: {  	[smem:$0x3FAF] =	sst s2  }
0xb: {  	[smem:$0x3FB0] =	sst s3  }
0xc: {  	[smem:$0x3FB1] =	sst s4  }
0xd: {  	[smem:$0x3FB2] =	sst s5  }
0xe: {  	[smem:$0x3FB3] =	sst s6  }
0xf: {  	[smem:$0x3FB4] =	sst s7  }
0x10: {  	[smem:$0x3FB5] =	sst s8  }
0x11: {  	[smem:$0x3FB6] =	sst s9;
	s0 =	simm.s32 @!p0 $0x0  }
0x12: {  	s1 =	sld [smem:$0x3F9C];
	s0 =	simm.s32 @p0 $0x1  }
0x13: {  	[smem:$0x3FB7] =	sst s0;
	s0 =	simm.s32 @!p1 $0x0  }
0x14: {  	s2 =	sld [smem:$0x3F9B];
	s0 =	simm.s32 @p1 $0x1  }
0x15: {  	[smem:$0x3FB8] =	sst s0;
	s0 =	simm.s32 @!p2 $0x0  }
0x16: {  	s3 =	sld [smem:$0x3FDB];
	s0 =	simm.s32 @p2 $0x1  }
0x17: {  	s4 =	simm.s32 $0x1BF5;
	[smem:$0x3FBA] =	sst s0  }
0x18: {  	s0 =	sld [smem:$0x3F9D];
	_ =	swait.ge [sflag:s4], $0x0  }
0x19: {  	s7 =	sld [smem:$0x3F9E]  }
0x1a: {  	s8 =	sadd.s32 $0xFFFFE003, lr  }
0x1b: {  	s9 =	sadd.s32 $0xFFFFFEF7, lr;
	s5 =	simm.s32 $0xFFFFFFFF;
	p2 =	slt.u32 s8, $0xFFFFF086  }
0x1c: {  	p1 =	slt.u32 s9, $0xF7A;
	s5 =	simm.s32 @!p2 $0x0  }
0x1d: {  	s5 =	simm.s32 @p1 $0x1;
	p0 =	seq.s32 s7, s2  }
0x1e: {  	s7 =	smul.u32 @!p0 $0xF7A, s2;
	p2 =	seq.s32 @!p0 s5, $0x0  }
0x1f: {  	s9 =	smul.u32 $0xF7A, s1;
	s8 =	simm.s32 @!p0 $0x1BF5;
	p2 =	por !p2, p0  }
0x20: {  	[sflag:s8] =	ssyncset.s32 @!p0 $0xFFFFF086;
	s6 =	sadd.s32 @!p0 s3, s7;
	s7 =	simm.s32 @!p0 $0x108  }
0x21: {  	s3 =	sadd.s32 s3, s9;
	s6 =	sadd.s32 @!p0 $0x88, s6;
	s7 =	simm.s32 @p2 $0x1082  }
0x22: {  	[simem:s7], [sflag:s8] =	dma.local @!p0 [hbm:s6], $0xF7A  }
0x23: {  	s9 =	sor.u32 $0xD0000000, s2;
	s6 =	simm.s32 $0x108;
	_ =	swait.ge @!p0 [sflag:s8], $0x0  }
0x24: {  	s3 =	sadd.s32 $0x88, s3;
	s6 =	simm.s32 @!p1 $0x1082;
	[sflag:s4] =	ssyncset.s32 $0xFFFFF086  }
0x25: {  	[simem:s6], [sflag:s4] =	dma.local [hbm:s3], $0xF7A  }
0x26: {  	[smem:$0x3F9E] =	sst s1;
	(tag) =	ssettag s2;
	_ =	strace s9  }
0x27: {  	s1 =	sld [smem:$0x3FAE]  }
0x28: {  	s2 =	sld [smem:$0x3FAF]  }
0x29: {  	s4 =	sld [smem:$0x3FB1]  }
0x2a: {  	p0 =	seq.s32 s5, $0x0;
	s5 =	sld [smem:$0x3FB2]  }
0x2b: {  	s6 =	sld [smem:$0x3FB3]  }
0x2c: {  	s7 =	sld [smem:$0x3FB4]  }
0x2d: {  	s3 =	simm.s32 $0x108;
	s8 =	sld [smem:$0x3FB5]  }
0x2e: {  	s3 =	simm.s32 @!p0 $0x1082;
	s9 =	sld [smem:$0x3FB6]  }
0x2f: {  	lr =	sadd.s32 s0, s3;
	s0 =	sld [smem:$0x3FAD]  }
0x30: {  	s3 =	sld [smem:$0x3FB0]  }
0x31: {  	[smem:$0x3FB9] =	sst s10  }
0x32: {  	s10 =	sld [smem:$0x3FB7];
	_ =	sdelay $0x3  }
0x33: {  	p0 =	seq.s32 s10, $0x1;
	s10 =	sld [smem:$0x3FB9];
	_ =	sdelay $0x3  }
0x34: {  	[smem:$0x3FB9] =	sst s10  }
0x35: {  	s10 =	sld [smem:$0x3FB8];
	_ =	sdelay $0x3  }
0x36: {  	p1 =	seq.s32 s10, $0x1;
	s10 =	sld [smem:$0x3FB9];
	_ =	sdelay $0x3  }
0x37: {  	[smem:$0x3FB9] =	sst s10  }
0x38: {  	s10 =	sld [smem:$0x3FBA]  }
0x39: {  	_ = 	snop;
	(pc) =	sbr.ind lr, $3  }
0x3a: {  	_ = 	snop  }
0x3b: {  	_ = 	snop  }
0x3c: {  	p2 =	seq.s32 s10, $0x1;
	s10 =	sld [smem:$0x3FB9]  }
0x3d: {  	_ =	shalt  }
0x3e: {  	_ =	shalt  }
0x3f: {  	_ =	shalt  }
0x40: {  	_ =	shalt  }
0x41: {  	_ =	shalt  }
0x42: {  	_ =	shalt  }
0x43: {  	_ =	shalt  }
0x44: {  	_ =	shalt  }
0x45: {  	_ =	shalt  }
0x46: {  	_ =	shalt  }
0x47: {  	_ =	shalt  }
0x48: {  	_ =	shalt  }
0x49: {  	_ =	shalt  }
0x4a: {  	_ =	shalt  }
0x4b: {  	_ =	shalt  }
0x4c: {  	_ =	shalt  }
0x4d: {  	_ =	shalt  }
0x4e: {  	_ =	shalt  }
0x4f: {  	_ =	shalt  }
0x50: {  	_ =	shalt  }
0x51: {  	_ =	shalt  }
0x52: {  	_ =	shalt  }
0x53: {  	_ =	shalt  }
0x54: {  	_ =	shalt  }
0x55: {  	_ =	shalt  }
0x56: {  	_ =	shalt  }
0x57: {  	_ =	shalt  }
0x58: {  	_ =	shalt  }
0x59: {  	_ =	shalt  }
0x5a: {  	_ =	shalt  }
0x5b: {  	_ =	shalt  }
0x5c: {  	_ =	shalt  }
0x5d: {  	_ =	shalt  }
0x5e: {  	_ =	shalt  }
0x5f: {  	_ =	shalt  }
0x60: {  	_ =	shalt  }
0x61: {  	_ =	shalt  }
0x62: {  	_ =	shalt  }
0x63: {  	_ =	shalt  }
0x64: {  	_ =	shalt  }
0x65: {  	_ =	shalt  }
0x66: {  	_ =	shalt  }
0x67: {  	_ =	shalt  }
0x68: {  	_ =	shalt  }
0x69: {  	_ =	shalt  }
0x6a: {  	_ =	shalt  }
0x6b: {  	_ =	shalt  }
0x6c: {  	_ =	shalt  }
0x6d: {  	_ =	shalt  }
0x6e: {  	_ =	shalt  }
0x6f: {  	_ =	shalt  }
0x70: {  	_ =	shalt  }
0x71: {  	_ =	shalt  }
0x72: {  	_ =	shalt  }
0x73: {  	_ =	shalt  }
0x74: {  	_ =	shalt  }
0x75: {  	_ =	shalt  }
0x76: {  	_ =	shalt  }
0x77: {  	_ =	shalt  }
0x78: {  	_ =	shalt  }
0x79: {  	_ =	shalt  }
0x7a: {  	_ =	shalt  }
0x7b: {  	_ =	shalt  }
0x7c: {  	_ =	shalt  }
0x7d: {  	_ =	shalt  }
0x7e: {  	_ =	shalt  }
0x7f: {  	_ =	shalt  }
0x80: {  	_ =	shalt  }
0x81: {  	_ =	shalt  }
0x82: {  	_ =	shalt  }
0x83: {  	_ =	shalt  }
0x84: {  	_ =	shalt  }
0x85: {  	_ =	shalt  }
0x86: {  	_ =	shalt  }
0x87: {  	_ =	shalt  }
.Lfunc_end0:
.L_simem_size_0:
called_computation_lowered:
.L_overlay_start_0:
0x88: {  	s2 =	sld [smem:$0x3FD9]  }
0x89: {  	s3 =	sld [smem:$0x3FFE];
	_ =	sdelay $0x1  }
0x8a: {  	s1 =	srdreg.scid  }
0x8b: {  	s0 =	sand.u32 $0x1, s1  }
0x8c: {  	s17 =	sshll.u32 s0, $0xA;
	s2 =	sadd.s32 s3, s2  }
0x8d: {  	s2 =	sadd.s32 s2, s17  }
0x8e: {  	[smem:$0x3FC5] =	sst s2  }
0x8f: {  	_ = 	snop  }
0x90: {  	s2 =	sld [smem:$0x3FC8]  }
0x91: {  	s18 =	sld [smem:$0x3FC7]  }
0x92: {  	s4 =	sld [smem:$0x3FD0];
	(tm) =	ssettm $0x1  }
0x93: {  	s5 =	sld [smem:$0x3FFB];
	_ =	sdelay $0x3  }
0x94: {  	_ =	strace s5  }
0x95: {  	s5 =	sld [smem:$0x3FFC];
	_ =	sdelay $0x3  }
0x96: {  	_ =	strace s5  }
0x97: {  	s5 =	sld [smem:$0x3FFD];
	_ =	sdelay $0x3  }
0x98: {  	_ =	strace s5  }
0x99: {  	_ =	strace $0x8FFFFFFF  }
0x9a: {  	s19 =	sld [smem:$0x3FDB];
	_ =	sdelay $0x1  }
0x9b: {  	s6 =	simm.s32 $_scs_section_size  }
0x9c: {  	s7 =	simm.s32 $_size__tile_overlayer_lowered;
	s8 =	simm.s32 $_tile_overlayer_lowered  }
0x9d: {  	s22 =	simm.s32 $0x1BFF;
	s21 =	sshll.u32 s8, $0x1;
	s5 =	sadd.s32 s6, s19  }
0x9e: {  	s9 =	simm.s32 $0x0;
	s20 =	sshll.u32 s7, $0x1;
	s7 =	sadd.s32 s21, s5  }
0x9f: {  	[timem:s9], [sflag:s22] =	dma.local [hbm:s7], s20  }
0xa0: {  	_ =	swait.ge [sflag:s22], s20  }
0xa1: {  	s6 =	ssub.s32 $0x0, s20;
	[sflag:s22] =	ssyncset.done $0x0  }
0xa2: {  	[sflag:s22] =	ssyncadd.s32 s6;
	_ =	sdelay $0x1  }
0xa3: {  	s23 =	simm.s32 $0x1B8B  }
0xa4: {  	_ =	swait.ge [sflag:s23], $0x1  }
0xa5: {  	[sflag:s23] =	ssyncset.done $0x0  }
0xa6: {  	s25 =	simm.s32 $0x1B8E;
	s24 =	sld [smem:$0x3FFE];
	[sflag:s23] =	ssyncadd.s32 $0xFFFFFFFF  }
0xa7: {  	s26 =	simm.s32 $execute0_lowered;
	[smem:$0x3FD2] =	sst s25  }
0xa8: {  	s7 =	sshll.u32 s26, $0x1;
	_ =	strace $0x80000046;
	[dreg:$0x1] =	wrdreg $0xFFFFFFFF  }
0xa9: {  	s28 =	simm.s32 $_size_execute0_lowered;
	s5 =	sadd.s32 s5, s7;
	[dreg:$0x0] =	wrdreg $0x0  }
0xaa: {  	s7 =	sshll.u32 s28, $0x1;
	[dreg:$0x2] =	wrdreg s5  }
0xab: {  	[dreg:$0x3] =	wrdreg s7  }
0xac: {  	[dreg:$0x4] =	wrdreg $0xC0  }
0xad: {  	_ =	task [dreg:s9], $0x5FFFF  }
0xae: {  	[dreg:$0x1] =	wrdreg $0xFFFFFFFF  }
0xaf: {  	[dreg:$0x0] =	wrdreg $0x60  }
0xb0: {  	[dreg:$0x2] =	wrdreg s24  }
0xb1: {  	[dreg:$0x3] =	wrdreg s2  }
0xb2: {  	[dreg:$0x4] =	wrdreg s18  }
0xb3: {  	[dreg:$0x5] =	wrdreg s4  }
0xb4: {  	[dreg:$0x6] =	wrdreg $0x9  }
0xb5: {  	_ =	task.clear_ibuf [dreg:s9], $0x7FFFF;
	_ =	strace $0x90000046  }
0xb6: {  	s29 =	simm.s32 $0x9;
	_ =	strace $0x80000048  }
0xb7: {  	_ =	swait.ge [sflag:s29], $0x1  }
0xb8: {  	[sflag:s29] =	ssyncadd.s32 $0xFFFFFFFF  }
0xb9: {  	_ =	strace $0x90000048  }
0xba: {  	_ =	sfence  }
0xbb: {  	s30 =	sld [smem:$0x0];
	_ =	sdelay $0x2  }
0xbc: {  	s31 =	sshll.u32 s1, $0xD;
	s1 =	sshrl.u32 s1, $0x2  }
0xbd: {  	s3 =	sand.u32 $0x4000, s31;
	s1 =	sadd.s32 s1, s30  }
0xbe: {  	s0 =	sor.u32 s3, s0;
	s1 =	sshll.u32 s1, $0x11  }
0xbf: {  	s0 =	sor.u32 s1, s0  }
0xc0: {  	s0 =	sadd.s32 $0x8F2B, s0  }
0xc1: {  	[sflag:s0] =	ssyncadd.remote.s32 $0x1  }
0xc2: {  	_ =	sfence.sel $0xFFFF  }
0xc3: {  	[dreg:$0x0] =	wrdreg $0xFFFFFFFF;
	(pc) =	sbr.abs _section_cstart, $3  }
0xc4: {  	[dreg:$0x1] =	wrdreg $0xFFFFFFFF  }
0xc5: {  	_ =	task.clear_ibuf [dreg:s9], $0x2FFFF;
	_ =	strace $0x9FFFFFFF  }
0xc6: {  	(tm) =	ssettm $0x7FFFFFFF  }
0xc7: {  	_ =	shalt  }
tec
execute0_lowered:
.L_overlay_start_1:
0x0: {  	(tag) =	ssettag $0x1  }
0x1: {  	s0 =	rddreg [dreg:$0x0]  }
0x2: {  	s1 =	rddreg [dreg:$0x1]  }
0x3: {  	s3 =	rddreg [dreg:$0x2]  }
0x4: {  	s4 =	rddreg [dreg:$0x3]  }
0x5: {  	s2 =	srdreg.scid;
	s6 =	stileid.u32  }
0x6: {  	s5 =	simm.s32 $0x0;
	s12 =	simm.s32 $0x3;
	s13 =	simm.s32 $0x1000  }
0x7: {  	s28 =	simm.s32 $0x15000;
	s29 =	simm.s32 $0x10000;
	s30 =	simm.s32 $0x16000  }
0x8: {  	s31 =	simm.s32 $0x11000;
	s11 =	simm.s32 $0x0;
	s2 =	sand.u32 $0x1, s2  }
0x9: {  	s6 =	sshll.u32 s6, $0x10;
	[smem:$0x7FF] =	sst s5;
	s7 =	sshll.u32 s2, $0xF  }
0xa: {  	s2 =	ssub.s32 $0x2, s2;
	_ =	strace $0x80000047;
	s6 =	sor.u32 s7, s6  }
0xb: {  	s8 =	sshrl.u32 s2, $0x1;
	s7 =	sadd.s32 $0x400, s0;
	s9 =	sshrl.u32 s6, $0x3  }
0xc: {  	s23 =	ssub.s32 s2, s8;
	s26 =	sor.u32 $0x2000, s6;
	s2 =	simm.s32 $0x1  }
0xd: {  	s8 =	simm.s32 $0x18000;
	s24 =	sadd.s32 s1, s9;
	[dreg:$0x7] =	wrdreg s26  }
0xe: {  	s25 =	sadd.s32 s3, s9;
	s0 =	smax.u32 s23, $0x1;
	[dreg:$0x5] =	wrdreg s24  }
0xf: {  	s26 =	simm.s32 $0xF000;
	s9 =	simm.s32 $0x2;
	[dreg:$0x6] =	wrdreg s25  }
0x10: {  	[dreg:$0x8] =	wrdreg s0;
	s25 =	simm.s32 $0x14000;
	s0 =	simm.s32 $0x17000  }
.LBB2_1:
0x11: {  	[dreg:$0x9] =	wrdreg s11  }
0x12: {  	s10 =	rddreg [dreg:$0x5]  }
0x13: {  	[tilespmem:s5], [sflag:$0x3] =	stream.linear.gather [hbm4b:s10+s5], $0x1000, $0x38;
	[tilespmem:$0x19000] =	vst v63  }
0x14: {  	_ =	swait.ge [sflag:s12], $0x1000  }
0x15: {  	[sflag:s12] =	ssyncset.done $0x0  }
0x16: {  	s23 =	rddreg [dreg:$0x6];
	[sflag:s12] =	ssyncadd.s32 $0xFFFFF000  }
0x17: {  	[tilespmem:s13], [sflag:$0x3] =	stream.linear.gather [hbm4b:s23+s5], $0x1000, $0x38;
	[tilespmem:$0x19000] =	vst v63  }
0x18: {  	_ =	swait.ge [sflag:s12], $0x1000  }
0x19: {  	[sflag:s12] =	ssyncset.done $0x0  }
0x1a: {  	s15 =	simm.s32 $0x20;
	[sflag:s12] =	ssyncadd.s32 $0xFFFFF000  }
0x1b: {  	s17 =	simm.s32 $0x1020;
	v0 =	vld [tilespmem:s15+$0xFFFFFFE0]  }
0x1c: {  	v1 =	vld [tilespmem:s17+$0xFFFFFFE0];
	_ =	sdelay $0x3  }
0x1d: {  	v0 =	vadd.f32 $9.000000000e+01, v0  }
0x1e: {  	v1 =	vadd.f32 $1.800000000e+02, v1  }
0x1f: {  	v0 =	vmul.f32 $1.000000000e+01, v0  }
0x20: {  	v1 =	vmul.f32 $1.000000000e+01, v1  }
0x21: {  	v2 =	vtrunc.f32 v0  }
0x22: {  	v3 =	vtrunc.f32 v1;
	v2 =	vcvt.f32.s32 v2  }
0x23: {  	v3 =	vcvt.f32.s32 v3  }
0x24: {  	vm0 =	vlt.s32 v2, $0x707  }
0x25: {  	vm5 =	vlt.s32 v3, $0xE0F;
	v2 =	vnsel vm0, $0x707, v2  }
0x26: {  	v4 =	vnsel vm5, $0xE0F, v3;
	v5 =	vcvt.s32.f32 v2  }
0x27: {  	v6 =	vcvt.s32.f32 v4  }
0x28: {  	v2 =	vmul.u32 $0xE10, v2;
	v0 =	vsub.f32 v0, v5  }
0x29: {  	s18 =	simm.s32 $0x6020;
	v1 =	vsub.f32 v1, v6  }
0x2a: {  	s24 =	simm.s32 $0x7020;
	v4 =	vadd.s32 v4, v2;
	[tilespmem:s18+$0xFFFFFFE0] =	vst v0  }
0x2b: {  	s16 =	simm.s32 $0x2020;
	vm6 =	vgt.s32 v3, $0xE0E;
	v0 =	vadd.s32 $0x1, v4;
	[tilespmem:s24+$0xFFFFFFE0] =	vst v1  }
0x2c: {  	s19 =	simm.s32 $0x3020;
	v0 =	vsel vm6, v2, v0;
	[tilespmem:s16+$0xFFFFFFE0] =	vst v4  }
0x2d: {  	s11 =	simm.s32 $0x4020;
	v1 =	vadd.s32 $0xE10, v4;
	[tilespmem:s19+$0xFFFFFFE0] =	vst v0  }
0x2e: {  	s14 =	simm.s32 $0x5020;
	v0 =	vadd.s32 $0xE10, v0;
	[tilespmem:s11+$0xFFFFFFE0] =	vst v1  }
0x2f: {  	[tilespmem:s14+$0xFFFFFFE0] =	vst v0  }
0x30: {  	v0 =	vld [tilespmem:s15+$0xFFFFFFF0]  }
0x31: {  	v1 =	vld [tilespmem:s17+$0xFFFFFFF0];
	_ =	sdelay $0x3  }
0x32: {  	v0 =	vadd.f32 $9.000000000e+01, v0  }
0x33: {  	v1 =	vadd.f32 $1.800000000e+02, v1  }
0x34: {  	v0 =	vmul.f32 $1.000000000e+01, v0  }
0x35: {  	v1 =	vmul.f32 $1.000000000e+01, v1  }
0x36: {  	v2 =	vtrunc.f32 v0  }
0x37: {  	v3 =	vtrunc.f32 v1;
	v2 =	vcvt.f32.s32 v2  }
0x38: {  	v3 =	vcvt.f32.s32 v3  }
0x39: {  	vm7 =	vlt.s32 v2, $0x707  }
0x3a: {  	vm8 =	vlt.s32 v3, $0xE0F;
	v2 =	vnsel vm7, $0x707, v2  }
0x3b: {  	v55 =	vnsel vm8, $0xE0F, v3;
	v56 =	vcvt.s32.f32 v2  }
0x3c: {  	v57 =	vcvt.s32.f32 v55  }
0x3d: {  	v2 =	vmul.u32 $0xE10, v2;
	v0 =	vsub.f32 v0, v56  }
0x3e: {  	v1 =	vsub.f32 v1, v57  }
0x3f: {  	v4 =	vadd.s32 v55, v2;
	[tilespmem:s18+$0xFFFFFFF0] =	vst v0  }
0x40: {  	vm9 =	vgt.s32 v3, $0xE0E;
	v0 =	vadd.s32 $0x1, v4;
	[tilespmem:s24+$0xFFFFFFF0] =	vst v1  }
0x41: {  	v0 =	vsel vm9, v2, v0;
	[tilespmem:s16+$0xFFFFFFF0] =	vst v4  }
0x42: {  	v1 =	vadd.s32 $0xE10, v4;
	[tilespmem:s19+$0xFFFFFFF0] =	vst v0  }
0x43: {  	v0 =	vadd.s32 $0xE10, v0;
	[tilespmem:s11+$0xFFFFFFF0] =	vst v1  }
0x44: {  	[tilespmem:s14+$0xFFFFFFF0] =	vst v0  }
0x45: {  	v0 =	vld [tilespmem:s15+$0x0]  }
0x46: {  	v1 =	vld [tilespmem:s17+$0x0];
	_ =	sdelay $0x3  }
0x47: {  	v0 =	vadd.f32 $9.000000000e+01, v0  }
0x48: {  	v1 =	vadd.f32 $1.800000000e+02, v1  }
0x49: {  	v0 =	vmul.f32 $1.000000000e+01, v0  }
0x4a: {  	v1 =	vmul.f32 $1.000000000e+01, v1  }
0x4b: {  	v2 =	vtrunc.f32 v0  }
0x4c: {  	v3 =	vtrunc.f32 v1;
	v2 =	vcvt.f32.s32 v2  }
0x4d: {  	v3 =	vcvt.f32.s32 v3  }
0x4e: {  	vm10 =	vlt.s32 v2, $0x707  }
0x4f: {  	vm11 =	vlt.s32 v3, $0xE0F;
	v2 =	vnsel vm10, $0x707, v2  }
0x50: {  	v58 =	vnsel vm11, $0xE0F, v3;
	v59 =	vcvt.s32.f32 v2  }
0x51: {  	v60 =	vcvt.s32.f32 v58  }
0x52: {  	v2 =	vmul.u32 $0xE10, v2;
	v0 =	vsub.f32 v0, v59  }
0x53: {  	v1 =	vsub.f32 v1, v60  }
0x54: {  	v4 =	vadd.s32 v58, v2;
	[tilespmem:s18+$0x0] =	vst v0  }
0x55: {  	vm12 =	vgt.s32 v3, $0xE0E;
	v0 =	vadd.s32 $0x1, v4;
	[tilespmem:s24+$0x0] =	vst v1  }
0x56: {  	v0 =	vsel vm12, v2, v0;
	[tilespmem:s16+$0x0] =	vst v4  }
0x57: {  	v1 =	vadd.s32 $0xE10, v4;
	[tilespmem:s19+$0x0] =	vst v0  }
0x58: {  	v0 =	vadd.s32 $0xE10, v0;
	[tilespmem:s11+$0x0] =	vst v1  }
0x59: {  	[tilespmem:s14+$0x0] =	vst v0  }
0x5a: {  	v0 =	vld [tilespmem:s15+$0x10]  }
0x5b: {  	v1 =	vld [tilespmem:s17+$0x10];
	_ =	sdelay $0x3  }
0x5c: {  	v0 =	vadd.f32 $9.000000000e+01, v0  }
0x5d: {  	v1 =	vadd.f32 $1.800000000e+02, v1  }
0x5e: {  	v0 =	vmul.f32 $1.000000000e+01, v0  }
0x5f: {  	v1 =	vmul.f32 $1.000000000e+01, v1  }
0x60: {  	v2 =	vtrunc.f32 v0  }
0x61: {  	v3 =	vtrunc.f32 v1;
	v2 =	vcvt.f32.s32 v2  }
0x62: {  	v3 =	vcvt.f32.s32 v3  }
0x63: {  	vm13 =	vlt.s32 v2, $0x707  }
0x64: {  	vm14 =	vlt.s32 v3, $0xE0F;
	v2 =	vnsel vm13, $0x707, v2  }
0x65: {  	v61 =	vnsel vm14, $0xE0F, v3;
	v62 =	vcvt.s32.f32 v2  }
0x66: {  	v63 =	vcvt.s32.f32 v61  }
0x67: {  	v2 =	vmul.u32 $0xE10, v2;
	v0 =	vsub.f32 v0, v62  }
0x68: {  	v1 =	vsub.f32 v1, v63  }
0x69: {  	v4 =	vadd.s32 v61, v2;
	[tilespmem:s18+$0x10] =	vst v0  }
0x6a: {  	vm15 =	vgt.s32 v3, $0xE0E;
	v0 =	vadd.s32 $0x1, v4;
	[tilespmem:s24+$0x10] =	vst v1  }
0x6b: {  	s20 =	simm.s32 $0x7060;
	v0 =	vsel vm15, v2, v0;
	[tilespmem:s16+$0x10] =	vst v4  }
0x6c: {  	s10 =	simm.s32 $0x3060;
	s15 =	simm.s32 $0x0;
	s17 =	simm.s32 $0x1060;
	v1 =	vadd.s32 $0xE10, v4;
	[tilespmem:s19+$0x10] =	vst v0  }
0x6d: {  	s18 =	simm.s32 $0x60;
	s16 =	simm.s32 $0x6060;
	v0 =	vadd.s32 $0xE10, v0;
	s19 =	simm.s32 $0x2060;
	[tilespmem:s11+$0x10] =	vst v1  }
.LBB2_2:
0x6e: {  	s15 =	sadd.s32 $0x4, s15;
	[tilespmem:s14+$0x10] =	vst v0;
	s14 =	sadd.s32 $0x40, s14;
	s11 =	sadd.s32 $0x40, s11  }
0x6f: {  	v0 =	vld [tilespmem:s18+$0xFFFFFFE0];
	p0 =	slt.u32 s15, $0xFC  }
0x70: {  	v1 =	vld [tilespmem:s17+$0xFFFFFFE0];
	_ =	sdelay $0x3  }
0x71: {  	v0 =	vadd.f32 $9.000000000e+01, v0  }
0x72: {  	v1 =	vadd.f32 $1.800000000e+02, v1  }
0x73: {  	v0 =	vmul.f32 $1.000000000e+01, v0  }
0x74: {  	v1 =	vmul.f32 $1.000000000e+01, v1  }
0x75: {  	v2 =	vtrunc.f32 v0  }
0x76: {  	v2 =	vcvt.f32.s32 v2;
	v3 =	vtrunc.f32 v1  }
0x77: {  	v3 =	vcvt.f32.s32 v3  }
0x78: {  	vm0 =	vlt.s32 v2, $0x707  }
0x79: {  	v2 =	vnsel vm0, $0x707, v2;
	vm0 =	vlt.s32 v3, $0xE0F  }
0x7a: {  	v4 =	vnsel vm0, $0xE0F, v3;
	v5 =	vcvt.s32.f32 v2;
	v2 =	vmul.u32 $0xE10, v2  }
0x7b: {  	v6 =	vcvt.s32.f32 v4  }
0x7c: {  	v0 =	vsub.f32 v0, v5;
	v4 =	vadd.s32 v4, v2  }
0x7d: {  	vm0 =	vgt.s32 v3, $0xE0E;
	v1 =	vsub.f32 v1, v6;
	v3 =	vadd.s32 $0x1, v4  }
0x7e: {  	[tilespmem:s16+$0xFFFFFFE0] =	vst v0;
	v0 =	vsel vm0, v2, v3  }
0x7f: {  	[tilespmem:s20+$0xFFFFFFE0] =	vst v1  }
0x80: {  	[tilespmem:s19+$0xFFFFFFE0] =	vst v4  }
0x81: {  	v1 =	vadd.s32 $0xE10, v4;
	[tilespmem:s10+$0xFFFFFFE0] =	vst v0  }
0x82: {  	v0 =	vadd.s32 $0xE10, v0;
	[tilespmem:s11+$0xFFFFFFE0] =	vst v1  }
0x83: {  	[tilespmem:s14+$0xFFFFFFE0] =	vst v0  }
0x84: {  	v0 =	vld [tilespmem:s18+$0xFFFFFFF0]  }
0x85: {  	v1 =	vld [tilespmem:s17+$0xFFFFFFF0];
	_ =	sdelay $0x3  }
0x86: {  	v0 =	vadd.f32 $9.000000000e+01, v0  }
0x87: {  	v1 =	vadd.f32 $1.800000000e+02, v1  }
0x88: {  	v0 =	vmul.f32 $1.000000000e+01, v0  }
0x89: {  	v1 =	vmul.f32 $1.000000000e+01, v1  }
0x8a: {  	v2 =	vtrunc.f32 v0  }
0x8b: {  	v2 =	vcvt.f32.s32 v2;
	v3 =	vtrunc.f32 v1  }
0x8c: {  	v3 =	vcvt.f32.s32 v3  }
0x8d: {  	vm0 =	vlt.s32 v2, $0x707  }
0x8e: {  	v2 =	vnsel vm0, $0x707, v2;
	vm0 =	vlt.s32 v3, $0xE0F  }
0x8f: {  	v4 =	vnsel vm0, $0xE0F, v3;
	v5 =	vcvt.s32.f32 v2;
	v2 =	vmul.u32 $0xE10, v2  }
0x90: {  	v6 =	vcvt.s32.f32 v4  }
0x91: {  	v0 =	vsub.f32 v0, v5;
	v4 =	vadd.s32 v4, v2  }
0x92: {  	vm0 =	vgt.s32 v3, $0xE0E;
	v1 =	vsub.f32 v1, v6;
	v3 =	vadd.s32 $0x1, v4  }
0x93: {  	[tilespmem:s16+$0xFFFFFFF0] =	vst v0;
	v0 =	vsel vm0, v2, v3  }
0x94: {  	[tilespmem:s20+$0xFFFFFFF0] =	vst v1  }
0x95: {  	[tilespmem:s19+$0xFFFFFFF0] =	vst v4  }
0x96: {  	v1 =	vadd.s32 $0xE10, v4;
	[tilespmem:s10+$0xFFFFFFF0] =	vst v0  }
0x97: {  	v0 =	vadd.s32 $0xE10, v0;
	[tilespmem:s11+$0xFFFFFFF0] =	vst v1  }
0x98: {  	[tilespmem:s14+$0xFFFFFFF0] =	vst v0  }
0x99: {  	v0 =	vld [tilespmem:s18+$0x0]  }
0x9a: {  	v1 =	vld [tilespmem:s17+$0x0];
	_ =	sdelay $0x3  }
0x9b: {  	v0 =	vadd.f32 $9.000000000e+01, v0  }
0x9c: {  	v1 =	vadd.f32 $1.800000000e+02, v1  }
0x9d: {  	v0 =	vmul.f32 $1.000000000e+01, v0  }
0x9e: {  	v1 =	vmul.f32 $1.000000000e+01, v1  }
0x9f: {  	v2 =	vtrunc.f32 v0  }
0xa0: {  	v2 =	vcvt.f32.s32 v2;
	v3 =	vtrunc.f32 v1  }
0xa1: {  	v3 =	vcvt.f32.s32 v3  }
0xa2: {  	vm0 =	vlt.s32 v2, $0x707  }
0xa3: {  	v2 =	vnsel vm0, $0x707, v2;
	vm0 =	vlt.s32 v3, $0xE0F  }
0xa4: {  	v4 =	vnsel vm0, $0xE0F, v3;
	v5 =	vcvt.s32.f32 v2;
	v2 =	vmul.u32 $0xE10, v2  }
0xa5: {  	v6 =	vcvt.s32.f32 v4  }
0xa6: {  	v0 =	vsub.f32 v0, v5;
	v4 =	vadd.s32 v4, v2  }
0xa7: {  	vm0 =	vgt.s32 v3, $0xE0E;
	v1 =	vsub.f32 v1, v6;
	v3 =	vadd.s32 $0x1, v4  }
0xa8: {  	[tilespmem:s16+$0x0] =	vst v0;
	v0 =	vsel vm0, v2, v3  }
0xa9: {  	[tilespmem:s20+$0x0] =	vst v1  }
0xaa: {  	[tilespmem:s19+$0x0] =	vst v4  }
0xab: {  	v1 =	vadd.s32 $0xE10, v4;
	[tilespmem:s10+$0x0] =	vst v0  }
0xac: {  	v0 =	vadd.s32 $0xE10, v0;
	[tilespmem:s11+$0x0] =	vst v1  }
0xad: {  	[tilespmem:s14+$0x0] =	vst v0  }
0xae: {  	v0 =	vld [tilespmem:s18+$0x10]  }
0xaf: {  	v1 =	vld [tilespmem:s17+$0x10];
	_ =	sdelay $0x3  }
0xb0: {  	v0 =	vadd.f32 $9.000000000e+01, v0  }
0xb1: {  	v1 =	vadd.f32 $1.800000000e+02, v1  }
0xb2: {  	v0 =	vmul.f32 $1.000000000e+01, v0  }
0xb3: {  	v1 =	vmul.f32 $1.000000000e+01, v1  }
0xb4: {  	v2 =	vtrunc.f32 v0  }
0xb5: {  	v2 =	vcvt.f32.s32 v2;
	v3 =	vtrunc.f32 v1  }
0xb6: {  	v3 =	vcvt.f32.s32 v3  }
0xb7: {  	vm0 =	vlt.s32 v2, $0x707  }
0xb8: {  	v2 =	vnsel vm0, $0x707, v2;
	vm0 =	vlt.s32 v3, $0xE0F  }
0xb9: {  	v4 =	vnsel vm0, $0xE0F, v3;
	v5 =	vcvt.s32.f32 v2;
	v2 =	vmul.u32 $0xE10, v2  }
0xba: {  	v6 =	vcvt.s32.f32 v4  }
0xbb: {  	v0 =	vsub.f32 v0, v5;
	v4 =	vadd.s32 v4, v2  }
0xbc: {  	vm0 =	vgt.s32 v3, $0xE0E;
	v1 =	vsub.f32 v1, v6;
	v3 =	vadd.s32 $0x1, v4  }
.Ltmp0:
0xbd: {  	[tilespmem:s16+$0x10] =	vst v0;
	v0 =	vsel vm0, v2, v3;
	(pc) =	sbr.rel @p0 .LBB2_2-.Ltmp0, $4  }
0xbe: {  	[tilespmem:s20+$0x10] =	vst v1  }
0xbf: {  	[tilespmem:s19+$0x10] =	vst v4  }
0xc0: {  	s18 =	sadd.s32 $0x40, s18;
	s17 =	sadd.s32 $0x40, s17;
	s16 =	sadd.s32 $0x40, s16;
	v1 =	vadd.s32 $0xE10, v4;
	[tilespmem:s10+$0x10] =	vst v0  }
0xc1: {  	s20 =	sadd.s32 $0x40, s20;
	s19 =	sadd.s32 $0x40, s19;
	v0 =	vadd.s32 $0xE10, v0;
	s10 =	sadd.s32 $0x40, s10;
	[tilespmem:s11+$0x10] =	vst v1  }
0xc2: {  	[tilespmem:s14+$0x10] =	vst v0;
	s10 =	simm.s32 $0x2000;
	s11 =	simm.s32 $0x8000  }
0xc3: {  	[tilespmem:s11], [sflag:$0x1] =	stream.indirect.gather [hbm4b:s7+s13], $0x1, s10, s13, $0xb8;
	[tilespmem:$0x19000] =	vst v63  }
0xc4: {  	s19 =	simm.s32 $0x3000;
	s20 =	simm.s32 $0x9000  }
0xc5: {  	[tilespmem:s20], [sflag:$0x1] =	stream.indirect.gather [hbm4b:s7+s13], $0x1, s19, s13, $0xb8;
	[tilespmem:$0x19000] =	vst v63  }
0xc6: {  	s21 =	simm.s32 $0x4000;
	s22 =	simm.s32 $0xA000  }
0xc7: {  	[tilespmem:s22], [sflag:$0x1] =	stream.indirect.gather [hbm4b:s7+s13], $0x1, s21, s13, $0xb8;
	[tilespmem:$0x19000] =	vst v63  }
0xc8: {  	s23 =	simm.s32 $0x5000;
	s24 =	simm.s32 $0xB000;
	s11 =	simm.s32 $0x0  }
0xc9: {  	[tilespmem:s24], [sflag:$0x1] =	stream.indirect.gather [hbm4b:s7+s13], $0x1, s23, s13, $0xb8;
	[tilespmem:$0x19000] =	vst v63  }
.LBB2_4:
0xca: {  	s15 =	sshll.u32 s11, $0xD  }
0xcb: {  	s10 =	sor.u32 s15, s6  }
0xcc: {  	s16 =	sshrl.u32 s10, $0x3  }
0xcd: {  	s14 =	sor.u32 $0x200, s16  }
0xce: {  	s17 =	simm.s32 $0xC000;
	s21 =	sadd.s32 s1, s14  }
0xcf: {  	[tilespmem:s17], [sflag:$0x3] =	stream.linear.gather [hbm4b:s21+s5], $0x1000, $0x38;
	[tilespmem:$0x19000] =	vst v63  }
0xd0: {  	_ =	swait.ge [sflag:s12], $0x1000  }
0xd1: {  	[sflag:s12] =	ssyncset.done $0x0  }
0xd2: {  	s23 =	simm.s32 $0xD000;
	s22 =	sadd.s32 s3, s14;
	[sflag:s12] =	ssyncadd.s32 $0xFFFFF000  }
0xd3: {  	[tilespmem:s23], [sflag:$0x3] =	stream.linear.gather [hbm4b:s22+s5], $0x1000, $0x38;
	[tilespmem:$0x19000] =	vst v63  }
0xd4: {  	_ =	swait.ge [sflag:s12], $0x1000  }
0xd5: {  	[sflag:s12] =	ssyncset.done $0x0  }
0xd6: {  	s19 =	simm.s32 $0xC020;
	[sflag:s12] =	ssyncadd.s32 $0xFFFFF000  }
0xd7: {  	s21 =	simm.s32 $0xD020;
	v0 =	vld [tilespmem:s19+$0xFFFFFFE0]  }
0xd8: {  	v1 =	vld [tilespmem:s21+$0xFFFFFFE0];
	_ =	sdelay $0x3  }
0xd9: {  	v0 =	vadd.f32 $9.000000000e+01, v0  }
0xda: {  	v1 =	vadd.f32 $1.800000000e+02, v1  }
0xdb: {  	v0 =	vmul.f32 $1.000000000e+01, v0  }
0xdc: {  	v1 =	vmul.f32 $1.000000000e+01, v1  }
0xdd: {  	v2 =	vtrunc.f32 v0  }
0xde: {  	v3 =	vtrunc.f32 v1;
	v2 =	vcvt.f32.s32 v2  }
0xdf: {  	v3 =	vcvt.f32.s32 v3  }
0xe0: {  	vm0 =	vlt.s32 v2, $0x707  }
0xe1: {  	vm5 =	vlt.s32 v3, $0xE0F;
	v2 =	vnsel vm0, $0x707, v2  }
0xe2: {  	v4 =	vnsel vm5, $0xE0F, v3;
	v5 =	vcvt.s32.f32 v2  }
0xe3: {  	v6 =	vcvt.s32.f32 v4  }
0xe4: {  	v2 =	vmul.u32 $0xE10, v2;
	v0 =	vsub.f32 v0, v5  }
0xe5: {  	s22 =	simm.s32 $0x12020;
	v1 =	vsub.f32 v1, v6  }
0xe6: {  	s24 =	simm.s32 $0x13020;
	v4 =	vadd.s32 v4, v2;
	[tilespmem:s22+$0xFFFFFFE0] =	vst v0  }
0xe7: {  	s20 =	simm.s32 $0xE020;
	vm6 =	vgt.s32 v3, $0xE0E;
	v0 =	vadd.s32 $0x1, v4;
	[tilespmem:s24+$0xFFFFFFE0] =	vst v1  }
0xe8: {  	s23 =	simm.s32 $0xF020;
	v0 =	vsel vm6, v2, v0;
	[tilespmem:s20+$0xFFFFFFE0] =	vst v4  }
0xe9: {  	s17 =	simm.s32 $0x10020;
	v1 =	vadd.s32 $0xE10, v4;
	[tilespmem:s23+$0xFFFFFFE0] =	vst v0  }
0xea: {  	s18 =	simm.s32 $0x11020;
	v0 =	vadd.s32 $0xE10, v0;
	[tilespmem:s17+$0xFFFFFFE0] =	vst v1  }
0xeb: {  	[tilespmem:s18+$0xFFFFFFE0] =	vst v0  }
0xec: {  	v0 =	vld [tilespmem:s19+$0xFFFFFFF0]  }
0xed: {  	v1 =	vld [tilespmem:s21+$0xFFFFFFF0];
	_ =	sdelay $0x3  }
0xee: {  	v0 =	vadd.f32 $9.000000000e+01, v0  }
0xef: {  	v1 =	vadd.f32 $1.800000000e+02, v1  }
0xf0: {  	v0 =	vmul.f32 $1.000000000e+01, v0  }
0xf1: {  	v1 =	vmul.f32 $1.000000000e+01, v1  }
0xf2: {  	v2 =	vtrunc.f32 v0  }
0xf3: {  	v3 =	vtrunc.f32 v1;
	v2 =	vcvt.f32.s32 v2  }
0xf4: {  	v3 =	vcvt.f32.s32 v3  }
0xf5: {  	vm7 =	vlt.s32 v2, $0x707  }
0xf6: {  	vm8 =	vlt.s32 v3, $0xE0F;
	v2 =	vnsel vm7, $0x707, v2  }
0xf7: {  	v55 =	vnsel vm8, $0xE0F, v3;
	v56 =	vcvt.s32.f32 v2  }
0xf8: {  	v57 =	vcvt.s32.f32 v55  }
0xf9: {  	v2 =	vmul.u32 $0xE10, v2;
	v0 =	vsub.f32 v0, v56  }
0xfa: {  	v1 =	vsub.f32 v1, v57  }
0xfb: {  	v4 =	vadd.s32 v55, v2;
	[tilespmem:s22+$0xFFFFFFF0] =	vst v0  }
0xfc: {  	vm9 =	vgt.s32 v3, $0xE0E;
	v0 =	vadd.s32 $0x1, v4;
	[tilespmem:s24+$0xFFFFFFF0] =	vst v1  }
0xfd: {  	v0 =	vsel vm9, v2, v0;
	[tilespmem:s20+$0xFFFFFFF0] =	vst v4  }
0xfe: {  	v1 =	vadd.s32 $0xE10, v4;
	[tilespmem:s23+$0xFFFFFFF0] =	vst v0  }
0xff: {  	v0 =	vadd.s32 $0xE10, v0;
	[tilespmem:s17+$0xFFFFFFF0] =	vst v1  }
0x100: {  	[tilespmem:s18+$0xFFFFFFF0] =	vst v0  }
0x101: {  	v0 =	vld [tilespmem:s19+$0x0]  }
0x102: {  	v1 =	vld [tilespmem:s21+$0x0];
	_ =	sdelay $0x3  }
0x103: {  	v0 =	vadd.f32 $9.000000000e+01, v0  }
0x104: {  	v1 =	vadd.f32 $1.800000000e+02, v1  }
0x105: {  	v0 =	vmul.f32 $1.000000000e+01, v0  }
0x106: {  	v1 =	vmul.f32 $1.000000000e+01, v1  }
0x107: {  	v2 =	vtrunc.f32 v0  }
0x108: {  	v3 =	vtrunc.f32 v1;
	v2 =	vcvt.f32.s32 v2  }
0x109: {  	v3 =	vcvt.f32.s32 v3  }
0x10a: {  	vm10 =	vlt.s32 v2, $0x707  }
0x10b: {  	vm11 =	vlt.s32 v3, $0xE0F;
	v2 =	vnsel vm10, $0x707, v2  }
0x10c: {  	v58 =	vnsel vm11, $0xE0F, v3;
	v59 =	vcvt.s32.f32 v2  }
0x10d: {  	v60 =	vcvt.s32.f32 v58  }
0x10e: {  	v2 =	vmul.u32 $0xE10, v2;
	v0 =	vsub.f32 v0, v59  }
0x10f: {  	v1 =	vsub.f32 v1, v60  }
0x110: {  	v4 =	vadd.s32 v58, v2;
	[tilespmem:s22+$0x0] =	vst v0  }
0x111: {  	vm12 =	vgt.s32 v3, $0xE0E;
	v0 =	vadd.s32 $0x1, v4;
	[tilespmem:s24+$0x0] =	vst v1  }
0x112: {  	v0 =	vsel vm12, v2, v0;
	[tilespmem:s20+$0x0] =	vst v4  }
0x113: {  	v1 =	vadd.s32 $0xE10, v4;
	[tilespmem:s23+$0x0] =	vst v0  }
0x114: {  	v0 =	vadd.s32 $0xE10, v0;
	[tilespmem:s17+$0x0] =	vst v1  }
0x115: {  	[tilespmem:s18+$0x0] =	vst v0  }
0x116: {  	v0 =	vld [tilespmem:s19+$0x10]  }
0x117: {  	v1 =	vld [tilespmem:s21+$0x10];
	_ =	sdelay $0x3  }
0x118: {  	v0 =	vadd.f32 $9.000000000e+01, v0  }
0x119: {  	v1 =	vadd.f32 $1.800000000e+02, v1  }
0x11a: {  	v0 =	vmul.f32 $1.000000000e+01, v0  }
0x11b: {  	v1 =	vmul.f32 $1.000000000e+01, v1  }
0x11c: {  	v2 =	vtrunc.f32 v0  }
0x11d: {  	v3 =	vtrunc.f32 v1;
	v2 =	vcvt.f32.s32 v2  }
0x11e: {  	v3 =	vcvt.f32.s32 v3  }
0x11f: {  	vm13 =	vlt.s32 v2, $0x707  }
0x120: {  	vm14 =	vlt.s32 v3, $0xE0F;
	v2 =	vnsel vm13, $0x707, v2  }
0x121: {  	v61 =	vnsel vm14, $0xE0F, v3;
	v62 =	vcvt.s32.f32 v2  }
0x122: {  	v63 =	vcvt.s32.f32 v61  }
0x123: {  	v2 =	vmul.u32 $0xE10, v2;
	v0 =	vsub.f32 v0, v62  }
0x124: {  	v1 =	vsub.f32 v1, v63  }
0x125: {  	v4 =	vadd.s32 v61, v2;
	[tilespmem:s22+$0x10] =	vst v0  }
0x126: {  	vm15 =	vgt.s32 v3, $0xE0E;
	v0 =	vadd.s32 $0x1, v4;
	[tilespmem:s24+$0x10] =	vst v1  }
0x127: {  	s10 =	simm.s32 $0xC060;
	v0 =	vsel vm15, v2, v0;
	[tilespmem:s20+$0x10] =	vst v4  }
0x128: {  	s19 =	simm.s32 $0x0;
	s21 =	simm.s32 $0xD060;
	s22 =	simm.s32 $0xF060;
	v1 =	vadd.s32 $0xE10, v4;
	[tilespmem:s23+$0x10] =	vst v0  }
0x129: {  	s24 =	simm.s32 $0x13060;
	s20 =	simm.s32 $0x12060;
	v0 =	vadd.s32 $0xE10, v0;
	s23 =	simm.s32 $0xE060;
	[tilespmem:s17+$0x10] =	vst v1  }
.LBB2_5:
0x12a: {  	s19 =	sadd.s32 $0x4, s19;
	[tilespmem:s18+$0x10] =	vst v0;
	s18 =	sadd.s32 $0x40, s18;
	s17 =	sadd.s32 $0x40, s17  }
0x12b: {  	v0 =	vld [tilespmem:s10+$0xFFFFFFE0];
	p0 =	slt.u32 s19, $0xFC  }
0x12c: {  	v1 =	vld [tilespmem:s21+$0xFFFFFFE0];
	_ =	sdelay $0x3  }
0x12d: {  	v0 =	vadd.f32 $9.000000000e+01, v0  }
0x12e: {  	v1 =	vadd.f32 $1.800000000e+02, v1  }
0x12f: {  	v0 =	vmul.f32 $1.000000000e+01, v0  }
0x130: {  	v1 =	vmul.f32 $1.000000000e+01, v1  }
0x131: {  	v2 =	vtrunc.f32 v0  }
0x132: {  	v2 =	vcvt.f32.s32 v2;
	v3 =	vtrunc.f32 v1  }
0x133: {  	v3 =	vcvt.f32.s32 v3  }
0x134: {  	vm0 =	vlt.s32 v2, $0x707  }
0x135: {  	v2 =	vnsel vm0, $0x707, v2;
	vm0 =	vlt.s32 v3, $0xE0F  }
0x136: {  	v4 =	vnsel vm0, $0xE0F, v3;
	v5 =	vcvt.s32.f32 v2;
	v2 =	vmul.u32 $0xE10, v2  }
0x137: {  	v6 =	vcvt.s32.f32 v4  }
0x138: {  	v0 =	vsub.f32 v0, v5;
	v4 =	vadd.s32 v4, v2  }
0x139: {  	vm0 =	vgt.s32 v3, $0xE0E;
	v1 =	vsub.f32 v1, v6;
	v3 =	vadd.s32 $0x1, v4  }
0x13a: {  	[tilespmem:s20+$0xFFFFFFE0] =	vst v0;
	v0 =	vsel vm0, v2, v3  }
0x13b: {  	[tilespmem:s24+$0xFFFFFFE0] =	vst v1  }
0x13c: {  	[tilespmem:s23+$0xFFFFFFE0] =	vst v4  }
0x13d: {  	v1 =	vadd.s32 $0xE10, v4;
	[tilespmem:s22+$0xFFFFFFE0] =	vst v0  }
0x13e: {  	v0 =	vadd.s32 $0xE10, v0;
	[tilespmem:s17+$0xFFFFFFE0] =	vst v1  }
0x13f: {  	[tilespmem:s18+$0xFFFFFFE0] =	vst v0  }
0x140: {  	v0 =	vld [tilespmem:s10+$0xFFFFFFF0]  }
0x141: {  	v1 =	vld [tilespmem:s21+$0xFFFFFFF0];
	_ =	sdelay $0x3  }
0x142: {  	v0 =	vadd.f32 $9.000000000e+01, v0  }
0x143: {  	v1 =	vadd.f32 $1.800000000e+02, v1  }
0x144: {  	v0 =	vmul.f32 $1.000000000e+01, v0  }
0x145: {  	v1 =	vmul.f32 $1.000000000e+01, v1  }
0x146: {  	v2 =	vtrunc.f32 v0  }
0x147: {  	v2 =	vcvt.f32.s32 v2;
	v3 =	vtrunc.f32 v1  }
0x148: {  	v3 =	vcvt.f32.s32 v3  }
0x149: {  	vm0 =	vlt.s32 v2, $0x707  }
0x14a: {  	v2 =	vnsel vm0, $0x707, v2;
	vm0 =	vlt.s32 v3, $0xE0F  }
0x14b: {  	v4 =	vnsel vm0, $0xE0F, v3;
	v5 =	vcvt.s32.f32 v2;
	v2 =	vmul.u32 $0xE10, v2  }
0x14c: {  	v6 =	vcvt.s32.f32 v4  }
0x14d: {  	v0 =	vsub.f32 v0, v5;
	v4 =	vadd.s32 v4, v2  }
0x14e: {  	vm0 =	vgt.s32 v3, $0xE0E;
	v1 =	vsub.f32 v1, v6;
	v3 =	vadd.s32 $0x1, v4  }
0x14f: {  	[tilespmem:s20+$0xFFFFFFF0] =	vst v0;
	v0 =	vsel vm0, v2, v3  }
0x150: {  	[tilespmem:s24+$0xFFFFFFF0] =	vst v1  }
0x151: {  	[tilespmem:s23+$0xFFFFFFF0] =	vst v4  }
0x152: {  	v1 =	vadd.s32 $0xE10, v4;
	[tilespmem:s22+$0xFFFFFFF0] =	vst v0  }
0x153: {  	v0 =	vadd.s32 $0xE10, v0;
	[tilespmem:s17+$0xFFFFFFF0] =	vst v1  }
0x154: {  	[tilespmem:s18+$0xFFFFFFF0] =	vst v0  }
0x155: {  	v0 =	vld [tilespmem:s10+$0x0]  }
0x156: {  	v1 =	vld [tilespmem:s21+$0x0];
	_ =	sdelay $0x3  }
0x157: {  	v0 =	vadd.f32 $9.000000000e+01, v0  }
0x158: {  	v1 =	vadd.f32 $1.800000000e+02, v1  }
0x159: {  	v0 =	vmul.f32 $1.000000000e+01, v0  }
0x15a: {  	v1 =	vmul.f32 $1.000000000e+01, v1  }
0x15b: {  	v2 =	vtrunc.f32 v0  }
0x15c: {  	v2 =	vcvt.f32.s32 v2;
	v3 =	vtrunc.f32 v1  }
0x15d: {  	v3 =	vcvt.f32.s32 v3  }
0x15e: {  	vm0 =	vlt.s32 v2, $0x707  }
0x15f: {  	v2 =	vnsel vm0, $0x707, v2;
	vm0 =	vlt.s32 v3, $0xE0F  }
0x160: {  	v4 =	vnsel vm0, $0xE0F, v3;
	v5 =	vcvt.s32.f32 v2;
	v2 =	vmul.u32 $0xE10, v2  }
0x161: {  	v6 =	vcvt.s32.f32 v4  }
0x162: {  	v0 =	vsub.f32 v0, v5;
	v4 =	vadd.s32 v4, v2  }
0x163: {  	vm0 =	vgt.s32 v3, $0xE0E;
	v1 =	vsub.f32 v1, v6;
	v3 =	vadd.s32 $0x1, v4  }
0x164: {  	[tilespmem:s20+$0x0] =	vst v0;
	v0 =	vsel vm0, v2, v3  }
0x165: {  	[tilespmem:s24+$0x0] =	vst v1  }
0x166: {  	[tilespmem:s23+$0x0] =	vst v4  }
0x167: {  	v1 =	vadd.s32 $0xE10, v4;
	[tilespmem:s22+$0x0] =	vst v0  }
0x168: {  	v0 =	vadd.s32 $0xE10, v0;
	[tilespmem:s17+$0x0] =	vst v1  }
0x169: {  	[tilespmem:s18+$0x0] =	vst v0  }
0x16a: {  	v0 =	vld [tilespmem:s10+$0x10]  }
0x16b: {  	v1 =	vld [tilespmem:s21+$0x10];
	_ =	sdelay $0x3  }
0x16c: {  	v0 =	vadd.f32 $9.000000000e+01, v0  }
0x16d: {  	v1 =	vadd.f32 $1.800000000e+02, v1  }
0x16e: {  	v0 =	vmul.f32 $1.000000000e+01, v0  }
0x16f: {  	v1 =	vmul.f32 $1.000000000e+01, v1  }
0x170: {  	v2 =	vtrunc.f32 v0  }
0x171: {  	v2 =	vcvt.f32.s32 v2;
	v3 =	vtrunc.f32 v1  }
0x172: {  	v3 =	vcvt.f32.s32 v3  }
0x173: {  	vm0 =	vlt.s32 v2, $0x707  }
0x174: {  	v2 =	vnsel vm0, $0x707, v2;
	vm0 =	vlt.s32 v3, $0xE0F  }
0x175: {  	v4 =	vnsel vm0, $0xE0F, v3;
	v5 =	vcvt.s32.f32 v2;
	v2 =	vmul.u32 $0xE10, v2  }
0x176: {  	v6 =	vcvt.s32.f32 v4  }
0x177: {  	v0 =	vsub.f32 v0, v5;
	v4 =	vadd.s32 v4, v2  }
0x178: {  	vm0 =	vgt.s32 v3, $0xE0E;
	v1 =	vsub.f32 v1, v6;
	v3 =	vadd.s32 $0x1, v4  }
.Ltmp1:
0x179: {  	[tilespmem:s20+$0x10] =	vst v0;
	v0 =	vsel vm0, v2, v3;
	(pc) =	sbr.rel @p0 .LBB2_5-.Ltmp1, $4  }
0x17a: {  	[tilespmem:s24+$0x10] =	vst v1  }
0x17b: {  	[tilespmem:s23+$0x10] =	vst v4  }
0x17c: {  	s10 =	sadd.s32 $0x40, s10;
	s21 =	sadd.s32 $0x40, s21;
	s20 =	sadd.s32 $0x40, s20;
	v1 =	vadd.s32 $0xE10, v4;
	[tilespmem:s22+$0x10] =	vst v0  }
0x17d: {  	s24 =	sadd.s32 $0x40, s24;
	s23 =	sadd.s32 $0x40, s23;
	v0 =	vadd.s32 $0xE10, v0;
	s22 =	sadd.s32 $0x40, s22;
	[tilespmem:s17+$0x10] =	vst v1  }
0x17e: {  	[tilespmem:s18+$0x10] =	vst v0;
	s10 =	simm.s32 $0xE000  }
0x17f: {  	[tilespmem:s25], [sflag:$0x2] =	stream.indirect.gather [hbm4b:s7+s13], $0x1, s10, s13, $0xb8;
	[tilespmem:$0x19000] =	vst v63  }
0x180: {  	_ = 	snop  }
0x181: {  	[tilespmem:s28], [sflag:$0x2] =	stream.indirect.gather [hbm4b:s7+s13], $0x1, s26, s13, $0xb8;
	[tilespmem:$0x19000] =	vst v63  }
0x182: {  	_ = 	snop  }
0x183: {  	[tilespmem:s30], [sflag:$0x2] =	stream.indirect.gather [hbm4b:s7+s13], $0x1, s29, s13, $0xb8;
	[tilespmem:$0x19000] =	vst v63  }
0x184: {  	_ = 	snop  }
0x185: {  	[tilespmem:s0], [sflag:$0x2] =	stream.indirect.gather [hbm4b:s7+s13], $0x1, s31, s13, $0xb8;
	[tilespmem:$0x19000] =	vst v63  }
0x186: {  	_ =	swait.ge [sflag:s2], $0x1000  }
0x187: {  	[sflag:s2] =	ssyncset.done $0x0  }
0x188: {  	[sflag:s2] =	ssyncadd.s32 $0xFFFFF000  }
0x189: {  	_ =	swait.ge [sflag:s2], $0x1000  }
0x18a: {  	[sflag:s2] =	ssyncset.done $0x0  }
0x18b: {  	[sflag:s2] =	ssyncadd.s32 $0xFFFFF000  }
0x18c: {  	_ =	swait.ge [sflag:s2], $0x1000  }
0x18d: {  	[sflag:s2] =	ssyncset.done $0x0  }
0x18e: {  	[sflag:s2] =	ssyncadd.s32 $0xFFFFF000  }
0x18f: {  	_ =	swait.ge [sflag:s2], $0x1000  }
0x190: {  	[sflag:s2] =	ssyncset.done $0x0  }
0x191: {  	s24 =	simm.s32 $0x7020;
	[sflag:s2] =	ssyncadd.s32 $0xFFFFF000  }
0x192: {  	s19 =	simm.s32 $0x6020;
	v0 =	vld [tilespmem:s24+$0xFFFFFFE0]  }
0x193: {  	v1 =	vld [tilespmem:s19+$0xFFFFFFE0];
	_ =	sdelay $0x1  }
0x194: {  	s20 =	simm.s32 $0x9020  }
0x195: {  	s21 =	simm.s32 $0x8020;
	v2 =	vld [tilespmem:s20+$0xFFFFFFE0]  }
0x196: {  	v3 =	vld [tilespmem:s21+$0xFFFFFFE0]  }
0x197: {  	s22 =	simm.s32 $0xA020;
	v4 =	vsub.f32 $1.000000000e+00, v1;
	v5 =	vsub.f32 $1.000000000e+00, v0  }
0x198: {  	v6 =	vld [tilespmem:s22+$0xFFFFFFE0]  }
0x199: {  	s17 =	simm.s32 $0xB020;
	v7 =	vmul.f32 v5, v4;
	v4 =	vmul.f32 v0, v4  }
0x19a: {  	v8 =	vld [tilespmem:s17+$0xFFFFFFE0];
	v5 =	vmul.f32 v5, v1  }
0x19b: {  	v3 =	vmul.f32 v7, v3;
	v2 =	vmul.f32 v2, v4;
	_ =	sdelay $0x1  }
0x19c: {  	v0 =	vmul.f32 v0, v1;
	v1 =	vadd.f32 v2, v3;
	v2 =	vmul.f32 v6, v5;
	_ =	sdelay $0x1  }
0x19d: {  	v0 =	vmul.f32 v8, v0;
	v1 =	vadd.f32 v2, v1;
	_ =	sdelay $0x1  }
0x19e: {  	v0 =	vadd.f32 v0, v1  }
0x19f: {  	s10 =	simm.s32 $0x18020  }
0x1a0: {  	[tilespmem:s10+$0xFFFFFFE0] =	vst v0  }
0x1a1: {  	v0 =	vld [tilespmem:s24+$0xFFFFFFF0]  }
0x1a2: {  	v1 =	vld [tilespmem:s19+$0xFFFFFFF0];
	_ =	sdelay $0x2  }
0x1a3: {  	v2 =	vld [tilespmem:s20+$0xFFFFFFF0]  }
0x1a4: {  	v3 =	vld [tilespmem:s21+$0xFFFFFFF0]  }
0x1a5: {  	v49 =	vsub.f32 $1.000000000e+00, v1;
	v50 =	vsub.f32 $1.000000000e+00, v0  }
0x1a6: {  	v51 =	vld [tilespmem:s22+$0xFFFFFFF0]  }
0x1a7: {  	v52 =	vmul.f32 v50, v49;
	v4 =	vmul.f32 v0, v49  }
0x1a8: {  	v53 =	vld [tilespmem:s17+$0xFFFFFFF0];
	v5 =	vmul.f32 v50, v1  }
0x1a9: {  	v3 =	vmul.f32 v52, v3;
	v2 =	vmul.f32 v2, v4;
	_ =	sdelay $0x1  }
0x1aa: {  	v0 =	vmul.f32 v0, v1;
	v1 =	vadd.f32 v2, v3;
	v2 =	vmul.f32 v51, v5;
	_ =	sdelay $0x1  }
0x1ab: {  	v0 =	vmul.f32 v53, v0;
	v1 =	vadd.f32 v2, v1;
	_ =	sdelay $0x1  }
0x1ac: {  	v0 =	vadd.f32 v0, v1;
	_ =	sdelay $0x1  }
0x1ad: {  	[tilespmem:s10+$0xFFFFFFF0] =	vst v0  }
0x1ae: {  	v0 =	vld [tilespmem:s19+$0x0]  }
0x1af: {  	v1 =	vld [tilespmem:s24+$0x0];
	_ =	sdelay $0x2  }
0x1b0: {  	v2 =	vld [tilespmem:s20+$0x0]  }
0x1b1: {  	v3 =	vld [tilespmem:s21+$0x0]  }
0x1b2: {  	v54 =	vsub.f32 $1.000000000e+00, v0;
	v55 =	vsub.f32 $1.000000000e+00, v1  }
0x1b3: {  	v56 =	vld [tilespmem:s22+$0x0]  }
0x1b4: {  	v57 =	vmul.f32 v55, v54;
	v4 =	vmul.f32 v1, v54  }
0x1b5: {  	v58 =	vld [tilespmem:s17+$0x0];
	v5 =	vmul.f32 v55, v0  }
0x1b6: {  	v3 =	vmul.f32 v57, v3;
	v2 =	vmul.f32 v2, v4;
	_ =	sdelay $0x1  }
0x1b7: {  	v0 =	vmul.f32 v1, v0;
	v1 =	vadd.f32 v2, v3;
	v2 =	vmul.f32 v56, v5;
	_ =	sdelay $0x1  }
0x1b8: {  	v0 =	vmul.f32 v58, v0;
	v1 =	vadd.f32 v2, v1;
	_ =	sdelay $0x1  }
0x1b9: {  	v0 =	vadd.f32 v0, v1;
	_ =	sdelay $0x1  }
0x1ba: {  	[tilespmem:s10+$0x0] =	vst v0  }
0x1bb: {  	v0 =	vld [tilespmem:s19+$0x10]  }
0x1bc: {  	v1 =	vld [tilespmem:s24+$0x10];
	_ =	sdelay $0x2  }
0x1bd: {  	v2 =	vld [tilespmem:s21+$0x10]  }
0x1be: {  	v3 =	vld [tilespmem:s20+$0x10]  }
0x1bf: {  	v60 =	vsub.f32 $1.000000000e+00, v0;
	v61 =	vsub.f32 $1.000000000e+00, v1  }
0x1c0: {  	v59 =	vld [tilespmem:s22+$0x10]  }
0x1c1: {  	v62 =	vld [tilespmem:s17+$0x10];
	v63 =	vmul.f32 v1, v60;
	v5 =	vmul.f32 v61, v60  }
0x1c2: {  	v1 =	vmul.f32 v1, v0;
	v0 =	vmul.f32 v61, v0  }
0x1c3: {  	v3 =	vmul.f32 v3, v63;
	v2 =	vmul.f32 v5, v2  }
0x1c4: {  	s18 =	simm.s32 $0x0  }
0x1c5: {  	s23 =	simm.s32 $0x9060;
	s19 =	simm.s32 $0x7060;
	s20 =	simm.s32 $0x6060;
	v0 =	vmul.f32 v59, v0;
	v2 =	vadd.f32 v3, v2  }
0x1c6: {  	s21 =	simm.s32 $0xA060;
	s24 =	simm.s32 $0x8060;
	s22 =	simm.s32 $0x18020;
	v1 =	vmul.f32 v62, v1  }
.LBB2_7:
0x1c7: {  	s18 =	sadd.s32 $0x4, s18;
	v0 =	vadd.f32 v0, v2;
	s10 =	sadd.s32 $0x40, s10;
	s17 =	sadd.s32 $0x40, s17  }
0x1c8: {  	p0 =	slt.u32 s18, $0xFC  }
0x1c9: {  	v0 =	vadd.f32 v1, v0;
	_ =	sdelay $0x1  }
0x1ca: {  	[tilespmem:s22+$0x10] =	vst v0;
	s22 =	smov.u32 s10  }
0x1cb: {  	v0 =	vld [tilespmem:s19+$0xFFFFFFE0]  }
0x1cc: {  	v1 =	vld [tilespmem:s20+$0xFFFFFFE0];
	_ =	sdelay $0x2  }
0x1cd: {  	v2 =	vld [tilespmem:s23+$0xFFFFFFE0]  }
0x1ce: {  	v3 =	vld [tilespmem:s24+$0xFFFFFFE0]  }
0x1cf: {  	v5 =	vsub.f32 $1.000000000e+00, v0;
	v4 =	vsub.f32 $1.000000000e+00, v1;
	v6 =	vmul.f32 v0, v1  }
0x1d0: {  	v7 =	vld [tilespmem:s21+$0xFFFFFFE0]  }
0x1d1: {  	v8 =	vmul.f32 v5, v4;
	v0 =	vmul.f32 v0, v4  }
0x1d2: {  	v1 =	vmul.f32 v5, v1;
	v4 =	vld [tilespmem:s17+$0xFFFFFFE0]  }
0x1d3: {  	v3 =	vmul.f32 v8, v3;
	v0 =	vmul.f32 v2, v0;
	_ =	sdelay $0x1  }
0x1d4: {  	v0 =	vadd.f32 v0, v3;
	v1 =	vmul.f32 v7, v1;
	_ =	sdelay $0x1  }
0x1d5: {  	v0 =	vadd.f32 v1, v0;
	v1 =	vmul.f32 v4, v6;
	_ =	sdelay $0x1  }
0x1d6: {  	v0 =	vadd.f32 v1, v0;
	_ =	sdelay $0x1  }
0x1d7: {  	[tilespmem:s10+$0xFFFFFFE0] =	vst v0  }
0x1d8: {  	v0 =	vld [tilespmem:s19+$0xFFFFFFF0]  }
0x1d9: {  	v1 =	vld [tilespmem:s20+$0xFFFFFFF0];
	_ =	sdelay $0x2  }
0x1da: {  	v2 =	vld [tilespmem:s23+$0xFFFFFFF0]  }
0x1db: {  	v3 =	vld [tilespmem:s24+$0xFFFFFFF0]  }
0x1dc: {  	v5 =	vsub.f32 $1.000000000e+00, v0;
	v4 =	vsub.f32 $1.000000000e+00, v1;
	v6 =	vmul.f32 v0, v1  }
0x1dd: {  	v7 =	vld [tilespmem:s21+$0xFFFFFFF0]  }
0x1de: {  	v8 =	vmul.f32 v5, v4;
	v0 =	vmul.f32 v0, v4  }
0x1df: {  	v1 =	vmul.f32 v5, v1;
	v4 =	vld [tilespmem:s17+$0xFFFFFFF0]  }
0x1e0: {  	v3 =	vmul.f32 v8, v3;
	v0 =	vmul.f32 v2, v0;
	_ =	sdelay $0x1  }
0x1e1: {  	v0 =	vadd.f32 v0, v3;
	v1 =	vmul.f32 v7, v1;
	_ =	sdelay $0x1  }
0x1e2: {  	v0 =	vadd.f32 v1, v0;
	v1 =	vmul.f32 v4, v6;
	_ =	sdelay $0x1  }
0x1e3: {  	v0 =	vadd.f32 v1, v0;
	_ =	sdelay $0x1  }
0x1e4: {  	[tilespmem:s10+$0xFFFFFFF0] =	vst v0  }
0x1e5: {  	v0 =	vld [tilespmem:s20+$0x0]  }
0x1e6: {  	v1 =	vld [tilespmem:s19+$0x0];
	_ =	sdelay $0x2  }
0x1e7: {  	v2 =	vld [tilespmem:s23+$0x0]  }
0x1e8: {  	v3 =	vld [tilespmem:s24+$0x0]  }
0x1e9: {  	v4 =	vsub.f32 $1.000000000e+00, v0;
	v5 =	vsub.f32 $1.000000000e+00, v1;
	v6 =	vmul.f32 v1, v0  }
0x1ea: {  	v7 =	vld [tilespmem:s21+$0x0]  }
0x1eb: {  	v1 =	vmul.f32 v1, v4;
	v8 =	vmul.f32 v5, v4  }
0x1ec: {  	v0 =	vmul.f32 v5, v0;
	v4 =	vld [tilespmem:s17+$0x0]  }
0x1ed: {  	v1 =	vmul.f32 v2, v1;
	v3 =	vmul.f32 v8, v3;
	_ =	sdelay $0x1  }
0x1ee: {  	v1 =	vadd.f32 v1, v3;
	v0 =	vmul.f32 v7, v0;
	_ =	sdelay $0x1  }
0x1ef: {  	v0 =	vadd.f32 v0, v1;
	v1 =	vmul.f32 v4, v6;
	_ =	sdelay $0x1  }
0x1f0: {  	v0 =	vadd.f32 v1, v0;
	_ =	sdelay $0x1  }
0x1f1: {  	[tilespmem:s10+$0x0] =	vst v0  }
0x1f2: {  	v0 =	vld [tilespmem:s20+$0x10]  }
0x1f3: {  	v1 =	vld [tilespmem:s19+$0x10]  }
0x1f4: {  	v2 =	vld [tilespmem:s24+$0x10]  }
0x1f5: {  	v3 =	vld [tilespmem:s23+$0x10]  }
0x1f6: {  	v4 =	vld [tilespmem:s21+$0x10]  }
0x1f7: {  	v5 =	vsub.f32 $1.000000000e+00, v0;
	v6 =	vld [tilespmem:s17+$0x10]  }
0x1f8: {  	v7 =	vsub.f32 $1.000000000e+00, v1;
	v8 =	vmul.f32 v1, v0  }
0x1f9: {  	v1 =	vmul.f32 v1, v5  }
0x1fa: {  	v5 =	vmul.f32 v7, v5;
	v0 =	vmul.f32 v7, v0  }
.Ltmp2:
0x1fb: {  	v1 =	vmul.f32 v3, v1;
	(pc) =	sbr.rel @p0 .LBB2_7-.Ltmp2, $4  }
0x1fc: {  	v2 =	vmul.f32 v5, v2  }
0x1fd: {  	v0 =	vmul.f32 v4, v0  }
0x1fe: {  	s20 =	sadd.s32 $0x40, s20;
	s19 =	sadd.s32 $0x40, s19;
	v2 =	vadd.f32 v1, v2  }
0x1ff: {  	s24 =	sadd.s32 $0x40, s24;
	s23 =	sadd.s32 $0x40, s23;
	s21 =	sadd.s32 $0x40, s21;
	v1 =	vmul.f32 v6, v8  }
0x200: {  	v0 =	vadd.f32 v0, v2;
	_ =	sdelay $0x1  }
0x201: {  	v0 =	vadd.f32 v1, v0  }
0x202: {  	p0 =	seq.s32 s11, $0x3  }
.Ltmp3:
0x203: {  	s10 =	sadd.s32 s4, s16;
	[tilespmem:s22+$0x10] =	vst v0;
	(pc) =	sbr.rel @p0 .LBB2_12-.Ltmp3, $4  }
0x204: {  	[hbm4b:s10+s5] =	stream.linear.scatter [tilespmem:s8], [sflag:$0x3], $0x1000, $0x38;
	[tilespmem:$0x19000] =	vst v63  }
0x205: {  	_ =	swait.ge [sflag:s12], $0x1000  }
0x206: {  	[sflag:s12] =	ssyncset.done $0x0  }
0x207: {  	[sflag:s12] =	ssyncadd.s32 $0xFFFFF000  }
0x208: {  	s10 =	rddreg [dreg:$0x7]  }
0x209: {  	s10 =	sadd.s32 s15, s10  }
0x20a: {  	s10 =	sshrl.u32 s10, $0x3  }
0x20b: {  	s23 =	sadd.s32 s1, s10  }
0x20c: {  	[tilespmem:s5], [sflag:$0x3] =	stream.linear.gather [hbm4b:s23+s5], $0x1000, $0x38;
	[tilespmem:$0x19000] =	vst v63  }
0x20d: {  	_ =	swait.ge [sflag:s12], $0x1000  }
0x20e: {  	[sflag:s12] =	ssyncset.done $0x0  }
0x20f: {  	s10 =	sadd.s32 s3, s10;
	[sflag:s12] =	ssyncadd.s32 $0xFFFFF000  }
0x210: {  	[tilespmem:s13], [sflag:$0x3] =	stream.linear.gather [hbm4b:s10+s5], $0x1000, $0x38;
	[tilespmem:$0x19000] =	vst v63  }
0x211: {  	_ =	swait.ge [sflag:s12], $0x1000  }
0x212: {  	[sflag:s12] =	ssyncset.done $0x0  }
0x213: {  	s17 =	simm.s32 $0x20;
	[sflag:s12] =	ssyncadd.s32 $0xFFFFF000  }
0x214: {  	s19 =	simm.s32 $0x1020;
	v0 =	vld [tilespmem:s17+$0xFFFFFFE0]  }
0x215: {  	v1 =	vld [tilespmem:s19+$0xFFFFFFE0];
	_ =	sdelay $0x3  }
0x216: {  	v0 =	vadd.f32 $9.000000000e+01, v0  }
0x217: {  	v1 =	vadd.f32 $1.800000000e+02, v1  }
0x218: {  	v0 =	vmul.f32 $1.000000000e+01, v0  }
0x219: {  	v1 =	vmul.f32 $1.000000000e+01, v1  }
0x21a: {  	v2 =	vtrunc.f32 v0  }
0x21b: {  	v3 =	vtrunc.f32 v1;
	v2 =	vcvt.f32.s32 v2  }
0x21c: {  	v3 =	vcvt.f32.s32 v3  }
0x21d: {  	vm0 =	vlt.s32 v2, $0x707  }
0x21e: {  	vm5 =	vlt.s32 v3, $0xE0F;
	v2 =	vnsel vm0, $0x707, v2  }
0x21f: {  	v4 =	vnsel vm5, $0xE0F, v3;
	v5 =	vcvt.s32.f32 v2  }
0x220: {  	v6 =	vcvt.s32.f32 v4  }
0x221: {  	v2 =	vmul.u32 $0xE10, v2;
	v0 =	vsub.f32 v0, v5  }
0x222: {  	s20 =	simm.s32 $0x6020;
	v1 =	vsub.f32 v1, v6  }
0x223: {  	s24 =	simm.s32 $0x7020;
	v4 =	vadd.s32 v4, v2;
	[tilespmem:s20+$0xFFFFFFE0] =	vst v0  }
0x224: {  	s18 =	simm.s32 $0x2020;
	vm6 =	vgt.s32 v3, $0xE0E;
	v0 =	vadd.s32 $0x1, v4;
	[tilespmem:s24+$0xFFFFFFE0] =	vst v1  }
0x225: {  	s21 =	simm.s32 $0x3020;
	v0 =	vsel vm6, v2, v0;
	[tilespmem:s18+$0xFFFFFFE0] =	vst v4  }
0x226: {  	s15 =	simm.s32 $0x4020;
	v1 =	vadd.s32 $0xE10, v4;
	[tilespmem:s21+$0xFFFFFFE0] =	vst v0  }
0x227: {  	s16 =	simm.s32 $0x5020;
	v0 =	vadd.s32 $0xE10, v0;
	[tilespmem:s15+$0xFFFFFFE0] =	vst v1  }
0x228: {  	[tilespmem:s16+$0xFFFFFFE0] =	vst v0  }
0x229: {  	v0 =	vld [tilespmem:s17+$0xFFFFFFF0]  }
0x22a: {  	v1 =	vld [tilespmem:s19+$0xFFFFFFF0];
	_ =	sdelay $0x3  }
0x22b: {  	v0 =	vadd.f32 $9.000000000e+01, v0  }
0x22c: {  	v1 =	vadd.f32 $1.800000000e+02, v1  }
0x22d: {  	v0 =	vmul.f32 $1.000000000e+01, v0  }
0x22e: {  	v1 =	vmul.f32 $1.000000000e+01, v1  }
0x22f: {  	v2 =	vtrunc.f32 v0  }
0x230: {  	v3 =	vtrunc.f32 v1;
	v2 =	vcvt.f32.s32 v2  }
0x231: {  	v3 =	vcvt.f32.s32 v3  }
0x232: {  	vm7 =	vlt.s32 v2, $0x707  }
0x233: {  	vm8 =	vlt.s32 v3, $0xE0F;
	v2 =	vnsel vm7, $0x707, v2  }
0x234: {  	v55 =	vnsel vm8, $0xE0F, v3;
	v56 =	vcvt.s32.f32 v2  }
0x235: {  	v57 =	vcvt.s32.f32 v55  }
0x236: {  	v2 =	vmul.u32 $0xE10, v2;
	v0 =	vsub.f32 v0, v56  }
0x237: {  	v1 =	vsub.f32 v1, v57  }
0x238: {  	v4 =	vadd.s32 v55, v2;
	[tilespmem:s20+$0xFFFFFFF0] =	vst v0  }
0x239: {  	vm9 =	vgt.s32 v3, $0xE0E;
	v0 =	vadd.s32 $0x1, v4;
	[tilespmem:s24+$0xFFFFFFF0] =	vst v1  }
0x23a: {  	v0 =	vsel vm9, v2, v0;
	[tilespmem:s18+$0xFFFFFFF0] =	vst v4  }
0x23b: {  	v1 =	vadd.s32 $0xE10, v4;
	[tilespmem:s21+$0xFFFFFFF0] =	vst v0  }
0x23c: {  	v0 =	vadd.s32 $0xE10, v0;
	[tilespmem:s15+$0xFFFFFFF0] =	vst v1  }
0x23d: {  	[tilespmem:s16+$0xFFFFFFF0] =	vst v0  }
0x23e: {  	v0 =	vld [tilespmem:s17+$0x0]  }
0x23f: {  	v1 =	vld [tilespmem:s19+$0x0];
	_ =	sdelay $0x3  }
0x240: {  	v0 =	vadd.f32 $9.000000000e+01, v0  }
0x241: {  	v1 =	vadd.f32 $1.800000000e+02, v1  }
0x242: {  	v0 =	vmul.f32 $1.000000000e+01, v0  }
0x243: {  	v1 =	vmul.f32 $1.000000000e+01, v1  }
0x244: {  	v2 =	vtrunc.f32 v0  }
0x245: {  	v3 =	vtrunc.f32 v1;
	v2 =	vcvt.f32.s32 v2  }
0x246: {  	v3 =	vcvt.f32.s32 v3  }
0x247: {  	vm10 =	vlt.s32 v2, $0x707  }
0x248: {  	vm11 =	vlt.s32 v3, $0xE0F;
	v2 =	vnsel vm10, $0x707, v2  }
0x249: {  	v58 =	vnsel vm11, $0xE0F, v3;
	v59 =	vcvt.s32.f32 v2  }
0x24a: {  	v60 =	vcvt.s32.f32 v58  }
0x24b: {  	v2 =	vmul.u32 $0xE10, v2;
	v0 =	vsub.f32 v0, v59  }
0x24c: {  	v1 =	vsub.f32 v1, v60  }
0x24d: {  	v4 =	vadd.s32 v58, v2;
	[tilespmem:s20+$0x0] =	vst v0  }
0x24e: {  	vm12 =	vgt.s32 v3, $0xE0E;
	v0 =	vadd.s32 $0x1, v4;
	[tilespmem:s24+$0x0] =	vst v1  }
0x24f: {  	v0 =	vsel vm12, v2, v0;
	[tilespmem:s18+$0x0] =	vst v4  }
0x250: {  	v1 =	vadd.s32 $0xE10, v4;
	[tilespmem:s21+$0x0] =	vst v0  }
0x251: {  	v0 =	vadd.s32 $0xE10, v0;
	[tilespmem:s15+$0x0] =	vst v1  }
0x252: {  	[tilespmem:s16+$0x0] =	vst v0  }
0x253: {  	v0 =	vld [tilespmem:s17+$0x10]  }
0x254: {  	v1 =	vld [tilespmem:s19+$0x10];
	_ =	sdelay $0x3  }
0x255: {  	v0 =	vadd.f32 $9.000000000e+01, v0  }
0x256: {  	v1 =	vadd.f32 $1.800000000e+02, v1  }
0x257: {  	v0 =	vmul.f32 $1.000000000e+01, v0  }
0x258: {  	v1 =	vmul.f32 $1.000000000e+01, v1  }
0x259: {  	v2 =	vtrunc.f32 v0  }
0x25a: {  	v3 =	vtrunc.f32 v1;
	v2 =	vcvt.f32.s32 v2  }
0x25b: {  	v3 =	vcvt.f32.s32 v3  }
0x25c: {  	vm13 =	vlt.s32 v2, $0x707  }
0x25d: {  	vm14 =	vlt.s32 v3, $0xE0F;
	v2 =	vnsel vm13, $0x707, v2  }
0x25e: {  	v61 =	vnsel vm14, $0xE0F, v3;
	v62 =	vcvt.s32.f32 v2  }
0x25f: {  	v63 =	vcvt.s32.f32 v61  }
0x260: {  	v2 =	vmul.u32 $0xE10, v2;
	v0 =	vsub.f32 v0, v62  }
0x261: {  	v1 =	vsub.f32 v1, v63  }
0x262: {  	v4 =	vadd.s32 v61, v2;
	[tilespmem:s20+$0x10] =	vst v0  }
0x263: {  	vm15 =	vgt.s32 v3, $0xE0E;
	v0 =	vadd.s32 $0x1, v4;
	[tilespmem:s24+$0x10] =	vst v1  }
0x264: {  	s22 =	simm.s32 $0x7060;
	v0 =	vsel vm15, v2, v0;
	[tilespmem:s18+$0x10] =	vst v4  }
0x265: {  	s10 =	simm.s32 $0x60;
	s17 =	simm.s32 $0x0;
	s19 =	simm.s32 $0x1060;
	v1 =	vadd.s32 $0xE10, v4;
	[tilespmem:s21+$0x10] =	vst v0  }
0x266: {  	s20 =	simm.s32 $0x3060;
	s18 =	simm.s32 $0x6060;
	v0 =	vadd.s32 $0xE10, v0;
	s21 =	simm.s32 $0x2060;
	[tilespmem:s15+$0x10] =	vst v1  }
.LBB2_10:
0x267: {  	s17 =	sadd.s32 $0x4, s17;
	[tilespmem:s16+$0x10] =	vst v0;
	s16 =	sadd.s32 $0x40, s16;
	s15 =	sadd.s32 $0x40, s15  }
0x268: {  	v0 =	vld [tilespmem:s10+$0xFFFFFFE0];
	p0 =	slt.u32 s17, $0xFC  }
0x269: {  	v1 =	vld [tilespmem:s19+$0xFFFFFFE0];
	_ =	sdelay $0x3  }
0x26a: {  	v0 =	vadd.f32 $9.000000000e+01, v0  }
0x26b: {  	v1 =	vadd.f32 $1.800000000e+02, v1  }
0x26c: {  	v0 =	vmul.f32 $1.000000000e+01, v0  }
0x26d: {  	v1 =	vmul.f32 $1.000000000e+01, v1  }
0x26e: {  	v2 =	vtrunc.f32 v0  }
0x26f: {  	v2 =	vcvt.f32.s32 v2;
	v3 =	vtrunc.f32 v1  }
0x270: {  	v3 =	vcvt.f32.s32 v3  }
0x271: {  	vm0 =	vlt.s32 v2, $0x707  }
0x272: {  	v2 =	vnsel vm0, $0x707, v2;
	vm0 =	vlt.s32 v3, $0xE0F  }
0x273: {  	v4 =	vnsel vm0, $0xE0F, v3;
	v5 =	vcvt.s32.f32 v2;
	v2 =	vmul.u32 $0xE10, v2  }
0x274: {  	v6 =	vcvt.s32.f32 v4  }
0x275: {  	v0 =	vsub.f32 v0, v5;
	v4 =	vadd.s32 v4, v2  }
0x276: {  	vm0 =	vgt.s32 v3, $0xE0E;
	v1 =	vsub.f32 v1, v6;
	v3 =	vadd.s32 $0x1, v4  }
0x277: {  	[tilespmem:s18+$0xFFFFFFE0] =	vst v0;
	v0 =	vsel vm0, v2, v3  }
0x278: {  	[tilespmem:s22+$0xFFFFFFE0] =	vst v1  }
0x279: {  	[tilespmem:s21+$0xFFFFFFE0] =	vst v4  }
0x27a: {  	v1 =	vadd.s32 $0xE10, v4;
	[tilespmem:s20+$0xFFFFFFE0] =	vst v0  }
0x27b: {  	v0 =	vadd.s32 $0xE10, v0;
	[tilespmem:s15+$0xFFFFFFE0] =	vst v1  }
0x27c: {  	[tilespmem:s16+$0xFFFFFFE0] =	vst v0  }
0x27d: {  	v0 =	vld [tilespmem:s10+$0xFFFFFFF0]  }
0x27e: {  	v1 =	vld [tilespmem:s19+$0xFFFFFFF0];
	_ =	sdelay $0x3  }
0x27f: {  	v0 =	vadd.f32 $9.000000000e+01, v0  }
0x280: {  	v1 =	vadd.f32 $1.800000000e+02, v1  }
0x281: {  	v0 =	vmul.f32 $1.000000000e+01, v0  }
0x282: {  	v1 =	vmul.f32 $1.000000000e+01, v1  }
0x283: {  	v2 =	vtrunc.f32 v0  }
0x284: {  	v2 =	vcvt.f32.s32 v2;
	v3 =	vtrunc.f32 v1  }
0x285: {  	v3 =	vcvt.f32.s32 v3  }
0x286: {  	vm0 =	vlt.s32 v2, $0x707  }
0x287: {  	v2 =	vnsel vm0, $0x707, v2;
	vm0 =	vlt.s32 v3, $0xE0F  }
0x288: {  	v4 =	vnsel vm0, $0xE0F, v3;
	v5 =	vcvt.s32.f32 v2;
	v2 =	vmul.u32 $0xE10, v2  }
0x289: {  	v6 =	vcvt.s32.f32 v4  }
0x28a: {  	v0 =	vsub.f32 v0, v5;
	v4 =	vadd.s32 v4, v2  }
0x28b: {  	vm0 =	vgt.s32 v3, $0xE0E;
	v1 =	vsub.f32 v1, v6;
	v3 =	vadd.s32 $0x1, v4  }
0x28c: {  	[tilespmem:s18+$0xFFFFFFF0] =	vst v0;
	v0 =	vsel vm0, v2, v3  }
0x28d: {  	[tilespmem:s22+$0xFFFFFFF0] =	vst v1  }
0x28e: {  	[tilespmem:s21+$0xFFFFFFF0] =	vst v4  }
0x28f: {  	v1 =	vadd.s32 $0xE10, v4;
	[tilespmem:s20+$0xFFFFFFF0] =	vst v0  }
0x290: {  	v0 =	vadd.s32 $0xE10, v0;
	[tilespmem:s15+$0xFFFFFFF0] =	vst v1  }
0x291: {  	[tilespmem:s16+$0xFFFFFFF0] =	vst v0  }
0x292: {  	v0 =	vld [tilespmem:s10+$0x0]  }
0x293: {  	v1 =	vld [tilespmem:s19+$0x0];
	_ =	sdelay $0x3  }
0x294: {  	v0 =	vadd.f32 $9.000000000e+01, v0  }
0x295: {  	v1 =	vadd.f32 $1.800000000e+02, v1  }
0x296: {  	v0 =	vmul.f32 $1.000000000e+01, v0  }
0x297: {  	v1 =	vmul.f32 $1.000000000e+01, v1  }
0x298: {  	v2 =	vtrunc.f32 v0  }
0x299: {  	v2 =	vcvt.f32.s32 v2;
	v3 =	vtrunc.f32 v1  }
0x29a: {  	v3 =	vcvt.f32.s32 v3  }
0x29b: {  	vm0 =	vlt.s32 v2, $0x707  }
0x29c: {  	v2 =	vnsel vm0, $0x707, v2;
	vm0 =	vlt.s32 v3, $0xE0F  }
0x29d: {  	v4 =	vnsel vm0, $0xE0F, v3;
	v5 =	vcvt.s32.f32 v2;
	v2 =	vmul.u32 $0xE10, v2  }
0x29e: {  	v6 =	vcvt.s32.f32 v4  }
0x29f: {  	v0 =	vsub.f32 v0, v5;
	v4 =	vadd.s32 v4, v2  }
0x2a0: {  	vm0 =	vgt.s32 v3, $0xE0E;
	v1 =	vsub.f32 v1, v6;
	v3 =	vadd.s32 $0x1, v4  }
0x2a1: {  	[tilespmem:s18+$0x0] =	vst v0;
	v0 =	vsel vm0, v2, v3  }
0x2a2: {  	[tilespmem:s22+$0x0] =	vst v1  }
0x2a3: {  	[tilespmem:s21+$0x0] =	vst v4  }
0x2a4: {  	v1 =	vadd.s32 $0xE10, v4;
	[tilespmem:s20+$0x0] =	vst v0  }
0x2a5: {  	v0 =	vadd.s32 $0xE10, v0;
	[tilespmem:s15+$0x0] =	vst v1  }
0x2a6: {  	[tilespmem:s16+$0x0] =	vst v0  }
0x2a7: {  	v0 =	vld [tilespmem:s10+$0x10]  }
0x2a8: {  	v1 =	vld [tilespmem:s19+$0x10];
	_ =	sdelay $0x3  }
0x2a9: {  	v0 =	vadd.f32 $9.000000000e+01, v0  }
0x2aa: {  	v1 =	vadd.f32 $1.800000000e+02, v1  }
0x2ab: {  	v0 =	vmul.f32 $1.000000000e+01, v0  }
0x2ac: {  	v1 =	vmul.f32 $1.000000000e+01, v1  }
0x2ad: {  	v2 =	vtrunc.f32 v0  }
0x2ae: {  	v2 =	vcvt.f32.s32 v2;
	v3 =	vtrunc.f32 v1  }
0x2af: {  	v3 =	vcvt.f32.s32 v3  }
0x2b0: {  	vm0 =	vlt.s32 v2, $0x707  }
0x2b1: {  	v2 =	vnsel vm0, $0x707, v2;
	vm0 =	vlt.s32 v3, $0xE0F  }
0x2b2: {  	v4 =	vnsel vm0, $0xE0F, v3;
	v5 =	vcvt.s32.f32 v2;
	v2 =	vmul.u32 $0xE10, v2  }
0x2b3: {  	v6 =	vcvt.s32.f32 v4  }
0x2b4: {  	v0 =	vsub.f32 v0, v5;
	v4 =	vadd.s32 v4, v2  }
0x2b5: {  	vm0 =	vgt.s32 v3, $0xE0E;
	v1 =	vsub.f32 v1, v6;
	v3 =	vadd.s32 $0x1, v4  }
.Ltmp4:
0x2b6: {  	[tilespmem:s18+$0x10] =	vst v0;
	v0 =	vsel vm0, v2, v3;
	(pc) =	sbr.rel @p0 .LBB2_10-.Ltmp4, $4  }
0x2b7: {  	[tilespmem:s22+$0x10] =	vst v1  }
0x2b8: {  	[tilespmem:s21+$0x10] =	vst v4  }
0x2b9: {  	s10 =	sadd.s32 $0x40, s10;
	s19 =	sadd.s32 $0x40, s19;
	s18 =	sadd.s32 $0x40, s18;
	v1 =	vadd.s32 $0xE10, v4;
	[tilespmem:s20+$0x10] =	vst v0  }
0x2ba: {  	s22 =	sadd.s32 $0x40, s22;
	s21 =	sadd.s32 $0x40, s21;
	v0 =	vadd.s32 $0xE10, v0;
	s20 =	sadd.s32 $0x40, s20;
	[tilespmem:s15+$0x10] =	vst v1  }
0x2bb: {  	[tilespmem:s16+$0x10] =	vst v0;
	s10 =	simm.s32 $0x2000;
	s15 =	simm.s32 $0x8000  }
0x2bc: {  	[tilespmem:s15], [sflag:$0x1] =	stream.indirect.gather [hbm4b:s7+s13], $0x1, s10, s13, $0xb8;
	[tilespmem:$0x19000] =	vst v63  }
0x2bd: {  	s19 =	simm.s32 $0x3000;
	s20 =	simm.s32 $0x9000  }
0x2be: {  	[tilespmem:s20], [sflag:$0x1] =	stream.indirect.gather [hbm4b:s7+s13], $0x1, s19, s13, $0xb8;
	[tilespmem:$0x19000] =	vst v63  }
0x2bf: {  	s21 =	simm.s32 $0x4000;
	s22 =	simm.s32 $0xA000  }
0x2c0: {  	[tilespmem:s22], [sflag:$0x1] =	stream.indirect.gather [hbm4b:s7+s13], $0x1, s21, s13, $0xb8;
	[tilespmem:$0x19000] =	vst v63  }
0x2c1: {  	s23 =	simm.s32 $0x5000;
	s24 =	simm.s32 $0xB000  }
0x2c2: {  	[tilespmem:s24], [sflag:$0x1] =	stream.indirect.gather [hbm4b:s7+s13], $0x1, s23, s13, $0xb8;
	[tilespmem:$0x19000] =	vst v63  }
.LBB2_12:
0x2c3: {  	_ =	swait.ge [sflag:s9], $0x1000  }
0x2c4: {  	[sflag:s9] =	ssyncset.done $0x0  }
0x2c5: {  	[sflag:s9] =	ssyncadd.s32 $0xFFFFF000  }
0x2c6: {  	_ =	swait.ge [sflag:s9], $0x1000  }
0x2c7: {  	[sflag:s9] =	ssyncset.done $0x0  }
0x2c8: {  	[sflag:s9] =	ssyncadd.s32 $0xFFFFF000  }
0x2c9: {  	_ =	swait.ge [sflag:s9], $0x1000  }
0x2ca: {  	[sflag:s9] =	ssyncset.done $0x0  }
0x2cb: {  	[sflag:s9] =	ssyncadd.s32 $0xFFFFF000  }
0x2cc: {  	_ =	swait.ge [sflag:s9], $0x1000  }
0x2cd: {  	[sflag:s9] =	ssyncset.done $0x0  }
0x2ce: {  	s16 =	simm.s32 $0x13020;
	[sflag:s9] =	ssyncadd.s32 $0xFFFFF000  }
0x2cf: {  	s17 =	simm.s32 $0x12020;
	v0 =	vld [tilespmem:s16+$0xFFFFFFE0]  }
0x2d0: {  	v1 =	vld [tilespmem:s17+$0xFFFFFFE0];
	_ =	sdelay $0x1  }
0x2d1: {  	s18 =	simm.s32 $0x15020  }
0x2d2: {  	s19 =	simm.s32 $0x14020;
	v2 =	vld [tilespmem:s18+$0xFFFFFFE0]  }
0x2d3: {  	v3 =	vld [tilespmem:s19+$0xFFFFFFE0]  }
0x2d4: {  	s20 =	simm.s32 $0x16020;
	v4 =	vsub.f32 $1.000000000e+00, v1;
	v5 =	vsub.f32 $1.000000000e+00, v0  }
0x2d5: {  	v6 =	vld [tilespmem:s20+$0xFFFFFFE0]  }
0x2d6: {  	s15 =	simm.s32 $0x17020;
	v7 =	vmul.f32 v5, v4;
	v4 =	vmul.f32 v0, v4  }
0x2d7: {  	v8 =	vld [tilespmem:s15+$0xFFFFFFE0];
	v5 =	vmul.f32 v5, v1  }
0x2d8: {  	v3 =	vmul.f32 v7, v3;
	v2 =	vmul.f32 v2, v4;
	_ =	sdelay $0x1  }
0x2d9: {  	v0 =	vmul.f32 v0, v1;
	v1 =	vadd.f32 v2, v3;
	v2 =	vmul.f32 v6, v5;
	_ =	sdelay $0x1  }
0x2da: {  	v0 =	vmul.f32 v8, v0;
	v1 =	vadd.f32 v2, v1;
	_ =	sdelay $0x1  }
0x2db: {  	v0 =	vadd.f32 v0, v1  }
0x2dc: {  	s10 =	simm.s32 $0x18020  }
0x2dd: {  	[tilespmem:s10+$0xFFFFFFE0] =	vst v0  }
0x2de: {  	v0 =	vld [tilespmem:s16+$0xFFFFFFF0]  }
0x2df: {  	v1 =	vld [tilespmem:s17+$0xFFFFFFF0];
	_ =	sdelay $0x2  }
0x2e0: {  	v2 =	vld [tilespmem:s18+$0xFFFFFFF0]  }
0x2e1: {  	v3 =	vld [tilespmem:s19+$0xFFFFFFF0]  }
0x2e2: {  	v49 =	vsub.f32 $1.000000000e+00, v1;
	v50 =	vsub.f32 $1.000000000e+00, v0  }
0x2e3: {  	v51 =	vld [tilespmem:s20+$0xFFFFFFF0]  }
0x2e4: {  	v52 =	vmul.f32 v50, v49;
	v4 =	vmul.f32 v0, v49  }
0x2e5: {  	v53 =	vld [tilespmem:s15+$0xFFFFFFF0];
	v5 =	vmul.f32 v50, v1  }
0x2e6: {  	v3 =	vmul.f32 v52, v3;
	v2 =	vmul.f32 v2, v4;
	_ =	sdelay $0x1  }
0x2e7: {  	v0 =	vmul.f32 v0, v1;
	v1 =	vadd.f32 v2, v3;
	v2 =	vmul.f32 v51, v5;
	_ =	sdelay $0x1  }
0x2e8: {  	v0 =	vmul.f32 v53, v0;
	v1 =	vadd.f32 v2, v1;
	_ =	sdelay $0x1  }
0x2e9: {  	v0 =	vadd.f32 v0, v1;
	_ =	sdelay $0x1  }
0x2ea: {  	[tilespmem:s10+$0xFFFFFFF0] =	vst v0  }
0x2eb: {  	v0 =	vld [tilespmem:s17+$0x0]  }
0x2ec: {  	v1 =	vld [tilespmem:s16+$0x0];
	_ =	sdelay $0x2  }
0x2ed: {  	v2 =	vld [tilespmem:s18+$0x0]  }
0x2ee: {  	v3 =	vld [tilespmem:s19+$0x0]  }
0x2ef: {  	v54 =	vsub.f32 $1.000000000e+00, v0;
	v55 =	vsub.f32 $1.000000000e+00, v1  }
0x2f0: {  	v56 =	vld [tilespmem:s20+$0x0]  }
0x2f1: {  	v57 =	vmul.f32 v55, v54;
	v4 =	vmul.f32 v1, v54  }
0x2f2: {  	v58 =	vld [tilespmem:s15+$0x0];
	v5 =	vmul.f32 v55, v0  }
0x2f3: {  	v3 =	vmul.f32 v57, v3;
	v2 =	vmul.f32 v2, v4;
	_ =	sdelay $0x1  }
0x2f4: {  	v0 =	vmul.f32 v1, v0;
	v1 =	vadd.f32 v2, v3;
	v2 =	vmul.f32 v56, v5;
	_ =	sdelay $0x1  }
0x2f5: {  	v0 =	vmul.f32 v58, v0;
	v1 =	vadd.f32 v2, v1;
	_ =	sdelay $0x1  }
0x2f6: {  	v0 =	vadd.f32 v0, v1;
	_ =	sdelay $0x1  }
0x2f7: {  	[tilespmem:s10+$0x0] =	vst v0  }
0x2f8: {  	v0 =	vld [tilespmem:s17+$0x10]  }
0x2f9: {  	v1 =	vld [tilespmem:s16+$0x10];
	_ =	sdelay $0x2  }
0x2fa: {  	v2 =	vld [tilespmem:s19+$0x10]  }
0x2fb: {  	v3 =	vld [tilespmem:s18+$0x10]  }
0x2fc: {  	v60 =	vsub.f32 $1.000000000e+00, v0;
	v61 =	vsub.f32 $1.000000000e+00, v1  }
0x2fd: {  	v59 =	vld [tilespmem:s20+$0x10]  }
0x2fe: {  	v62 =	vld [tilespmem:s15+$0x10];
	v63 =	vmul.f32 v1, v60;
	v5 =	vmul.f32 v61, v60  }
0x2ff: {  	v1 =	vmul.f32 v1, v0;
	v0 =	vmul.f32 v61, v0  }
0x300: {  	v3 =	vmul.f32 v3, v63;
	v2 =	vmul.f32 v5, v2  }
0x301: {  	s21 =	simm.s32 $0x15060  }
0x302: {  	s22 =	simm.s32 $0x14060;
	s16 =	simm.s32 $0x0;
	s17 =	simm.s32 $0x13060;
	v0 =	vmul.f32 v59, v0;
	v2 =	vadd.f32 v3, v2  }
0x303: {  	s18 =	simm.s32 $0x12060;
	s19 =	simm.s32 $0x16060;
	s20 =	simm.s32 $0x18020;
	v1 =	vmul.f32 v62, v1  }
.LBB2_13:
0x304: {  	s16 =	sadd.s32 $0x4, s16;
	v0 =	vadd.f32 v0, v2;
	s10 =	sadd.s32 $0x40, s10;
	s15 =	sadd.s32 $0x40, s15  }
0x305: {  	p0 =	slt.u32 s16, $0xFC  }
0x306: {  	v0 =	vadd.f32 v1, v0;
	_ =	sdelay $0x1  }
0x307: {  	[tilespmem:s20+$0x10] =	vst v0;
	s20 =	smov.u32 s10  }
0x308: {  	v0 =	vld [tilespmem:s17+$0xFFFFFFE0]  }
0x309: {  	v1 =	vld [tilespmem:s18+$0xFFFFFFE0];
	_ =	sdelay $0x2  }
0x30a: {  	v2 =	vld [tilespmem:s21+$0xFFFFFFE0]  }
0x30b: {  	v3 =	vld [tilespmem:s22+$0xFFFFFFE0]  }
0x30c: {  	v5 =	vsub.f32 $1.000000000e+00, v0;
	v4 =	vsub.f32 $1.000000000e+00, v1;
	v6 =	vmul.f32 v0, v1  }
0x30d: {  	v7 =	vld [tilespmem:s19+$0xFFFFFFE0]  }
0x30e: {  	v8 =	vmul.f32 v5, v4;
	v0 =	vmul.f32 v0, v4  }
0x30f: {  	v1 =	vmul.f32 v5, v1;
	v4 =	vld [tilespmem:s15+$0xFFFFFFE0]  }
0x310: {  	v3 =	vmul.f32 v8, v3;
	v0 =	vmul.f32 v2, v0;
	_ =	sdelay $0x1  }
0x311: {  	v0 =	vadd.f32 v0, v3;
	v1 =	vmul.f32 v7, v1;
	_ =	sdelay $0x1  }
0x312: {  	v0 =	vadd.f32 v1, v0;
	v1 =	vmul.f32 v4, v6;
	_ =	sdelay $0x1  }
0x313: {  	v0 =	vadd.f32 v1, v0;
	_ =	sdelay $0x1  }
0x314: {  	[tilespmem:s10+$0xFFFFFFE0] =	vst v0  }
0x315: {  	v0 =	vld [tilespmem:s17+$0xFFFFFFF0]  }
0x316: {  	v1 =	vld [tilespmem:s18+$0xFFFFFFF0];
	_ =	sdelay $0x2  }
0x317: {  	v2 =	vld [tilespmem:s21+$0xFFFFFFF0]  }
0x318: {  	v3 =	vld [tilespmem:s22+$0xFFFFFFF0]  }
0x319: {  	v5 =	vsub.f32 $1.000000000e+00, v0;
	v4 =	vsub.f32 $1.000000000e+00, v1;
	v6 =	vmul.f32 v0, v1  }
0x31a: {  	v7 =	vld [tilespmem:s19+$0xFFFFFFF0]  }
0x31b: {  	v8 =	vmul.f32 v5, v4;
	v0 =	vmul.f32 v0, v4  }
0x31c: {  	v1 =	vmul.f32 v5, v1;
	v4 =	vld [tilespmem:s15+$0xFFFFFFF0]  }
0x31d: {  	v3 =	vmul.f32 v8, v3;
	v0 =	vmul.f32 v2, v0;
	_ =	sdelay $0x1  }
0x31e: {  	v0 =	vadd.f32 v0, v3;
	v1 =	vmul.f32 v7, v1;
	_ =	sdelay $0x1  }
0x31f: {  	v0 =	vadd.f32 v1, v0;
	v1 =	vmul.f32 v4, v6;
	_ =	sdelay $0x1  }
0x320: {  	v0 =	vadd.f32 v1, v0;
	_ =	sdelay $0x1  }
0x321: {  	[tilespmem:s10+$0xFFFFFFF0] =	vst v0  }
0x322: {  	v0 =	vld [tilespmem:s18+$0x0]  }
0x323: {  	v1 =	vld [tilespmem:s17+$0x0];
	_ =	sdelay $0x2  }
0x324: {  	v2 =	vld [tilespmem:s21+$0x0]  }
0x325: {  	v3 =	vld [tilespmem:s22+$0x0]  }
0x326: {  	v4 =	vsub.f32 $1.000000000e+00, v0;
	v5 =	vsub.f32 $1.000000000e+00, v1;
	v6 =	vmul.f32 v1, v0  }
0x327: {  	v7 =	vld [tilespmem:s19+$0x0]  }
0x328: {  	v1 =	vmul.f32 v1, v4;
	v8 =	vmul.f32 v5, v4  }
0x329: {  	v0 =	vmul.f32 v5, v0;
	v4 =	vld [tilespmem:s15+$0x0]  }
0x32a: {  	v1 =	vmul.f32 v2, v1;
	v3 =	vmul.f32 v8, v3;
	_ =	sdelay $0x1  }
0x32b: {  	v1 =	vadd.f32 v1, v3;
	v0 =	vmul.f32 v7, v0;
	_ =	sdelay $0x1  }
0x32c: {  	v0 =	vadd.f32 v0, v1;
	v1 =	vmul.f32 v4, v6;
	_ =	sdelay $0x1  }
0x32d: {  	v0 =	vadd.f32 v1, v0;
	_ =	sdelay $0x1  }
0x32e: {  	[tilespmem:s10+$0x0] =	vst v0  }
0x32f: {  	v0 =	vld [tilespmem:s18+$0x10]  }
0x330: {  	v1 =	vld [tilespmem:s17+$0x10]  }
0x331: {  	v2 =	vld [tilespmem:s22+$0x10]  }
0x332: {  	v3 =	vld [tilespmem:s21+$0x10]  }
0x333: {  	v4 =	vld [tilespmem:s19+$0x10]  }
0x334: {  	v5 =	vsub.f32 $1.000000000e+00, v0;
	v6 =	vld [tilespmem:s15+$0x10]  }
0x335: {  	v7 =	vsub.f32 $1.000000000e+00, v1;
	v8 =	vmul.f32 v1, v0  }
0x336: {  	v1 =	vmul.f32 v1, v5  }
0x337: {  	v5 =	vmul.f32 v7, v5;
	v0 =	vmul.f32 v7, v0  }
.Ltmp5:
0x338: {  	v1 =	vmul.f32 v3, v1;
	(pc) =	sbr.rel @p0 .LBB2_13-.Ltmp5, $4  }
0x339: {  	v2 =	vmul.f32 v5, v2  }
0x33a: {  	v0 =	vmul.f32 v4, v0  }
0x33b: {  	s18 =	sadd.s32 $0x40, s18;
	s17 =	sadd.s32 $0x40, s17;
	v2 =	vadd.f32 v1, v2  }
0x33c: {  	s22 =	sadd.s32 $0x40, s22;
	s21 =	sadd.s32 $0x40, s21;
	s19 =	sadd.s32 $0x40, s19;
	v1 =	vmul.f32 v6, v8  }
0x33d: {  	v0 =	vadd.f32 v0, v2;
	_ =	sdelay $0x1  }
0x33e: {  	s11 =	sadd.s32 $0x1, s11;
	v0 =	vadd.f32 v1, v0  }
0x33f: {  	p0 =	sne.s32 s11, $0x4  }
.Ltmp6:
0x340: {  	s10 =	sadd.s32 s4, s14;
	[tilespmem:s20+$0x10] =	vst v0;
	(pc) =	sbr.rel @p0 .LBB2_4-.Ltmp6, $4  }
0x341: {  	[hbm4b:s10+s5] =	stream.linear.scatter [tilespmem:s8], [sflag:$0x3], $0x1000, $0x38;
	[tilespmem:$0x19000] =	vst v63  }
0x342: {  	_ =	swait.ge [sflag:s12], $0x1000  }
0x343: {  	[sflag:s12] =	ssyncset.done $0x0  }
0x344: {  	[sflag:s12] =	ssyncadd.s32 $0xFFFFF000  }
0x345: {  	s11 =	rddreg [dreg:$0x9]  }
0x346: {  	s10 =	rddreg [dreg:$0x8];
	s11 =	sadd.s32 $0x1, s11  }
0x347: {  	p0 =	sne.s32 s11, s10  }
.Ltmp7:
0x348: {  	_ = 	snop;
	(pc) =	sbr.rel @p0 .LBB2_1-.Ltmp7, $1  }
0x349: {  	_ =	sdelay $0x3  }
0x34a: {  	_ =	sfence.sel $0x180000  }
0x34b: {  	[bflag:$0x0] =	sbarrier.arrive $0xFFFF  }
0x34c: {  	_ =	strace $0x90000047  }
0x34d: {  	s0 =	stileid.u32;
	[bflag:$0x2] =	sbarrier.arrive $0xFFFF  }
0x34e: {  	p0 =	sne.s32 s0, $0x0;
	s0 =	rddreg [dreg:$0x4]  }
0x34f: {  	s0 =	sadd.s32 @!p0 $0x100000, s0  }
0x350: {  	[sflag:s0] =	ssyncadd.tile.s32 @!p0 $0x1;
	_ =	shalt  }
.Lfunc_end2:
_tile_overlayer_lowered:
.L_overlay_start_2:
0x351: {  	(tag) =	ssettag $0x2  }
0x352: {  	s0 =	rddreg [dreg:$0x0];
	s2 =	stileid.u32  }
0x353: {  	s1 =	rddreg [dreg:$0x1];
	p0 =	sne.s32 s2, $0x0  }
0x354: {  	s3 =	rddreg [dreg:$0x2];
	[bflag:$0x3] =	sbarrier.arrive $0xFFFF;
	s2 =	simm.s32 @!p0 $0x1C03  }
0x355: {  	[timem:s3], [sflag:s2] =	dma.local @!p0 [hbm:s0], s1  }
0x356: {  	s0 =	simm.s32 @!p0 $0x3  }
0x357: {  	_ =	swait.ge @!p0 [sflag:s0], s1  }
0x358: {  	s1 =	ssub.s32 @!p0 $0x0, s1;
	[sflag:s0] =	ssyncset.done @!p0 $0x0  }
0x359: {  	[sflag:s0] =	ssyncadd.s32 @!p0 s1  }
0x35a: {  	[bflag:$0x3] =	sbarrier.arrive $0xFFFF  }
0x35b: {  	_ =	shalt  }

</sc_bundles>
